<compile_context>
chip_gen: v7x
topology: tpu7x:2x2x1
jax: 0.10.2.dev20260603
libtpu: 0.0.44.dev20260713+nightly
codegen_flags: <defaults>
</compile_context>

<pallas_src>
import functools

import jax
import jax.numpy as jnp
from jax import lax
from jax.experimental import pallas as pl
from jax.experimental.pallas import tpu as pltpu
from jax.experimental.pallas import tpu_sc as plsc

NUM = 20
D = 33
D3 = D * D * D
CSTRIDE = 35944
NPAD = 3 * CSTRIDE
B = 4
H = 512
W = 512
NWORKERS = 32
PART = 8
ROWS_PER_W = H // PART
CROWS = 8
LANES = 16


RBLK = 33


def _combine_body(w_ref, lut_ref, out_ref):
    for b in range(B):
        acc = w_ref[b, 0] * lut_ref[0, 0]
        for n in range(1, NUM):
            acc += w_ref[b, n] * lut_ref[n, 0]
        out_ref[b, 0] = acc


def _combine(weight, luts):
    return pl.pallas_call(
        _combine_body,
        grid=(3, D // RBLK),
        in_specs=[
            pl.BlockSpec(memory_space=pltpu.SMEM),
            pl.BlockSpec((NUM, 1, RBLK, D, D), lambda c, r: (0, c, r, 0, 0)),
        ],
        out_specs=pl.BlockSpec(
            (B, 1, RBLK, D, D), lambda c, r: (0, c, r, 0, 0)),
        out_shape=jax.ShapeDtypeStruct((B, 3, D, D, D), jnp.float32),
    )(weight, luts)


CW = 128
NCOLB = W // CW
NCHUNK = (ROWS_PER_W // CROWS) * NCOLB
NTRIP = NCHUNK // 2


def _sc_body(d3lut_hbm, img_hbm, out_hbm, lut_v, in0, in1, ou0, ou1,
             lsem, isem0, isem1, osem0, osem1):
    cid = lax.axis_index("c")
    sid = lax.axis_index("s")
    wid = sid * 2 + cid
    img_id = wid // PART
    row_base = (wid % PART) * ROWS_PER_W

    def src(c):
        r0 = row_base + (c // NCOLB) * CROWS
        w0 = (c % NCOLB) * CW
        return img_hbm.at[img_id, :, pl.ds(r0, CROWS), pl.ds(w0, CW)]

    def dst(c):
        r0 = row_base + (c // NCOLB) * CROWS
        w0 = (c % NCOLB) * CW
        return out_hbm.at[img_id, :, pl.ds(r0, CROWS), pl.ds(w0, CW)]

    lut_cp = pltpu.async_copy(d3lut_hbm.at[img_id], lut_v, lsem)
    pltpu.async_copy(src(0), in0, isem0)
    lut_cp.wait()

    fmax = jnp.float32(D - 1)
    lut_ch = (lut_v.at[pl.ds(0, CSTRIDE)],
              lut_v.at[pl.ds(CSTRIDE, CSTRIDE)],
              lut_v.at[pl.ds(2 * CSTRIDE, CSTRIDE)])

    def vec_body(in_v, out_v, r, j):
        s = pl.ds(j * LANES, LANES)
        x0 = in_v[0, r, s]
        x1 = in_v[1, r, s]
        x2 = in_v[2, r, s]
        top = jnp.float32(31.999996185302734)
        vr = jnp.minimum(x0 * fmax, top)
        vg = jnp.minimum(x1 * fmax, top)
        vb = jnp.minimum(x2 * fmax, top)
        ri = vr.astype(jnp.int32)
        gi = vg.astype(jnp.int32)
        bi = vb.astype(jnp.int32)
        fr = vr - ri.astype(jnp.float32)
        fg = vg - gi.astype(jnp.float32)
        fb = vb - bi.astype(jnp.float32)

        a0 = ri * (D * D)
        c0 = gi * D
        i00 = a0 + c0
        i01 = i00 + D
        i10 = i00 + D * D
        i11 = i01 + D * D
        idx = (i00 + bi, i10 + bi, i01 + bi, i11 + bi)
        idx1 = (idx[0] + 1, idx[1] + 1, idx[2] + 1, idx[3] + 1)

        wr1, wg1, wb1 = fr, fg, fb
        wr0 = 1.0 - fr
        wg0 = 1.0 - fg
        wb0 = 1.0 - fb
        g0b0 = wg0 * wb0
        g1b0 = wg1 * wb0
        g0b1 = wg0 * wb1
        g1b1 = wg1 * wb1
        w = (
            wr0 * g0b0, wr1 * g0b0, wr0 * g1b0, wr1 * g1b0,
            wr0 * g0b1, wr1 * g0b1, wr0 * g1b1, wr1 * g1b1,
        )

        def interp(ref):
            t = [plsc.load_gather(ref, [idx[k]]) * w[k] for k in range(4)]
            t += [plsc.load_gather(ref, [idx1[k]]) * w[4 + k]
                  for k in range(4)]
            return ((t[0] + t[1]) + (t[2] + t[3])) + (
                (t[4] + t[5]) + (t[6] + t[7]))

        out_v[0, r, s] = interp(lut_ch[0]) + x0
        out_v[1, r, s] = interp(lut_ch[1]) + x1
        out_v[2, r, s] = interp(lut_ch[2]) + x2

    nvec = CW // LANES

    def compute(in_v, out_v):
        @plsc.parallel_loop(0, CROWS * nvec, unroll=2)
        def _(i):
            vec_body(in_v, out_v, i // nvec, i % nvec)

    def trip(t, _):
        c0 = 2 * t
        c1 = 2 * t + 1
        pltpu.async_copy(src(c1), in1, isem1)
        pltpu.make_async_copy(src(c0), in0, isem0).wait()

        @pl.when(t > 0)
        def _():
            pltpu.make_async_copy(ou0, dst(c0 - 2), osem0).wait()

        compute(in0, ou0)
        pltpu.async_copy(ou0, dst(c0), osem0)

        @pl.when(t < NTRIP - 1)
        def _():
            pltpu.async_copy(src(c0 + 2), in0, isem0)

        pltpu.make_async_copy(src(c1), in1, isem1).wait()

        @pl.when(t > 0)
        def _():
            pltpu.make_async_copy(ou1, dst(c1 - 2), osem1).wait()

        compute(in1, ou1)
        pltpu.async_copy(ou1, dst(c1), osem1)
        return 0

    lax.fori_loop(0, NTRIP, trip, 0)
    pltpu.make_async_copy(ou0, dst(NCHUNK - 2), osem0).wait()
    pltpu.make_async_copy(ou1, dst(NCHUNK - 1), osem1).wait()


_sc_trilinear = functools.partial(
    pl.kernel,
    out_type=jax.ShapeDtypeStruct((B, 3, H, W), jnp.float32),
    mesh=plsc.VectorSubcoreMesh(core_axis_name="c", subcore_axis_name="s"),
    compiler_params=pltpu.CompilerParams(
        needs_layout_passes=False, disable_bounds_checks=True),
    scratch_types=[
        pltpu.VMEM((NPAD,), jnp.float32),
        pltpu.VMEM((3, CROWS, CW), jnp.float32),
        pltpu.VMEM((3, CROWS, CW), jnp.float32),
        pltpu.VMEM((3, CROWS, CW), jnp.float32),
        pltpu.VMEM((3, CROWS, CW), jnp.float32),
        pltpu.SemaphoreType.DMA,
        pltpu.SemaphoreType.DMA,
        pltpu.SemaphoreType.DMA,
        pltpu.SemaphoreType.DMA,
        pltpu.SemaphoreType.DMA,
    ],
)(_sc_body)


def kernel(weight, img, LUTs):
    d3lut5 = _combine(weight, LUTs)
    d3lut = jnp.pad(
        d3lut5.reshape(B, 3, D3), ((0, 0), (0, 0), (0, CSTRIDE - D3))
    ).reshape(B, NPAD)
    return _sc_trilinear(d3lut, img)

# --- scband reference (transcript-rebuilt; emitter-appended) ---
"""Pipeline reference for scband-nlutnet-82171314307381 (READ-ONLY COPY).

The authoritative reference and input builder live on the scoring server;
editing this copy changes nothing except your own understanding.
"""

import jax, jax.numpy as jnp
import numpy as np


def _apply_lut_trilinear(lut, x):
    # lut: [B, 3, D, D, D]; x: [B, 3, H, W] in [0, 1]
    B, C, H, W = x.shape
    D = lut.shape[-1]
    v = jnp.transpose(jnp.clip(x, 0.0, 1.0) * (D - 1), (0, 2, 3, 1))  # [B,H,W,3]
    i0 = jnp.floor(v).astype(jnp.int32)
    i1 = jnp.minimum(i0 + 1, D - 1)
    f = v - i0.astype(v.dtype)
    r0, g0, b0 = i0[..., 0], i0[..., 1], i0[..., 2]
    r1, g1, b1 = i1[..., 0], i1[..., 1], i1[..., 2]
    fr, fg, fb = f[..., 0], f[..., 1], f[..., 2]
    b_idx = jnp.arange(B)[:, None, None]  # [B,1,1], broadcasts with [B,H,W]

    def gather(rr, gg, bb):
        # advanced indexing -> [B,H,W,3]; move channels first -> [B,3,H,W]
        out = lut[b_idx, :, rr, gg, bb]
        return jnp.transpose(out, (0, 3, 1, 2))

    c000 = gather(r0, g0, b0)
    c100 = gather(r1, g0, b0)
    c010 = gather(r0, g1, b0)
    c110 = gather(r1, g1, b0)
    c001 = gather(r0, g0, b1)
    c101 = gather(r1, g0, b1)
    c011 = gather(r0, g1, b1)
    c111 = gather(r1, g1, b1)
    w000 = ((1 - fr) * (1 - fg) * (1 - fb))[:, None]
    w100 = (fr * (1 - fg) * (1 - fb))[:, None]
    w010 = ((1 - fr) * fg * (1 - fb))[:, None]
    w110 = (fr * fg * (1 - fb))[:, None]
    w001 = ((1 - fr) * (1 - fg) * fb)[:, None]
    w101 = (fr * (1 - fg) * fb)[:, None]
    w011 = ((1 - fr) * fg * fb)[:, None]
    w111 = (fr * fg * fb)[:, None]
    out = (c000 * w000 + c100 * w100 + c010 * w010 + c110 * w110
           + c001 * w001 + c101 * w101 + c011 * w011 + c111 * w111)
    return out


def setup_inputs(seed: int = 0) -> dict:
    key = jax.random.key(seed)
    k1, k2, k3 = jax.random.split(key, 3)
    num, dim = 20, 33
    B, H, W = 4, 512, 512
    weight = jax.random.normal(k1, (B, num), dtype=jnp.float32) * 0.1
    img = jax.random.uniform(k2, (B, 3, H, W), dtype=jnp.float32)
    # learned basis LUT bank (CLUT mode '--': LUTs parameter [num,3,D,D,D])
    LUTs = jax.random.normal(k3, (num, 3, dim, dim, dim), dtype=jnp.float32) * 0.05
    return {"weight": weight, "img": img, "LUTs": LUTs}


def reference(weight, img, LUTs):
    # CLUT.combine (mode '--'): per-image LUT = weight @ basis LUTs
    num = LUTs.shape[0]
    dim = LUTs.shape[-1]
    D3LUT = (weight @ LUTs.reshape(num, -1)).reshape(-1, 3, dim, dim, dim)
    # trilinear LUT application (the per-pixel gather / embedding-lookup core)
    img_res = _apply_lut_trilinear(D3LUT, img)
    # NLUT-style residual output
    return img_res + img

if __name__ == "__main__":
    import jax
    _d = setup_inputs()
    print(jax.jit(kernel)(*tuple(_d.values())))

</pallas_src>

<mosaic_0001>
#map = affine_map<(d0, d1) -> (0, 0)>
#map1 = affine_map<(d0, d1) -> (0, 0, 0, 0)>
module attributes {stable_mosaic.version = 14 : i64} {
  func.func @_sc_body(%arg0: i32, %arg1: i32, %arg2: memref<4x107832xf32, #tpu.memory_space<hbm>>, %arg3: memref<4x3x512x512xf32, #tpu.memory_space<hbm>>, %arg4: memref<4x3x512x512xf32, #tpu.memory_space<hbm>>, %arg5: memref<107832xf32, #tpu.memory_space<vmem>>, %arg6: memref<3x8x128xf32, #tpu.memory_space<vmem>>, %arg7: memref<3x8x128xf32, #tpu.memory_space<vmem>>, %arg8: memref<3x8x128xf32, #tpu.memory_space<vmem>>, %arg9: memref<3x8x128xf32, #tpu.memory_space<vmem>>, %arg10: memref<!tpu.dma_semaphore, #tpu.memory_space<semaphore_mem>>, %arg11: memref<!tpu.dma_semaphore, #tpu.memory_space<semaphore_mem>>, %arg12: memref<!tpu.dma_semaphore, #tpu.memory_space<semaphore_mem>>, %arg13: memref<!tpu.dma_semaphore, #tpu.memory_space<semaphore_mem>>, %arg14: memref<!tpu.dma_semaphore, #tpu.memory_space<semaphore_mem>>) attributes {dimension_semantics = [#tpu.dimension_semantics<core_parallel>, #tpu.dimension_semantics<subcore_parallel>], iteration_bounds = array<i64: 2, 16>, scalar_prefetch = 0 : i64, scratch_operands = 10 : i64, tpu.core_type = #tpu.core_type<sc_vector_subcore>, window_params = [{transform_indices = #map}, {transform_indices = #map1}, {transform_indices = #map1}]} {
    %mul3A = arith.constant 2 : i32
    %mul3A_0 = arith.muli %arg1, %mul3A : i32
    %add3A = arith.addi %mul3A_0, %arg0 : i32
    %jit3A = arith.constant 8 : i32
    %div3A = arith.divsi %add3A, %jit3A : i32
    %sign3A = arith.constant 0 : i32
    %sign3A_1 = arith.cmpi sgt, %add3A, %sign3A : i32
    %sign3A_2 = arith.extui %sign3A_1 : i1 to i32
    %sign3A_3 = arith.constant 0 : i32
    %sign3A_4 = arith.cmpi slt, %add3A, %sign3A_3 : i32
    %sign3A_5 = arith.extui %sign3A_4 : i1 to i32
    %sign3A_6 = arith.subi %sign3A_2, %sign3A_5 : i32
    %sign3A_7 = arith.constant 0 : i32
    %sign3A_8 = arith.cmpi sgt, %jit3A, %sign3A_7 : i32
    %sign3A_9 = arith.extui %sign3A_8 : i1 to i32
    %sign3A_10 = arith.constant 0 : i32
    %sign3A_11 = arith.cmpi slt, %jit3A, %sign3A_10 : i32
    %sign3A_12 = arith.extui %sign3A_11 : i1 to i32
    %sign3A_13 = arith.subi %sign3A_9, %sign3A_12 : i32
    %ne3A = arith.cmpi ne, %sign3A_6, %sign3A_13 : i32
    %rem3A = arith.remsi %add3A, %jit3A : i32
    %ne3A_14 = arith.constant 0 : i32
    %ne3A_15 = arith.cmpi ne, %rem3A, %ne3A_14 : i32
    %and3A = arith.andi %ne3A, %ne3A_15 : i1
    %sub3A = arith.constant 1 : i32
    %sub3A_16 = arith.subi %div3A, %sub3A : i32
    %select_n3A = arith.select %and3A, %sub3A_16, %div3A : i32
    %jit3A_17 = arith.constant 8 : i32
    %eq3A = arith.constant 0 : i32
    %eq3A_18 = arith.cmpi eq, %jit3A_17, %eq3A : i32
    %jit3A_19 = arith.constant 1 : i32
    %select_n3A_20 = arith.select %eq3A_18, %jit3A_19, %jit3A_17 : i32
    %rem3A_21 = arith.remsi %add3A, %select_n3A_20 : i32
    %ne3A_22 = arith.constant 0 : i32
    %ne3A_23 = arith.cmpi ne, %rem3A_21, %ne3A_22 : i32
    %lt3A = arith.constant 0 : i32
    %lt3A_24 = arith.cmpi slt, %rem3A_21, %lt3A : i32
    %lt3A_25 = arith.constant 0 : i32
    %lt3A_26 = arith.cmpi slt, %select_n3A_20, %lt3A_25 : i32
    %ne3A_27 = arith.xori %lt3A_24, %lt3A_26 : i1
    %and3A_28 = arith.andi %ne3A_27, %ne3A_23 : i1
    %add3A_29 = arith.addi %rem3A_21, %select_n3A_20 : i32
    %select_n3A_30 = arith.select %and3A_28, %add3A_29, %rem3A_21 : i32
    %mul3A_31 = arith.constant 64 : i32
    %mul3A_32 = arith.muli %select_n3A_30, %mul3A_31 : i32
    %dma_start3A = arith.constant 0 : i32
    %dma_start3A_33 = tpu.memref_slice %arg2[%select_n3A, %dma_start3A] : memref<4x107832xf32, #tpu.memory_space<hbm>> -> memref<1x107832xf32, #tpu.memory_space<hbm>>
    %dma_start3A_34 = tpu.memref_squeeze %dma_start3A_33 : memref<1x107832xf32, #tpu.memory_space<hbm>> -> memref<107832xf32, #tpu.memory_space<hbm>>
    %dma_start3A_35 = arith.constant 0 : i32
    %dma_start3A_36 = tpu.memref_slice %arg2[%select_n3A, %dma_start3A_35] : memref<4x107832xf32, #tpu.memory_space<hbm>> -> memref<1x107832xf32, #tpu.memory_space<hbm>>
    %dma_start3A_37 = tpu.memref_squeeze %dma_start3A_36 : memref<1x107832xf32, #tpu.memory_space<hbm>> -> memref<107832xf32, #tpu.memory_space<hbm>>
    tpu.enqueue_dma source(%dma_start3A_37 : memref<107832xf32, #tpu.memory_space<hbm>>) target(%arg5 : memref<107832xf32, #tpu.memory_space<vmem>>) target_semaphore(%arg10 : memref<!tpu.dma_semaphore, #tpu.memory_space<semaphore_mem>>)
    %add3A_38 = arith.constant 0 : i32
    %add3A_39 = arith.addi %mul3A_32, %add3A_38 : i32
    %dma_start3A_40 = arith.constant 0 : i32
    %dma_start3A_41 = arith.constant 0 : i32
    %dma_start3A_42 = tpu.memref_slice %arg3[%select_n3A, %dma_start3A_40, %add3A_39, %dma_start3A_41] : memref<4x3x512x512xf32, #tpu.memory_space<hbm>> -> memref<1x3x8x128xf32, #tpu.memory_space<hbm>>
    %dma_start3A_43 = tpu.memref_squeeze %dma_start3A_42 : memref<1x3x8x128xf32, #tpu.memory_space<hbm>> -> memref<3x8x128xf32, #tpu.memory_space<hbm>>
    %dma_start3A_44 = arith.constant 0 : i32
    %dma_start3A_45 = arith.constant 0 : i32
    %dma_start3A_46 = tpu.memref_slice %arg3[%select_n3A, %dma_start3A_44, %add3A_39, %dma_start3A_45] : memref<4x3x512x512xf32, #tpu.memory_space<hbm>> -> memref<1x3x8x128xf32, #tpu.memory_space<hbm>>
    %dma_start3A_47 = tpu.memref_squeeze %dma_start3A_46 : memref<1x3x8x128xf32, #tpu.memory_space<hbm>> -> memref<3x8x128xf32, #tpu.memory_space<hbm>>
    tpu.enqueue_dma source(%dma_start3A_47 : memref<3x8x128xf32, #tpu.memory_space<hbm>>) target(%arg6 : memref<3x8x128xf32, #tpu.memory_space<vmem>>) target_semaphore(%arg11 : memref<!tpu.dma_semaphore, #tpu.memory_space<semaphore_mem>>)
    %dma_wait3A = arith.constant 0 : i32
    %dma_wait3A_48 = tpu.memref_slice %arg2[%select_n3A, %dma_wait3A] : memref<4x107832xf32, #tpu.memory_space<hbm>> -> memref<1x107832xf32, #tpu.memory_space<hbm>>
    %dma_wait3A_49 = tpu.memref_squeeze %dma_wait3A_48 : memref<1x107832xf32, #tpu.memory_space<hbm>> -> memref<107832xf32, #tpu.memory_space<hbm>>
    %dma_wait3A_50 = arith.constant 0 : i32
    %dma_wait3A_51 = tpu.memref_slice %arg2[%select_n3A, %dma_wait3A_50] : memref<4x107832xf32, #tpu.memory_space<hbm>> -> memref<1x107832xf32, #tpu.memory_space<hbm>>
    %dma_wait3A_52 = tpu.memref_squeeze %dma_wait3A_51 : memref<1x107832xf32, #tpu.memory_space<hbm>> -> memref<107832xf32, #tpu.memory_space<hbm>>
    tpu.wait_dma2 semaphore(%arg10 : memref<!tpu.dma_semaphore, #tpu.memory_space<semaphore_mem>>) src(%dma_wait3A_52 : memref<107832xf32, #tpu.memory_space<hbm>>) dst(%arg5 : memref<107832xf32, #tpu.memory_space<vmem>>)
    %scan3A = arith.constant 3.200000e+01 : f32
    %scan3A_53 = arith.constant 0 : i32
    %scan3A_54 = arith.constant 0 : i32
    %scan3A_55 = arith.constant 16 : i32
    %scan3A_56 = arith.addi %scan3A_54, %scan3A_55 : i32
    %scan3A_57 = arith.constant 1 : i32
    %scan3A_58 = scf.for %scan3A_80 = %scan3A_54 to %scan3A_56 step %scan3A_57 iter_args(%scan3A_81 = %scan3A_53) -> (i32)  : i32 {
      %mul3A_82 = arith.constant 2 : i32
      %mul3A_83 = arith.muli %mul3A_82, %scan3A_80 : i32
      %mul3A_84 = arith.constant 2 : i32
      %mul3A_85 = arith.muli %mul3A_84, %scan3A_80 : i32
      %add3A_86 = arith.constant 1 : i32
      %add3A_87 = arith.addi %mul3A_85, %add3A_86 : i32
      %jit3A_88 = arith.constant 4 : i32
      %div3A_89 = arith.divsi %add3A_87, %jit3A_88 : i32
      %sign3A_90 = arith.constant 0 : i32
      %sign3A_91 = arith.cmpi sgt, %add3A_87, %sign3A_90 : i32
      %sign3A_92 = arith.extui %sign3A_91 : i1 to i32
      %sign3A_93 = arith.constant 0 : i32
      %sign3A_94 = arith.cmpi slt, %add3A_87, %sign3A_93 : i32
      %sign3A_95 = arith.extui %sign3A_94 : i1 to i32
      %sign3A_96 = arith.subi %sign3A_92, %sign3A_95 : i32
      %sign3A_97 = arith.constant 0 : i32
      %sign3A_98 = arith.cmpi sgt, %jit3A_88, %sign3A_97 : i32
      %sign3A_99 = arith.extui %sign3A_98 : i1 to i32
      %sign3A_100 = arith.constant 0 : i32
      %sign3A_101 = arith.cmpi slt, %jit3A_88, %sign3A_100 : i32
      %sign3A_102 = arith.extui %sign3A_101 : i1 to i32
      %sign3A_103 = arith.subi %sign3A_99, %sign3A_102 : i32
      %ne3A_104 = arith.cmpi ne, %sign3A_96, %sign3A_103 : i32
      %rem3A_105 = arith.remsi %add3A_87, %jit3A_88 : i32
      %ne3A_106 = arith.constant 0 : i32
      %ne3A_107 = arith.cmpi ne, %rem3A_105, %ne3A_106 : i32
      %and3A_108 = arith.andi %ne3A_104, %ne3A_107 : i1
      %sub3A_109 = arith.constant 1 : i32
      %sub3A_110 = arith.subi %div3A_89, %sub3A_109 : i32
      %select_n3A_111 = arith.select %and3A_108, %sub3A_110, %div3A_89 : i32
      %mul3A_112 = arith.constant 8 : i32
      %mul3A_113 = arith.muli %select_n3A_111, %mul3A_112 : i32
      %add3A_114 = arith.addi %mul3A_32, %mul3A_113 : i32
      %jit3A_115 = arith.constant 4 : i32
      %eq3A_116 = arith.constant 0 : i32
      %eq3A_117 = arith.cmpi eq, %jit3A_115, %eq3A_116 : i32
      %jit3A_118 = arith.constant 1 : i32
      %select_n3A_119 = arith.select %eq3A_117, %jit3A_118, %jit3A_115 : i32
      %rem3A_120 = arith.remsi %add3A_87, %select_n3A_119 : i32
      %ne3A_121 = arith.constant 0 : i32
      %ne3A_122 = arith.cmpi ne, %rem3A_120, %ne3A_121 : i32
      %lt3A_123 = arith.constant 0 : i32
      %lt3A_124 = arith.cmpi slt, %rem3A_120, %lt3A_123 : i32
      %lt3A_125 = arith.constant 0 : i32
      %lt3A_126 = arith.cmpi slt, %select_n3A_119, %lt3A_125 : i32
      %ne3A_127 = arith.xori %lt3A_124, %lt3A_126 : i1
      %and3A_128 = arith.andi %ne3A_127, %ne3A_122 : i1
      %add3A_129 = arith.addi %rem3A_120, %select_n3A_119 : i32
      %select_n3A_130 = arith.select %and3A_128, %add3A_129, %rem3A_120 : i32
      %mul3A_131 = arith.constant 128 : i32
      %mul3A_132 = arith.muli %select_n3A_130, %mul3A_131 : i32
      %dma_start3A_133 = arith.constant 0 : i32
      %dma_start3A_134 = tpu.memref_slice %arg3[%select_n3A, %dma_start3A_133, %add3A_114, %mul3A_132] : memref<4x3x512x512xf32, #tpu.memory_space<hbm>> -> memref<1x3x8x128xf32, #tpu.memory_space<hbm>>
      %dma_start3A_135 = tpu.memref_squeeze %dma_start3A_134 : memref<1x3x8x128xf32, #tpu.memory_space<hbm>> -> memref<3x8x128xf32, #tpu.memory_space<hbm>>
      %dma_start3A_136 = arith.constant 0 : i32
      %dma_start3A_137 = tpu.memref_slice %arg3[%select_n3A, %dma_start3A_136, %add3A_114, %mul3A_132] : memref<4x3x512x512xf32, #tpu.memory_space<hbm>> -> memref<1x3x8x128xf32, #tpu.memory_space<hbm>>
      %dma_start3A_138 = tpu.memref_squeeze %dma_start3A_137 : memref<1x3x8x128xf32, #tpu.memory_space<hbm>> -> memref<3x8x128xf32, #tpu.memory_space<hbm>>
      tpu.enqueue_dma source(%dma_start3A_138 : memref<3x8x128xf32, #tpu.memory_space<hbm>>) target(%arg7 : memref<3x8x128xf32, #tpu.memory_space<vmem>>) target_semaphore(%arg12 : memref<!tpu.dma_semaphore, #tpu.memory_space<semaphore_mem>>)
      %jit3A_139 = arith.constant 4 : i32
      %div3A_140 = arith.divsi %mul3A_83, %jit3A_139 : i32
      %sign3A_141 = arith.constant 0 : i32
      %sign3A_142 = arith.cmpi sgt, %mul3A_83, %sign3A_141 : i32
      %sign3A_143 = arith.extui %sign3A_142 : i1 to i32
      %sign3A_144 = arith.constant 0 : i32
      %sign3A_145 = arith.cmpi slt, %mul3A_83, %sign3A_144 : i32
      %sign3A_146 = arith.extui %sign3A_145 : i1 to i32
      %sign3A_147 = arith.subi %sign3A_143, %sign3A_146 : i32
      %sign3A_148 = arith.constant 0 : i32
      %sign3A_149 = arith.cmpi sgt, %jit3A_139, %sign3A_148 : i32
      %sign3A_150 = arith.extui %sign3A_149 : i1 to i32
      %sign3A_151 = arith.constant 0 : i32
      %sign3A_152 = arith.cmpi slt, %jit3A_139, %sign3A_151 : i32
      %sign3A_153 = arith.extui %sign3A_152 : i1 to i32
      %sign3A_154 = arith.subi %sign3A_150, %sign3A_153 : i32
      %ne3A_155 = arith.cmpi ne, %sign3A_147, %sign3A_154 : i32
      %rem3A_156 = arith.remsi %mul3A_83, %jit3A_139 : i32
      %ne3A_157 = arith.constant 0 : i32
      %ne3A_158 = arith.cmpi ne, %rem3A_156, %ne3A_157 : i32
      %and3A_159 = arith.andi %ne3A_155, %ne3A_158 : i1
      %sub3A_160 = arith.constant 1 : i32
      %sub3A_161 = arith.subi %div3A_140, %sub3A_160 : i32
      %select_n3A_162 = arith.select %and3A_159, %sub3A_161, %div3A_140 : i32
      %mul3A_163 = arith.constant 8 : i32
      %mul3A_164 = arith.muli %select_n3A_162, %mul3A_163 : i32
      %add3A_165 = arith.addi %mul3A_32, %mul3A_164 : i32
      %jit3A_166 = arith.constant 4 : i32
      %eq3A_167 = arith.constant 0 : i32
      %eq3A_168 = arith.cmpi eq, %jit3A_166, %eq3A_167 : i32
      %jit3A_169 = arith.constant 1 : i32
      %select_n3A_170 = arith.select %eq3A_168, %jit3A_169, %jit3A_166 : i32
      %rem3A_171 = arith.remsi %mul3A_83, %select_n3A_170 : i32
      %ne3A_172 = arith.constant 0 : i32
      %ne3A_173 = arith.cmpi ne, %rem3A_171, %ne3A_172 : i32
      %lt3A_174 = arith.constant 0 : i32
      %lt3A_175 = arith.cmpi slt, %rem3A_171, %lt3A_174 : i32
      %lt3A_176 = arith.constant 0 : i32
      %lt3A_177 = arith.cmpi slt, %select_n3A_170, %lt3A_176 : i32
      %ne3A_178 = arith.xori %lt3A_175, %lt3A_177 : i1
      %and3A_179 = arith.andi %ne3A_178, %ne3A_173 : i1
      %add3A_180 = arith.addi %rem3A_171, %select_n3A_170 : i32
      %select_n3A_181 = arith.select %and3A_179, %add3A_180, %rem3A_171 : i32
      %mul3A_182 = arith.constant 128 : i32
      %mul3A_183 = arith.muli %select_n3A_181, %mul3A_182 : i32
      %dma_wait3A_184 = arith.constant 0 : i32
      %dma_wait3A_185 = tpu.memref_slice %arg3[%select_n3A, %dma_wait3A_184, %add3A_165, %mul3A_183] : memref<4x3x512x512xf32, #tpu.memory_space<hbm>> -> memref<1x3x8x128xf32, #tpu.memory_space<hbm>>
      %dma_wait3A_186 = tpu.memref_squeeze %dma_wait3A_185 : memref<1x3x8x128xf32, #tpu.memory_space<hbm>> -> memref<3x8x128xf32, #tpu.memory_space<hbm>>
      %dma_wait3A_187 = arith.constant 0 : i32
      %dma_wait3A_188 = tpu.memref_slice %arg3[%select_n3A, %dma_wait3A_187, %add3A_165, %mul3A_183] : memref<4x3x512x512xf32, #tpu.memory_space<hbm>> -> memref<1x3x8x128xf32, #tpu.memory_space<hbm>>
      %dma_wait3A_189 = tpu.memref_squeeze %dma_wait3A_188 : memref<1x3x8x128xf32, #tpu.memory_space<hbm>> -> memref<3x8x128xf32, #tpu.memory_space<hbm>>
      tpu.wait_dma2 semaphore(%arg11 : memref<!tpu.dma_semaphore, #tpu.memory_space<semaphore_mem>>) src(%dma_wait3A_189 : memref<3x8x128xf32, #tpu.memory_space<hbm>>) dst(%arg6 : memref<3x8x128xf32, #tpu.memory_space<vmem>>)
      %gt3A = arith.constant 0 : i32
      %gt3A_190 = arith.cmpi sgt, %scan3A_80, %gt3A : i32
      %convert_element_type3A = arith.extui %gt3A_190 : i1 to i32
      %cond3A = arith.constant 0 : i32
      %cond3A_191 = arith.cmpi ne, %convert_element_type3A, %cond3A : i32
      scf.if %cond3A_191 {
        %sub3A_361 = arith.constant 2 : i32
        %sub3A_362 = arith.subi %mul3A_83, %sub3A_361 : i32
        %jit3A_363 = arith.constant 4 : i32
        %div3A_364 = arith.divsi %sub3A_362, %jit3A_363 : i32
        %sign3A_365 = arith.constant 0 : i32
        %sign3A_366 = arith.cmpi sgt, %sub3A_362, %sign3A_365 : i32
        %sign3A_367 = arith.extui %sign3A_366 : i1 to i32
        %sign3A_368 = arith.constant 0 : i32
        %sign3A_369 = arith.cmpi slt, %sub3A_362, %sign3A_368 : i32
        %sign3A_370 = arith.extui %sign3A_369 : i1 to i32
        %sign3A_371 = arith.subi %sign3A_367, %sign3A_370 : i32
        %sign3A_372 = arith.constant 0 : i32
        %sign3A_373 = arith.cmpi sgt, %jit3A_363, %sign3A_372 : i32
        %sign3A_374 = arith.extui %sign3A_373 : i1 to i32
        %sign3A_375 = arith.constant 0 : i32
        %sign3A_376 = arith.cmpi slt, %jit3A_363, %sign3A_375 : i32
        %sign3A_377 = arith.extui %sign3A_376 : i1 to i32
        %sign3A_378 = arith.subi %sign3A_374, %sign3A_377 : i32
        %ne3A_379 = arith.cmpi ne, %sign3A_371, %sign3A_378 : i32
        %rem3A_380 = arith.remsi %sub3A_362, %jit3A_363 : i32
        %ne3A_381 = arith.constant 0 : i32
        %ne3A_382 = arith.cmpi ne, %rem3A_380, %ne3A_381 : i32
        %and3A_383 = arith.andi %ne3A_379, %ne3A_382 : i1
        %sub3A_384 = arith.constant 1 : i32
        %sub3A_385 = arith.subi %div3A_364, %sub3A_384 : i32
        %select_n3A_386 = arith.select %and3A_383, %sub3A_385, %div3A_364 : i32
        %mul3A_387 = arith.constant 8 : i32
        %mul3A_388 = arith.muli %select_n3A_386, %mul3A_387 : i32
        %add3A_389 = arith.addi %mul3A_32, %mul3A_388 : i32
        %jit3A_390 = arith.constant 4 : i32
        %eq3A_391 = arith.constant 0 : i32
        %eq3A_392 = arith.cmpi eq, %jit3A_390, %eq3A_391 : i32
        %jit3A_393 = arith.constant 1 : i32
        %select_n3A_394 = arith.select %eq3A_392, %jit3A_393, %jit3A_390 : i32
        %rem3A_395 = arith.remsi %sub3A_362, %select_n3A_394 : i32
        %ne3A_396 = arith.constant 0 : i32
        %ne3A_397 = arith.cmpi ne, %rem3A_395, %ne3A_396 : i32
        %lt3A_398 = arith.constant 0 : i32
        %lt3A_399 = arith.cmpi slt, %rem3A_395, %lt3A_398 : i32
        %lt3A_400 = arith.constant 0 : i32
        %lt3A_401 = arith.cmpi slt, %select_n3A_394, %lt3A_400 : i32
        %ne3A_402 = arith.xori %lt3A_399, %lt3A_401 : i1
        %and3A_403 = arith.andi %ne3A_402, %ne3A_397 : i1
        %add3A_404 = arith.addi %rem3A_395, %select_n3A_394 : i32
        %select_n3A_405 = arith.select %and3A_403, %add3A_404, %rem3A_395 : i32
        %mul3A_406 = arith.constant 128 : i32
        %mul3A_407 = arith.muli %select_n3A_405, %mul3A_406 : i32
        %dma_wait3A_408 = arith.constant 0 : i32
        %dma_wait3A_409 = tpu.memref_slice %arg4[%select_n3A, %dma_wait3A_408, %add3A_389, %mul3A_407] : memref<4x3x512x512xf32, #tpu.memory_space<hbm>> -> memref<1x3x8x128xf32, #tpu.memory_space<hbm>>
        %dma_wait3A_410 = tpu.memref_squeeze %dma_wait3A_409 : memref<1x3x8x128xf32, #tpu.memory_space<hbm>> -> memref<3x8x128xf32, #tpu.memory_space<hbm>>
        %dma_wait3A_411 = arith.constant 0 : i32
        %dma_wait3A_412 = tpu.memref_slice %arg4[%select_n3A, %dma_wait3A_411, %add3A_389, %mul3A_407] : memref<4x3x512x512xf32, #tpu.memory_space<hbm>> -> memref<1x3x8x128xf32, #tpu.memory_space<hbm>>
        %dma_wait3A_413 = tpu.memref_squeeze %dma_wait3A_412 : memref<1x3x8x128xf32, #tpu.memory_space<hbm>> -> memref<3x8x128xf32, #tpu.memory_space<hbm>>
        tpu.wait_dma2 semaphore(%arg13 : memref<!tpu.dma_semaphore, #tpu.memory_space<semaphore_mem>>) src(%arg8 : memref<3x8x128xf32, #tpu.memory_space<vmem>>) dst(%dma_wait3A_413 : memref<3x8x128xf32, #tpu.memory_space<hbm>>)
      } else {
      }
      %parallel_loop3A = arith.constant 0 : i32
      %parallel_loop3A_192 = arith.constant 64 : i32
      %parallel_loop3A_193 = arith.constant 1 : i32
      scf.for %parallel_loop3A_361 = %parallel_loop3A to %parallel_loop3A_192 step %parallel_loop3A_193  : i32 {
        %parallel_loop3A_362 = arith.constant 8 : i32
        %parallel_loop3A_363 = arith.divsi %parallel_loop3A_361, %parallel_loop3A_362 : i32
        %parallel_loop3A_364 = arith.constant 0 : i32
        %parallel_loop3A_365 = arith.cmpi sgt, %parallel_loop3A_361, %parallel_loop3A_364 : i32
        %parallel_loop3A_366 = arith.extui %parallel_loop3A_365 : i1 to i32
        %parallel_loop3A_367 = arith.constant 0 : i32
        %parallel_loop3A_368 = arith.cmpi slt, %parallel_loop3A_361, %parallel_loop3A_367 : i32
        %parallel_loop3A_369 = arith.extui %parallel_loop3A_368 : i1 to i32
        %parallel_loop3A_370 = arith.subi %parallel_loop3A_366, %parallel_loop3A_369 : i32
        %parallel_loop3A_371 = arith.constant 0 : i32
        %parallel_loop3A_372 = arith.cmpi sgt, %parallel_loop3A_362, %parallel_loop3A_371 : i32
        %parallel_loop3A_373 = arith.extui %parallel_loop3A_372 : i1 to i32
        %parallel_loop3A_374 = arith.constant 0 : i32
        %parallel_loop3A_375 = arith.cmpi slt, %parallel_loop3A_362, %parallel_loop3A_374 : i32
        %parallel_loop3A_376 = arith.extui %parallel_loop3A_375 : i1 to i32
        %parallel_loop3A_377 = arith.subi %parallel_loop3A_373, %parallel_loop3A_376 : i32
        %parallel_loop3A_378 = arith.cmpi ne, %parallel_loop3A_370, %parallel_loop3A_377 : i32
        %parallel_loop3A_379 = arith.remsi %parallel_loop3A_361, %parallel_loop3A_362 : i32
        %parallel_loop3A_380 = arith.constant 0 : i32
        %parallel_loop3A_381 = arith.cmpi ne, %parallel_loop3A_379, %parallel_loop3A_380 : i32
        %parallel_loop3A_382 = arith.andi %parallel_loop3A_378, %parallel_loop3A_381 : i1
        %parallel_loop3A_383 = arith.constant 1 : i32
        %parallel_loop3A_384 = arith.subi %parallel_loop3A_363, %parallel_loop3A_383 : i32
        %parallel_loop3A_385 = arith.select %parallel_loop3A_382, %parallel_loop3A_384, %parallel_loop3A_363 : i32
        %parallel_loop3A_386 = arith.constant 8 : i32
        %parallel_loop3A_387 = arith.constant 0 : i32
        %parallel_loop3A_388 = arith.cmpi eq, %parallel_loop3A_386, %parallel_loop3A_387 : i32
        %parallel_loop3A_389 = arith.constant 1 : i32
        %parallel_loop3A_390 = arith.select %parallel_loop3A_388, %parallel_loop3A_389, %parallel_loop3A_386 : i32
        %parallel_loop3A_391 = arith.remsi %parallel_loop3A_361, %parallel_loop3A_390 : i32
        %parallel_loop3A_392 = arith.constant 0 : i32
        %parallel_loop3A_393 = arith.cmpi ne, %parallel_loop3A_391, %parallel_loop3A_392 : i32
        %parallel_loop3A_394 = arith.constant 0 : i32
        %parallel_loop3A_395 = arith.cmpi slt, %parallel_loop3A_391, %parallel_loop3A_394 : i32
        %parallel_loop3A_396 = arith.constant 0 : i32
        %parallel_loop3A_397 = arith.cmpi slt, %parallel_loop3A_390, %parallel_loop3A_396 : i32
        %parallel_loop3A_398 = arith.xori %parallel_loop3A_395, %parallel_loop3A_397 : i1
        %parallel_loop3A_399 = arith.andi %parallel_loop3A_398, %parallel_loop3A_393 : i1
        %parallel_loop3A_400 = arith.addi %parallel_loop3A_391, %parallel_loop3A_390 : i32
        %parallel_loop3A_401 = arith.select %parallel_loop3A_399, %parallel_loop3A_400, %parallel_loop3A_391 : i32
        %parallel_loop3A_402 = arith.constant 16 : i32
        %parallel_loop3A_403 = arith.muli %parallel_loop3A_401, %parallel_loop3A_402 : i32
        %parallel_loop3A_404 = arith.constant 0 : i32
        %parallel_loop3A_405 = arith.index_cast %parallel_loop3A_404 : i32 to index
        %parallel_loop3A_406 = arith.index_cast %parallel_loop3A_385 : i32 to index
        %parallel_loop3A_407 = arith.index_cast %parallel_loop3A_403 : i32 to index
        %parallel_loop3A_408 = tpu.vector_load %arg6[%parallel_loop3A_405, %parallel_loop3A_406, %parallel_loop3A_407] {strides = array<i32>} : memref<3x8x128xf32, #tpu.memory_space<vmem>>, vector<16xf32>,
        %parallel_loop3A_409 = arith.constant 1 : i32
        %parallel_loop3A_410 = arith.index_cast %parallel_loop3A_409 : i32 to index
        %parallel_loop3A_411 = arith.index_cast %parallel_loop3A_385 : i32 to index
        %parallel_loop3A_412 = arith.index_cast %parallel_loop3A_403 : i32 to index
        %parallel_loop3A_413 = tpu.vector_load %arg6[%parallel_loop3A_410, %parallel_loop3A_411, %parallel_loop3A_412] {strides = array<i32>} : memref<3x8x128xf32, #tpu.memory_space<vmem>>, vector<16xf32>,
        %parallel_loop3A_414 = arith.constant 2 : i32
        %parallel_loop3A_415 = arith.index_cast %parallel_loop3A_414 : i32 to index
        %parallel_loop3A_416 = arith.index_cast %parallel_loop3A_385 : i32 to index
        %parallel_loop3A_417 = arith.index_cast %parallel_loop3A_403 : i32 to index
        %parallel_loop3A_418 = tpu.vector_load %arg6[%parallel_loop3A_415, %parallel_loop3A_416, %parallel_loop3A_417] {strides = array<i32>} : memref<3x8x128xf32, #tpu.memory_space<vmem>>, vector<16xf32>,
        %parallel_loop3A_419 = vector.broadcast %scan3A : f32 to vector<16xf32>
        %parallel_loop3A_420 = arith.mulf %parallel_loop3A_408, %parallel_loop3A_419 : vector<16xf32>
        %parallel_loop3A_421 = arith.constant 31.9999962 : f32
        %parallel_loop3A_422 = vector.broadcast %parallel_loop3A_421 : f32 to vector<16xf32>
        %parallel_loop3A_423 = arith.minimumf %parallel_loop3A_420, %parallel_loop3A_422 : vector<16xf32>
        %parallel_loop3A_424 = vector.broadcast %scan3A : f32 to vector<16xf32>
        %parallel_loop3A_425 = arith.mulf %parallel_loop3A_413, %parallel_loop3A_424 : vector<16xf32>
        %parallel_loop3A_426 = arith.constant 31.9999962 : f32
        %parallel_loop3A_427 = vector.broadcast %parallel_loop3A_426 : f32 to vector<16xf32>
        %parallel_loop3A_428 = arith.minimumf %parallel_loop3A_425, %parallel_loop3A_427 : vector<16xf32>
        %parallel_loop3A_429 = vector.broadcast %scan3A : f32 to vector<16xf32>
        %parallel_loop3A_430 = arith.mulf %parallel_loop3A_418, %parallel_loop3A_429 : vector<16xf32>
        %parallel_loop3A_431 = arith.constant 31.9999962 : f32
        %parallel_loop3A_432 = vector.broadcast %parallel_loop3A_431 : f32 to vector<16xf32>
        %parallel_loop3A_433 = arith.minimumf %parallel_loop3A_430, %parallel_loop3A_432 : vector<16xf32>
        %parallel_loop3A_434 = arith.fptosi %parallel_loop3A_423 : vector<16xf32> to vector<16xi32>
        %parallel_loop3A_435 = arith.fptosi %parallel_loop3A_428 : vector<16xf32> to vector<16xi32>
        %parallel_loop3A_436 = arith.fptosi %parallel_loop3A_433 : vector<16xf32> to vector<16xi32>
        %parallel_loop3A_437 = arith.sitofp %parallel_loop3A_434 : vector<16xi32> to vector<16xf32>
        %parallel_loop3A_438 = arith.subf %parallel_loop3A_423, %parallel_loop3A_437 : vector<16xf32>
        %parallel_loop3A_439 = arith.sitofp %parallel_loop3A_435 : vector<16xi32> to vector<16xf32>
        %parallel_loop3A_440 = arith.subf %parallel_loop3A_428, %parallel_loop3A_439 : vector<16xf32>
        %parallel_loop3A_441 = arith.sitofp %parallel_loop3A_436 : vector<16xi32> to vector<16xf32>
        %parallel_loop3A_442 = arith.subf %parallel_loop3A_433, %parallel_loop3A_441 : vector<16xf32>
        %parallel_loop3A_443 = arith.constant 1089 : i32
        %parallel_loop3A_444 = vector.broadcast %parallel_loop3A_443 : i32 to vector<16xi32>
        %parallel_loop3A_445 = arith.muli %parallel_loop3A_434, %parallel_loop3A_444 : vector<16xi32>
        %parallel_loop3A_446 = arith.constant 33 : i32
        %parallel_loop3A_447 = vector.broadcast %parallel_loop3A_446 : i32 to vector<16xi32>
        %parallel_loop3A_448 = arith.muli %parallel_loop3A_435, %parallel_loop3A_447 : vector<16xi32>
        %parallel_loop3A_449 = arith.addi %parallel_loop3A_445, %parallel_loop3A_448 : vector<16xi32>
        %parallel_loop3A_450 = arith.constant 33 : i32
        %parallel_loop3A_451 = vector.broadcast %parallel_loop3A_450 : i32 to vector<16xi32>
        %parallel_loop3A_452 = arith.addi %parallel_loop3A_449, %parallel_loop3A_451 : vector<16xi32>
        %parallel_loop3A_453 = arith.constant 1089 : i32
        %parallel_loop3A_454 = vector.broadcast %parallel_loop3A_453 : i32 to vector<16xi32>
        %parallel_loop3A_455 = arith.addi %parallel_loop3A_449, %parallel_loop3A_454 : vector<16xi32>
        %parallel_loop3A_456 = arith.constant 1089 : i32
        %parallel_loop3A_457 = vector.broadcast %parallel_loop3A_456 : i32 to vector<16xi32>
        %parallel_loop3A_458 = arith.addi %parallel_loop3A_452, %parallel_loop3A_457 : vector<16xi32>
        %parallel_loop3A_459 = arith.addi %parallel_loop3A_449, %parallel_loop3A_436 : vector<16xi32>
        %parallel_loop3A_460 = arith.addi %parallel_loop3A_455, %parallel_loop3A_436 : vector<16xi32>
        %parallel_loop3A_461 = arith.addi %parallel_loop3A_452, %parallel_loop3A_436 : vector<16xi32>
        %parallel_loop3A_462 = arith.addi %parallel_loop3A_458, %parallel_loop3A_436 : vector<16xi32>
        %parallel_loop3A_463 = arith.constant 1 : i32
        %parallel_loop3A_464 = vector.broadcast %parallel_loop3A_463 : i32 to vector<16xi32>
        %parallel_loop3A_465 = arith.addi %parallel_loop3A_459, %parallel_loop3A_464 : vector<16xi32>
        %parallel_loop3A_466 = arith.constant 1 : i32
        %parallel_loop3A_467 = vector.broadcast %parallel_loop3A_466 : i32 to vector<16xi32>
        %parallel_loop3A_468 = arith.addi %parallel_loop3A_460, %parallel_loop3A_467 : vector<16xi32>
        %parallel_loop3A_469 = arith.constant 1 : i32
        %parallel_loop3A_470 = vector.broadcast %parallel_loop3A_469 : i32 to vector<16xi32>
        %parallel_loop3A_471 = arith.addi %parallel_loop3A_461, %parallel_loop3A_470 : vector<16xi32>
        %parallel_loop3A_472 = arith.constant 1 : i32
        %parallel_loop3A_473 = vector.broadcast %parallel_loop3A_472 : i32 to vector<16xi32>
        %parallel_loop3A_474 = arith.addi %parallel_loop3A_462, %parallel_loop3A_473 : vector<16xi32>
        %parallel_loop3A_475 = arith.constant 1.000000e+00 : f32
        %parallel_loop3A_476 = vector.broadcast %parallel_loop3A_475 : f32 to vector<16xf32>
        %parallel_loop3A_477 = arith.subf %parallel_loop3A_476, %parallel_loop3A_438 : vector<16xf32>
        %parallel_loop3A_478 = arith.constant 1.000000e+00 : f32
        %parallel_loop3A_479 = vector.broadcast %parallel_loop3A_478 : f32 to vector<16xf32>
        %parallel_loop3A_480 = arith.subf %parallel_loop3A_479, %parallel_loop3A_440 : vector<16xf32>
        %parallel_loop3A_481 = arith.constant 1.000000e+00 : f32
        %parallel_loop3A_482 = vector.broadcast %parallel_loop3A_481 : f32 to vector<16xf32>
        %parallel_loop3A_483 = arith.subf %parallel_loop3A_482, %parallel_loop3A_442 : vector<16xf32>
        %parallel_loop3A_484 = arith.mulf %parallel_loop3A_480, %parallel_loop3A_483 : vector<16xf32>
        %parallel_loop3A_485 = arith.mulf %parallel_loop3A_440, %parallel_loop3A_483 : vector<16xf32>
        %parallel_loop3A_486 = arith.mulf %parallel_loop3A_480, %parallel_loop3A_442 : vector<16xf32>
        %parallel_loop3A_487 = arith.mulf %parallel_loop3A_440, %parallel_loop3A_442 : vector<16xf32>
        %parallel_loop3A_488 = arith.mulf %parallel_loop3A_477, %parallel_loop3A_484 : vector<16xf32>
        %parallel_loop3A_489 = arith.mulf %parallel_loop3A_438, %parallel_loop3A_484 : vector<16xf32>
        %parallel_loop3A_490 = arith.mulf %parallel_loop3A_477, %parallel_loop3A_485 : vector<16xf32>
        %parallel_loop3A_491 = arith.mulf %parallel_loop3A_438, %parallel_loop3A_485 : vector<16xf32>
        %parallel_loop3A_492 = arith.mulf %parallel_loop3A_477, %parallel_loop3A_486 : vector<16xf32>
        %parallel_loop3A_493 = arith.mulf %parallel_loop3A_438, %parallel_loop3A_486 : vector<16xf32>
        %parallel_loop3A_494 = arith.mulf %parallel_loop3A_477, %parallel_loop3A_487 : vector<16xf32>
        %parallel_loop3A_495 = arith.mulf %parallel_loop3A_438, %parallel_loop3A_487 : vector<16xf32>
        %parallel_loop3A_496 = arith.constant 0 : i32
        %parallel_loop3A_497 = tpu.memref_slice %arg5[%parallel_loop3A_496] : memref<107832xf32, #tpu.memory_space<vmem>> -> memref<35944xf32, #tpu.memory_space<vmem>>
        %parallel_loop3A_498 = tpu.vector_load_idx %parallel_loop3A_497[%parallel_loop3A_459] : memref<35944xf32, #tpu.memory_space<vmem>>[vector<16xi32>], vector<16xf32>,
        %parallel_loop3A_499 = arith.mulf %parallel_loop3A_498, %parallel_loop3A_488 : vector<16xf32>
        %parallel_loop3A_500 = arith.constant 0 : i32
        %parallel_loop3A_501 = tpu.memref_slice %arg5[%parallel_loop3A_500] : memref<107832xf32, #tpu.memory_space<vmem>> -> memref<35944xf32, #tpu.memory_space<vmem>>
        %parallel_loop3A_502 = tpu.vector_load_idx %parallel_loop3A_501[%parallel_loop3A_460] : memref<35944xf32, #tpu.memory_space<vmem>>[vector<16xi32>], vector<16xf32>,
        %parallel_loop3A_503 = arith.mulf %parallel_loop3A_502, %parallel_loop3A_489 : vector<16xf32>
        %parallel_loop3A_504 = arith.constant 0 : i32
        %parallel_loop3A_505 = tpu.memref_slice %arg5[%parallel_loop3A_504] : memref<107832xf32, #tpu.memory_space<vmem>> -> memref<35944xf32, #tpu.memory_space<vmem>>
        %parallel_loop3A_506 = tpu.vector_load_idx %parallel_loop3A_505[%parallel_loop3A_461] : memref<35944xf32, #tpu.memory_space<vmem>>[vector<16xi32>], vector<16xf32>,
        %parallel_loop3A_507 = arith.mulf %parallel_loop3A_506, %parallel_loop3A_490 : vector<16xf32>
        %parallel_loop3A_508 = arith.constant 0 : i32
        %parallel_loop3A_509 = tpu.memref_slice %arg5[%parallel_loop3A_508] : memref<107832xf32, #tpu.memory_space<vmem>> -> memref<35944xf32, #tpu.memory_space<vmem>>
        %parallel_loop3A_510 = tpu.vector_load_idx %parallel_loop3A_509[%parallel_loop3A_462] : memref<35944xf32, #tpu.memory_space<vmem>>[vector<16xi32>], vector<16xf32>,
        %parallel_loop3A_511 = arith.mulf %parallel_loop3A_510, %parallel_loop3A_491 : vector<16xf32>
        %parallel_loop3A_512 = arith.constant 0 : i32
        %parallel_loop3A_513 = tpu.memref_slice %arg5[%parallel_loop3A_512] : memref<107832xf32, #tpu.memory_space<vmem>> -> memref<35944xf32, #tpu.memory_space<vmem>>
        %parallel_loop3A_514 = tpu.vector_load_idx %parallel_loop3A_513[%parallel_loop3A_465] : memref<35944xf32, #tpu.memory_space<vmem>>[vector<16xi32>], vector<16xf32>,
        %parallel_loop3A_515 = arith.mulf %parallel_loop3A_514, %parallel_loop3A_492 : vector<16xf32>
        %parallel_loop3A_516 = arith.constant 0 : i32
        %parallel_loop3A_517 = tpu.memref_slice %arg5[%parallel_loop3A_516] : memref<107832xf32, #tpu.memory_space<vmem>> -> memref<35944xf32, #tpu.memory_space<vmem>>
        %parallel_loop3A_518 = tpu.vector_load_idx %parallel_loop3A_517[%parallel_loop3A_468] : memref<35944xf32, #tpu.memory_space<vmem>>[vector<16xi32>], vector<16xf32>,
        %parallel_loop3A_519 = arith.mulf %parallel_loop3A_518, %parallel_loop3A_493 : vector<16xf32>
        %parallel_loop3A_520 = arith.constant 0 : i32
        %parallel_loop3A_521 = tpu.memref_slice %arg5[%parallel_loop3A_520] : memref<107832xf32, #tpu.memory_space<vmem>> -> memref<35944xf32, #tpu.memory_space<vmem>>
        %parallel_loop3A_522 = tpu.vector_load_idx %parallel_loop3A_521[%parallel_loop3A_471] : memref<35944xf32, #tpu.memory_space<vmem>>[vector<16xi32>], vector<16xf32>,
        %parallel_loop3A_523 = arith.mulf %parallel_loop3A_522, %parallel_loop3A_494 : vector<16xf32>
        %parallel_loop3A_524 = arith.constant 0 : i32
        %parallel_loop3A_525 = tpu.memref_slice %arg5[%parallel_loop3A_524] : memref<107832xf32, #tpu.memory_space<vmem>> -> memref<35944xf32, #tpu.memory_space<vmem>>
        %parallel_loop3A_526 = tpu.vector_load_idx %parallel_loop3A_525[%parallel_loop3A_474] : memref<35944xf32, #tpu.memory_space<vmem>>[vector<16xi32>], vector<16xf32>,
        %parallel_loop3A_527 = arith.mulf %parallel_loop3A_526, %parallel_loop3A_495 : vector<16xf32>
        %parallel_loop3A_528 = arith.addf %parallel_loop3A_499, %parallel_loop3A_503 : vector<16xf32>
        %parallel_loop3A_529 = arith.addf %parallel_loop3A_507, %parallel_loop3A_511 : vector<16xf32>
        %parallel_loop3A_530 = arith.addf %parallel_loop3A_528, %parallel_loop3A_529 : vector<16xf32>
        %parallel_loop3A_531 = arith.addf %parallel_loop3A_515, %parallel_loop3A_519 : vector<16xf32>
        %parallel_loop3A_532 = arith.addf %parallel_loop3A_523, %parallel_loop3A_527 : vector<16xf32>
        %parallel_loop3A_533 = arith.addf %parallel_loop3A_531, %parallel_loop3A_532 : vector<16xf32>
        %parallel_loop3A_534 = arith.addf %parallel_loop3A_530, %parallel_loop3A_533 : vector<16xf32>
        %parallel_loop3A_535 = arith.addf %parallel_loop3A_534, %parallel_loop3A_408 : vector<16xf32>
        %parallel_loop3A_536 = arith.constant 0 : i32
        %parallel_loop3A_537 = arith.index_cast %parallel_loop3A_536 : i32 to index
        %parallel_loop3A_538 = arith.index_cast %parallel_loop3A_385 : i32 to index
        %parallel_loop3A_539 = arith.index_cast %parallel_loop3A_403 : i32 to index
        %parallel_loop3A_540 = tpu.vector_load %arg8[%parallel_loop3A_537, %parallel_loop3A_538, %parallel_loop3A_539] {strides = array<i32>} : memref<3x8x128xf32, #tpu.memory_space<vmem>>, vector<16xf32>,
        tpu.vector_store %arg8[%parallel_loop3A_537, %parallel_loop3A_538, %parallel_loop3A_539], %parallel_loop3A_535 {strides = array<i32>} : memref<3x8x128xf32, #tpu.memory_space<vmem>>, vector<16xf32>,
        %parallel_loop3A_541 = arith.constant 35944 : i32
        %parallel_loop3A_542 = tpu.memref_slice %arg5[%parallel_loop3A_541] : memref<107832xf32, #tpu.memory_space<vmem>> -> memref<35944xf32, #tpu.memory_space<vmem>>
        %parallel_loop3A_543 = tpu.vector_load_idx %parallel_loop3A_542[%parallel_loop3A_459] : memref<35944xf32, #tpu.memory_space<vmem>>[vector<16xi32>], vector<16xf32>,
        %parallel_loop3A_544 = arith.mulf %parallel_loop3A_543, %parallel_loop3A_488 : vector<16xf32>
        %parallel_loop3A_545 = arith.constant 35944 : i32
        %parallel_loop3A_546 = tpu.memref_slice %arg5[%parallel_loop3A_545] : memref<107832xf32, #tpu.memory_space<vmem>> -> memref<35944xf32, #tpu.memory_space<vmem>>
        %parallel_loop3A_547 = tpu.vector_load_idx %parallel_loop3A_546[%parallel_loop3A_460] : memref<35944xf32, #tpu.memory_space<vmem>>[vector<16xi32>], vector<16xf32>,
        %parallel_loop3A_548 = arith.mulf %parallel_loop3A_547, %parallel_loop3A_489 : vector<16xf32>
        %parallel_loop3A_549 = arith.constant 35944 : i32
        %parallel_loop3A_550 = tpu.memref_slice %arg5[%parallel_loop3A_549] : memref<107832xf32, #tpu.memory_space<vmem>> -> memref<35944xf32, #tpu.memory_space<vmem>>
        %parallel_loop3A_551 = tpu.vector_load_idx %parallel_loop3A_550[%parallel_loop3A_461] : memref<35944xf32, #tpu.memory_space<vmem>>[vector<16xi32>], vector<16xf32>,
        %parallel_loop3A_552 = arith.mulf %parallel_loop3A_551, %parallel_loop3A_490 : vector<16xf32>
        %parallel_loop3A_553 = arith.constant 35944 : i32
        %parallel_loop3A_554 = tpu.memref_slice %arg5[%parallel_loop3A_553] : memref<107832xf32, #tpu.memory_space<vmem>> -> memref<35944xf32, #tpu.memory_space<vmem>>
        %parallel_loop3A_555 = tpu.vector_load_idx %parallel_loop3A_554[%parallel_loop3A_462] : memref<35944xf32, #tpu.memory_space<vmem>>[vector<16xi32>], vector<16xf32>,
        %parallel_loop3A_556 = arith.mulf %parallel_loop3A_555, %parallel_loop3A_491 : vector<16xf32>
        %parallel_loop3A_557 = arith.constant 35944 : i32
        %parallel_loop3A_558 = tpu.memref_slice %arg5[%parallel_loop3A_557] : memref<107832xf32, #tpu.memory_space<vmem>> -> memref<35944xf32, #tpu.memory_space<vmem>>
        %parallel_loop3A_559 = tpu.vector_load_idx %parallel_loop3A_558[%parallel_loop3A_465] : memref<35944xf32, #tpu.memory_space<vmem>>[vector<16xi32>], vector<16xf32>,
        %parallel_loop3A_560 = arith.mulf %parallel_loop3A_559, %parallel_loop3A_492 : vector<16xf32>
        %parallel_loop3A_561 = arith.constant 35944 : i32
        %parallel_loop3A_562 = tpu.memref_slice %arg5[%parallel_loop3A_561] : memref<107832xf32, #tpu.memory_space<vmem>> -> memref<35944xf32, #tpu.memory_space<vmem>>
        %parallel_loop3A_563 = tpu.vector_load_idx %parallel_loop3A_562[%parallel_loop3A_468] : memref<35944xf32, #tpu.memory_space<vmem>>[vector<16xi32>], vector<16xf32>,
        %parallel_loop3A_564 = arith.mulf %parallel_loop3A_563, %parallel_loop3A_493 : vector<16xf32>
        %parallel_loop3A_565 = arith.constant 35944 : i32
        %parallel_loop3A_566 = tpu.memref_slice %arg5[%parallel_loop3A_565] : memref<107832xf32, #tpu.memory_space<vmem>> -> memref<35944xf32, #tpu.memory_space<vmem>>
        %parallel_loop3A_567 = tpu.vector_load_idx %parallel_loop3A_566[%parallel_loop3A_471] : memref<35944xf32, #tpu.memory_space<vmem>>[vector<16xi32>], vector<16xf32>,
        %parallel_loop3A_568 = arith.mulf %parallel_loop3A_567, %parallel_loop3A_494 : vector<16xf32>
        %parallel_loop3A_569 = arith.constant 35944 : i32
        %parallel_loop3A_570 = tpu.memref_slice %arg5[%parallel_loop3A_569] : memref<107832xf32, #tpu.memory_space<vmem>> -> memref<35944xf32, #tpu.memory_space<vmem>>
        %parallel_loop3A_571 = tpu.vector_load_idx %parallel_loop3A_570[%parallel_loop3A_474] : memref<35944xf32, #tpu.memory_space<vmem>>[vector<16xi32>], vector<16xf32>,
        %parallel_loop3A_572 = arith.mulf %parallel_loop3A_571, %parallel_loop3A_495 : vector<16xf32>
        %parallel_loop3A_573 = arith.addf %parallel_loop3A_544, %parallel_loop3A_548 : vector<16xf32>
        %parallel_loop3A_574 = arith.addf %parallel_loop3A_552, %parallel_loop3A_556 : vector<16xf32>
        %parallel_loop3A_575 = arith.addf %parallel_loop3A_573, %parallel_loop3A_574 : vector<16xf32>
        %parallel_loop3A_576 = arith.addf %parallel_loop3A_560, %parallel_loop3A_564 : vector<16xf32>
        %parallel_loop3A_577 = arith.addf %parallel_loop3A_568, %parallel_loop3A_572 : vector<16xf32>
        %parallel_loop3A_578 = arith.addf %parallel_loop3A_576, %parallel_loop3A_577 : vector<16xf32>
        %parallel_loop3A_579 = arith.addf %parallel_loop3A_575, %parallel_loop3A_578 : vector<16xf32>
        %parallel_loop3A_580 = arith.addf %parallel_loop3A_579, %parallel_loop3A_413 : vector<16xf32>
        %parallel_loop3A_581 = arith.constant 1 : i32
        %parallel_loop3A_582 = arith.index_cast %parallel_loop3A_581 : i32 to index
        %parallel_loop3A_583 = arith.index_cast %parallel_loop3A_385 : i32 to index
        %parallel_loop3A_584 = arith.index_cast %parallel_loop3A_403 : i32 to index
        %parallel_loop3A_585 = tpu.vector_load %arg8[%parallel_loop3A_582, %parallel_loop3A_583, %parallel_loop3A_584] {strides = array<i32>} : memref<3x8x128xf32, #tpu.memory_space<vmem>>, vector<16xf32>,
        tpu.vector_store %arg8[%parallel_loop3A_582, %parallel_loop3A_583, %parallel_loop3A_584], %parallel_loop3A_580 {strides = array<i32>} : memref<3x8x128xf32, #tpu.memory_space<vmem>>, vector<16xf32>,
        %parallel_loop3A_586 = arith.constant 71888 : i32
        %parallel_loop3A_587 = tpu.memref_slice %arg5[%parallel_loop3A_586] : memref<107832xf32, #tpu.memory_space<vmem>> -> memref<35944xf32, #tpu.memory_space<vmem>>
        %parallel_loop3A_588 = tpu.vector_load_idx %parallel_loop3A_587[%parallel_loop3A_459] : memref<35944xf32, #tpu.memory_space<vmem>>[vector<16xi32>], vector<16xf32>,
        %parallel_loop3A_589 = arith.mulf %parallel_loop3A_588, %parallel_loop3A_488 : vector<16xf32>
        %parallel_loop3A_590 = arith.constant 71888 : i32
        %parallel_loop3A_591 = tpu.memref_slice %arg5[%parallel_loop3A_590] : memref<107832xf32, #tpu.memory_space<vmem>> -> memref<35944xf32, #tpu.memory_space<vmem>>
        %parallel_loop3A_592 = tpu.vector_load_idx %parallel_loop3A_591[%parallel_loop3A_460] : memref<35944xf32, #tpu.memory_space<vmem>>[vector<16xi32>], vector<16xf32>,
        %parallel_loop3A_593 = arith.mulf %parallel_loop3A_592, %parallel_loop3A_489 : vector<16xf32>
        %parallel_loop3A_594 = arith.constant 71888 : i32
        %parallel_loop3A_595 = tpu.memref_slice %arg5[%parallel_loop3A_594] : memref<107832xf32, #tpu.memory_space<vmem>> -> memref<35944xf32, #tpu.memory_space<vmem>>
        %parallel_loop3A_596 = tpu.vector_load_idx %parallel_loop3A_595[%parallel_loop3A_461] : memref<35944xf32, #tpu.memory_space<vmem>>[vector<16xi32>], vector<16xf32>,
        %parallel_loop3A_597 = arith.mulf %parallel_loop3A_596, %parallel_loop3A_490 : vector<16xf32>
        %parallel_loop3A_598 = arith.constant 71888 : i32
        %parallel_loop3A_599 = tpu.memref_slice %arg5[%parallel_loop3A_598] : memref<107832xf32, #tpu.memory_space<vmem>> -> memref<35944xf32, #tpu.memory_space<vmem>>
        %parallel_loop3A_600 = tpu.vector_load_idx %parallel_loop3A_599[%parallel_loop3A_462] : memref<35944xf32, #tpu.memory_space<vmem>>[vector<16xi32>], vector<16xf32>,
        %parallel_loop3A_601 = arith.mulf %parallel_loop3A_600, %parallel_loop3A_491 : vector<16xf32>
        %parallel_loop3A_602 = arith.constant 71888 : i32
        %parallel_loop3A_603 = tpu.memref_slice %arg5[%parallel_loop3A_602] : memref<107832xf32, #tpu.memory_space<vmem>> -> memref<35944xf32, #tpu.memory_space<vmem>>
        %parallel_loop3A_604 = tpu.vector_load_idx %parallel_loop3A_603[%parallel_loop3A_465] : memref<35944xf32, #tpu.memory_space<vmem>>[vector<16xi32>], vector<16xf32>,
        %parallel_loop3A_605 = arith.mulf %parallel_loop3A_604, %parallel_loop3A_492 : vector<16xf32>
        %parallel_loop3A_606 = arith.constant 71888 : i32
        %parallel_loop3A_607 = tpu.memref_slice %arg5[%parallel_loop3A_606] : memref<107832xf32, #tpu.memory_space<vmem>> -> memref<35944xf32, #tpu.memory_space<vmem>>
        %parallel_loop3A_608 = tpu.vector_load_idx %parallel_loop3A_607[%parallel_loop3A_468] : memref<35944xf32, #tpu.memory_space<vmem>>[vector<16xi32>], vector<16xf32>,
        %parallel_loop3A_609 = arith.mulf %parallel_loop3A_608, %parallel_loop3A_493 : vector<16xf32>
        %parallel_loop3A_610 = arith.constant 71888 : i32
        %parallel_loop3A_611 = tpu.memref_slice %arg5[%parallel_loop3A_610] : memref<107832xf32, #tpu.memory_space<vmem>> -> memref<35944xf32, #tpu.memory_space<vmem>>
        %parallel_loop3A_612 = tpu.vector_load_idx %parallel_loop3A_611[%parallel_loop3A_471] : memref<35944xf32, #tpu.memory_space<vmem>>[vector<16xi32>], vector<16xf32>,
        %parallel_loop3A_613 = arith.mulf %parallel_loop3A_612, %parallel_loop3A_494 : vector<16xf32>
        %parallel_loop3A_614 = arith.constant 71888 : i32
        %parallel_loop3A_615 = tpu.memref_slice %arg5[%parallel_loop3A_614] : memref<107832xf32, #tpu.memory_space<vmem>> -> memref<35944xf32, #tpu.memory_space<vmem>>
        %parallel_loop3A_616 = tpu.vector_load_idx %parallel_loop3A_615[%parallel_loop3A_474] : memref<35944xf32, #tpu.memory_space<vmem>>[vector<16xi32>], vector<16xf32>,
        %parallel_loop3A_617 = arith.mulf %parallel_loop3A_616, %parallel_loop3A_495 : vector<16xf32>
        %parallel_loop3A_618 = arith.addf %parallel_loop3A_589, %parallel_loop3A_593 : vector<16xf32>
        %parallel_loop3A_619 = arith.addf %parallel_loop3A_597, %parallel_loop3A_601 : vector<16xf32>
        %parallel_loop3A_620 = arith.addf %parallel_loop3A_618, %parallel_loop3A_619 : vector<16xf32>
        %parallel_loop3A_621 = arith.addf %parallel_loop3A_605, %parallel_loop3A_609 : vector<16xf32>
        %parallel_loop3A_622 = arith.addf %parallel_loop3A_613, %parallel_loop3A_617 : vector<16xf32>
        %parallel_loop3A_623 = arith.addf %parallel_loop3A_621, %parallel_loop3A_622 : vector<16xf32>
        %parallel_loop3A_624 = arith.addf %parallel_loop3A_620, %parallel_loop3A_623 : vector<16xf32>
        %parallel_loop3A_625 = arith.addf %parallel_loop3A_624, %parallel_loop3A_418 : vector<16xf32>
        %parallel_loop3A_626 = arith.constant 2 : i32
        %parallel_loop3A_627 = arith.index_cast %parallel_loop3A_626 : i32 to index
        %parallel_loop3A_628 = arith.index_cast %parallel_loop3A_385 : i32 to index
        %parallel_loop3A_629 = arith.index_cast %parallel_loop3A_403 : i32 to index
        %parallel_loop3A_630 = tpu.vector_load %arg8[%parallel_loop3A_627, %parallel_loop3A_628, %parallel_loop3A_629] {strides = array<i32>} : memref<3x8x128xf32, #tpu.memory_space<vmem>>, vector<16xf32>,
        tpu.vector_store %arg8[%parallel_loop3A_627, %parallel_loop3A_628, %parallel_loop3A_629], %parallel_loop3A_625 {strides = array<i32>} : memref<3x8x128xf32, #tpu.memory_space<vmem>>, vector<16xf32>,
      } {sc.loop_unroll_factor = 2 : i64, sc.parallel_access}
      %jit3A_194 = arith.constant 4 : i32
      %div3A_195 = arith.divsi %mul3A_83, %jit3A_194 : i32
      %sign3A_196 = arith.constant 0 : i32
      %sign3A_197 = arith.cmpi sgt, %mul3A_83, %sign3A_196 : i32
      %sign3A_198 = arith.extui %sign3A_197 : i1 to i32
      %sign3A_199 = arith.constant 0 : i32
      %sign3A_200 = arith.cmpi slt, %mul3A_83, %sign3A_199 : i32
      %sign3A_201 = arith.extui %sign3A_200 : i1 to i32
      %sign3A_202 = arith.subi %sign3A_198, %sign3A_201 : i32
      %sign3A_203 = arith.constant 0 : i32
      %sign3A_204 = arith.cmpi sgt, %jit3A_194, %sign3A_203 : i32
      %sign3A_205 = arith.extui %sign3A_204 : i1 to i32
      %sign3A_206 = arith.constant 0 : i32
      %sign3A_207 = arith.cmpi slt, %jit3A_194, %sign3A_206 : i32
      %sign3A_208 = arith.extui %sign3A_207 : i1 to i32
      %sign3A_209 = arith.subi %sign3A_205, %sign3A_208 : i32
      %ne3A_210 = arith.cmpi ne, %sign3A_202, %sign3A_209 : i32
      %rem3A_211 = arith.remsi %mul3A_83, %jit3A_194 : i32
      %ne3A_212 = arith.constant 0 : i32
      %ne3A_213 = arith.cmpi ne, %rem3A_211, %ne3A_212 : i32
      %and3A_214 = arith.andi %ne3A_210, %ne3A_213 : i1
      %sub3A_215 = arith.constant 1 : i32
      %sub3A_216 = arith.subi %div3A_195, %sub3A_215 : i32
      %select_n3A_217 = arith.select %and3A_214, %sub3A_216, %div3A_195 : i32
      %mul3A_218 = arith.constant 8 : i32
      %mul3A_219 = arith.muli %select_n3A_217, %mul3A_218 : i32
      %add3A_220 = arith.addi %mul3A_32, %mul3A_219 : i32
      %jit3A_221 = arith.constant 4 : i32
      %eq3A_222 = arith.constant 0 : i32
      %eq3A_223 = arith.cmpi eq, %jit3A_221, %eq3A_222 : i32
      %jit3A_224 = arith.constant 1 : i32
      %select_n3A_225 = arith.select %eq3A_223, %jit3A_224, %jit3A_221 : i32
      %rem3A_226 = arith.remsi %mul3A_83, %select_n3A_225 : i32
      %ne3A_227 = arith.constant 0 : i32
      %ne3A_228 = arith.cmpi ne, %rem3A_226, %ne3A_227 : i32
      %lt3A_229 = arith.constant 0 : i32
      %lt3A_230 = arith.cmpi slt, %rem3A_226, %lt3A_229 : i32
      %lt3A_231 = arith.constant 0 : i32
      %lt3A_232 = arith.cmpi slt, %select_n3A_225, %lt3A_231 : i32
      %ne3A_233 = arith.xori %lt3A_230, %lt3A_232 : i1
      %and3A_234 = arith.andi %ne3A_233, %ne3A_228 : i1
      %add3A_235 = arith.addi %rem3A_226, %select_n3A_225 : i32
      %select_n3A_236 = arith.select %and3A_234, %add3A_235, %rem3A_226 : i32
      %mul3A_237 = arith.constant 128 : i32
      %mul3A_238 = arith.muli %select_n3A_236, %mul3A_237 : i32
      %dma_start3A_239 = arith.constant 0 : i32
      %dma_start3A_240 = tpu.memref_slice %arg4[%select_n3A, %dma_start3A_239, %add3A_220, %mul3A_238] : memref<4x3x512x512xf32, #tpu.memory_space<hbm>> -> memref<1x3x8x128xf32, #tpu.memory_space<hbm>>
      %dma_start3A_241 = tpu.memref_squeeze %dma_start3A_240 : memref<1x3x8x128xf32, #tpu.memory_space<hbm>> -> memref<3x8x128xf32, #tpu.memory_space<hbm>>
      %dma_start3A_242 = arith.constant 0 : i32
      %dma_start3A_243 = tpu.memref_slice %arg4[%select_n3A, %dma_start3A_242, %add3A_220, %mul3A_238] : memref<4x3x512x512xf32, #tpu.memory_space<hbm>> -> memref<1x3x8x128xf32, #tpu.memory_space<hbm>>
      %dma_start3A_244 = tpu.memref_squeeze %dma_start3A_243 : memref<1x3x8x128xf32, #tpu.memory_space<hbm>> -> memref<3x8x128xf32, #tpu.memory_space<hbm>>
      tpu.enqueue_dma source(%arg8 : memref<3x8x128xf32, #tpu.memory_space<vmem>>) target(%dma_start3A_244 : memref<3x8x128xf32, #tpu.memory_space<hbm>>) target_semaphore(%arg13 : memref<!tpu.dma_semaphore, #tpu.memory_space<semaphore_mem>>)
      %lt3A_245 = arith.constant 15 : i32
      %lt3A_246 = arith.cmpi slt, %scan3A_80, %lt3A_245 : i32
      %convert_element_type3A_247 = arith.extui %lt3A_246 : i1 to i32
      %cond3A_248 = arith.constant 0 : i32
      %cond3A_249 = arith.cmpi ne, %convert_element_type3A_247, %cond3A_248 : i32
      scf.if %cond3A_249 {
        %add3A_361 = arith.constant 2 : i32
        %add3A_362 = arith.addi %mul3A_83, %add3A_361 : i32
        %jit3A_363 = arith.constant 4 : i32
        %div3A_364 = arith.divsi %add3A_362, %jit3A_363 : i32
        %sign3A_365 = arith.constant 0 : i32
        %sign3A_366 = arith.cmpi sgt, %add3A_362, %sign3A_365 : i32
        %sign3A_367 = arith.extui %sign3A_366 : i1 to i32
        %sign3A_368 = arith.constant 0 : i32
        %sign3A_369 = arith.cmpi slt, %add3A_362, %sign3A_368 : i32
        %sign3A_370 = arith.extui %sign3A_369 : i1 to i32
        %sign3A_371 = arith.subi %sign3A_367, %sign3A_370 : i32
        %sign3A_372 = arith.constant 0 : i32
        %sign3A_373 = arith.cmpi sgt, %jit3A_363, %sign3A_372 : i32
        %sign3A_374 = arith.extui %sign3A_373 : i1 to i32
        %sign3A_375 = arith.constant 0 : i32
        %sign3A_376 = arith.cmpi slt, %jit3A_363, %sign3A_375 : i32
        %sign3A_377 = arith.extui %sign3A_376 : i1 to i32
        %sign3A_378 = arith.subi %sign3A_374, %sign3A_377 : i32
        %ne3A_379 = arith.cmpi ne, %sign3A_371, %sign3A_378 : i32
        %rem3A_380 = arith.remsi %add3A_362, %jit3A_363 : i32
        %ne3A_381 = arith.constant 0 : i32
        %ne3A_382 = arith.cmpi ne, %rem3A_380, %ne3A_381 : i32
        %and3A_383 = arith.andi %ne3A_379, %ne3A_382 : i1
        %sub3A_384 = arith.constant 1 : i32
        %sub3A_385 = arith.subi %div3A_364, %sub3A_384 : i32
        %select_n3A_386 = arith.select %and3A_383, %sub3A_385, %div3A_364 : i32
        %mul3A_387 = arith.constant 8 : i32
        %mul3A_388 = arith.muli %select_n3A_386, %mul3A_387 : i32
        %add3A_389 = arith.addi %mul3A_32, %mul3A_388 : i32
        %jit3A_390 = arith.constant 4 : i32
        %eq3A_391 = arith.constant 0 : i32
        %eq3A_392 = arith.cmpi eq, %jit3A_390, %eq3A_391 : i32
        %jit3A_393 = arith.constant 1 : i32
        %select_n3A_394 = arith.select %eq3A_392, %jit3A_393, %jit3A_390 : i32
        %rem3A_395 = arith.remsi %add3A_362, %select_n3A_394 : i32
        %ne3A_396 = arith.constant 0 : i32
        %ne3A_397 = arith.cmpi ne, %rem3A_395, %ne3A_396 : i32
        %lt3A_398 = arith.constant 0 : i32
        %lt3A_399 = arith.cmpi slt, %rem3A_395, %lt3A_398 : i32
        %lt3A_400 = arith.constant 0 : i32
        %lt3A_401 = arith.cmpi slt, %select_n3A_394, %lt3A_400 : i32
        %ne3A_402 = arith.xori %lt3A_399, %lt3A_401 : i1
        %and3A_403 = arith.andi %ne3A_402, %ne3A_397 : i1
        %add3A_404 = arith.addi %rem3A_395, %select_n3A_394 : i32
        %select_n3A_405 = arith.select %and3A_403, %add3A_404, %rem3A_395 : i32
        %mul3A_406 = arith.constant 128 : i32
        %mul3A_407 = arith.muli %select_n3A_405, %mul3A_406 : i32
        %dma_start3A_408 = arith.constant 0 : i32
        %dma_start3A_409 = tpu.memref_slice %arg3[%select_n3A, %dma_start3A_408, %add3A_389, %mul3A_407] : memref<4x3x512x512xf32, #tpu.memory_space<hbm>> -> memref<1x3x8x128xf32, #tpu.memory_space<hbm>>
        %dma_start3A_410 = tpu.memref_squeeze %dma_start3A_409 : memref<1x3x8x128xf32, #tpu.memory_space<hbm>> -> memref<3x8x128xf32, #tpu.memory_space<hbm>>
        %dma_start3A_411 = arith.constant 0 : i32
        %dma_start3A_412 = tpu.memref_slice %arg3[%select_n3A, %dma_start3A_411, %add3A_389, %mul3A_407] : memref<4x3x512x512xf32, #tpu.memory_space<hbm>> -> memref<1x3x8x128xf32, #tpu.memory_space<hbm>>
        %dma_start3A_413 = tpu.memref_squeeze %dma_start3A_412 : memref<1x3x8x128xf32, #tpu.memory_space<hbm>> -> memref<3x8x128xf32, #tpu.memory_space<hbm>>
        tpu.enqueue_dma source(%dma_start3A_413 : memref<3x8x128xf32, #tpu.memory_space<hbm>>) target(%arg6 : memref<3x8x128xf32, #tpu.memory_space<vmem>>) target_semaphore(%arg11 : memref<!tpu.dma_semaphore, #tpu.memory_space<semaphore_mem>>)
      } else {
      }
      %jit3A_250 = arith.constant 4 : i32
      %div3A_251 = arith.divsi %add3A_87, %jit3A_250 : i32
      %sign3A_252 = arith.constant 0 : i32
      %sign3A_253 = arith.cmpi sgt, %add3A_87, %sign3A_252 : i32
      %sign3A_254 = arith.extui %sign3A_253 : i1 to i32
      %sign3A_255 = arith.constant 0 : i32
      %sign3A_256 = arith.cmpi slt, %add3A_87, %sign3A_255 : i32
      %sign3A_257 = arith.extui %sign3A_256 : i1 to i32
      %sign3A_258 = arith.subi %sign3A_254, %sign3A_257 : i32
      %sign3A_259 = arith.constant 0 : i32
      %sign3A_260 = arith.cmpi sgt, %jit3A_250, %sign3A_259 : i32
      %sign3A_261 = arith.extui %sign3A_260 : i1 to i32
      %sign3A_262 = arith.constant 0 : i32
      %sign3A_263 = arith.cmpi slt, %jit3A_250, %sign3A_262 : i32
      %sign3A_264 = arith.extui %sign3A_263 : i1 to i32
      %sign3A_265 = arith.subi %sign3A_261, %sign3A_264 : i32
      %ne3A_266 = arith.cmpi ne, %sign3A_258, %sign3A_265 : i32
      %rem3A_267 = arith.remsi %add3A_87, %jit3A_250 : i32
      %ne3A_268 = arith.constant 0 : i32
      %ne3A_269 = arith.cmpi ne, %rem3A_267, %ne3A_268 : i32
      %and3A_270 = arith.andi %ne3A_266, %ne3A_269 : i1
      %sub3A_271 = arith.constant 1 : i32
      %sub3A_272 = arith.subi %div3A_251, %sub3A_271 : i32
      %select_n3A_273 = arith.select %and3A_270, %sub3A_272, %div3A_251 : i32
      %mul3A_274 = arith.constant 8 : i32
      %mul3A_275 = arith.muli %select_n3A_273, %mul3A_274 : i32
      %add3A_276 = arith.addi %mul3A_32, %mul3A_275 : i32
      %jit3A_277 = arith.constant 4 : i32
      %eq3A_278 = arith.constant 0 : i32
      %eq3A_279 = arith.cmpi eq, %jit3A_277, %eq3A_278 : i32
      %jit3A_280 = arith.constant 1 : i32
      %select_n3A_281 = arith.select %eq3A_279, %jit3A_280, %jit3A_277 : i32
      %rem3A_282 = arith.remsi %add3A_87, %select_n3A_281 : i32
      %ne3A_283 = arith.constant 0 : i32
      %ne3A_284 = arith.cmpi ne, %rem3A_282, %ne3A_283 : i32
      %lt3A_285 = arith.constant 0 : i32
      %lt3A_286 = arith.cmpi slt, %rem3A_282, %lt3A_285 : i32
      %lt3A_287 = arith.constant 0 : i32
      %lt3A_288 = arith.cmpi slt, %select_n3A_281, %lt3A_287 : i32
      %ne3A_289 = arith.xori %lt3A_286, %lt3A_288 : i1
      %and3A_290 = arith.andi %ne3A_289, %ne3A_284 : i1
      %add3A_291 = arith.addi %rem3A_282, %select_n3A_281 : i32
      %select_n3A_292 = arith.select %and3A_290, %add3A_291, %rem3A_282 : i32
      %mul3A_293 = arith.constant 128 : i32
      %mul3A_294 = arith.muli %select_n3A_292, %mul3A_293 : i32
      %dma_wait3A_295 = arith.constant 0 : i32
      %dma_wait3A_296 = tpu.memref_slice %arg3[%select_n3A, %dma_wait3A_295, %add3A_276, %mul3A_294] : memref<4x3x512x512xf32, #tpu.memory_space<hbm>> -> memref<1x3x8x128xf32, #tpu.memory_space<hbm>>
      %dma_wait3A_297 = tpu.memref_squeeze %dma_wait3A_296 : memref<1x3x8x128xf32, #tpu.memory_space<hbm>> -> memref<3x8x128xf32, #tpu.memory_space<hbm>>
      %dma_wait3A_298 = arith.constant 0 : i32
      %dma_wait3A_299 = tpu.memref_slice %arg3[%select_n3A, %dma_wait3A_298, %add3A_276, %mul3A_294] : memref<4x3x512x512xf32, #tpu.memory_space<hbm>> -> memref<1x3x8x128xf32, #tpu.memory_space<hbm>>
      %dma_wait3A_300 = tpu.memref_squeeze %dma_wait3A_299 : memref<1x3x8x128xf32, #tpu.memory_space<hbm>> -> memref<3x8x128xf32, #tpu.memory_space<hbm>>
      tpu.wait_dma2 semaphore(%arg12 : memref<!tpu.dma_semaphore, #tpu.memory_space<semaphore_mem>>) src(%dma_wait3A_300 : memref<3x8x128xf32, #tpu.memory_space<hbm>>) dst(%arg7 : memref<3x8x128xf32, #tpu.memory_space<vmem>>)
      %gt3A_301 = arith.constant 0 : i32
      %gt3A_302 = arith.cmpi sgt, %scan3A_80, %gt3A_301 : i32
      %convert_element_type3A_303 = arith.extui %gt3A_302 : i1 to i32
      %cond3A_304 = arith.constant 0 : i32
      %cond3A_305 = arith.cmpi ne, %convert_element_type3A_303, %cond3A_304 : i32
      scf.if %cond3A_305 {
        %sub3A_361 = arith.constant 2 : i32
        %sub3A_362 = arith.subi %add3A_87, %sub3A_361 : i32
        %jit3A_363 = arith.constant 4 : i32
        %div3A_364 = arith.divsi %sub3A_362, %jit3A_363 : i32
        %sign3A_365 = arith.constant 0 : i32
        %sign3A_366 = arith.cmpi sgt, %sub3A_362, %sign3A_365 : i32
        %sign3A_367 = arith.extui %sign3A_366 : i1 to i32
        %sign3A_368 = arith.constant 0 : i32
        %sign3A_369 = arith.cmpi slt, %sub3A_362, %sign3A_368 : i32
        %sign3A_370 = arith.extui %sign3A_369 : i1 to i32
        %sign3A_371 = arith.subi %sign3A_367, %sign3A_370 : i32
        %sign3A_372 = arith.constant 0 : i32
        %sign3A_373 = arith.cmpi sgt, %jit3A_363, %sign3A_372 : i32
        %sign3A_374 = arith.extui %sign3A_373 : i1 to i32
        %sign3A_375 = arith.constant 0 : i32
        %sign3A_376 = arith.cmpi slt, %jit3A_363, %sign3A_375 : i32
        %sign3A_377 = arith.extui %sign3A_376 : i1 to i32
        %sign3A_378 = arith.subi %sign3A_374, %sign3A_377 : i32
        %ne3A_379 = arith.cmpi ne, %sign3A_371, %sign3A_378 : i32
        %rem3A_380 = arith.remsi %sub3A_362, %jit3A_363 : i32
        %ne3A_381 = arith.constant 0 : i32
        %ne3A_382 = arith.cmpi ne, %rem3A_380, %ne3A_381 : i32
        %and3A_383 = arith.andi %ne3A_379, %ne3A_382 : i1
        %sub3A_384 = arith.constant 1 : i32
        %sub3A_385 = arith.subi %div3A_364, %sub3A_384 : i32
        %select_n3A_386 = arith.select %and3A_383, %sub3A_385, %div3A_364 : i32
        %mul3A_387 = arith.constant 8 : i32
        %mul3A_388 = arith.muli %select_n3A_386, %mul3A_387 : i32
        %add3A_389 = arith.addi %mul3A_32, %mul3A_388 : i32
        %jit3A_390 = arith.constant 4 : i32
        %eq3A_391 = arith.constant 0 : i32
        %eq3A_392 = arith.cmpi eq, %jit3A_390, %eq3A_391 : i32
        %jit3A_393 = arith.constant 1 : i32
        %select_n3A_394 = arith.select %eq3A_392, %jit3A_393, %jit3A_390 : i32
        %rem3A_395 = arith.remsi %sub3A_362, %select_n3A_394 : i32
        %ne3A_396 = arith.constant 0 : i32
        %ne3A_397 = arith.cmpi ne, %rem3A_395, %ne3A_396 : i32
        %lt3A_398 = arith.constant 0 : i32
        %lt3A_399 = arith.cmpi slt, %rem3A_395, %lt3A_398 : i32
        %lt3A_400 = arith.constant 0 : i32
        %lt3A_401 = arith.cmpi slt, %select_n3A_394, %lt3A_400 : i32
        %ne3A_402 = arith.xori %lt3A_399, %lt3A_401 : i1
        %and3A_403 = arith.andi %ne3A_402, %ne3A_397 : i1
        %add3A_404 = arith.addi %rem3A_395, %select_n3A_394 : i32
        %select_n3A_405 = arith.select %and3A_403, %add3A_404, %rem3A_395 : i32
        %mul3A_406 = arith.constant 128 : i32
        %mul3A_407 = arith.muli %select_n3A_405, %mul3A_406 : i32
        %dma_wait3A_408 = arith.constant 0 : i32
        %dma_wait3A_409 = tpu.memref_slice %arg4[%select_n3A, %dma_wait3A_408, %add3A_389, %mul3A_407] : memref<4x3x512x512xf32, #tpu.memory_space<hbm>> -> memref<1x3x8x128xf32, #tpu.memory_space<hbm>>
        %dma_wait3A_410 = tpu.memref_squeeze %dma_wait3A_409 : memref<1x3x8x128xf32, #tpu.memory_space<hbm>> -> memref<3x8x128xf32, #tpu.memory_space<hbm>>
        %dma_wait3A_411 = arith.constant 0 : i32
        %dma_wait3A_412 = tpu.memref_slice %arg4[%select_n3A, %dma_wait3A_411, %add3A_389, %mul3A_407] : memref<4x3x512x512xf32, #tpu.memory_space<hbm>> -> memref<1x3x8x128xf32, #tpu.memory_space<hbm>>
        %dma_wait3A_413 = tpu.memref_squeeze %dma_wait3A_412 : memref<1x3x8x128xf32, #tpu.memory_space<hbm>> -> memref<3x8x128xf32, #tpu.memory_space<hbm>>
        tpu.wait_dma2 semaphore(%arg14 : memref<!tpu.dma_semaphore, #tpu.memory_space<semaphore_mem>>) src(%arg9 : memref<3x8x128xf32, #tpu.memory_space<vmem>>) dst(%dma_wait3A_413 : memref<3x8x128xf32, #tpu.memory_space<hbm>>)
      } else {
      }
      %parallel_loop3A_306 = arith.constant 0 : i32
      %parallel_loop3A_307 = arith.constant 64 : i32
      %parallel_loop3A_308 = arith.constant 1 : i32
      scf.for %parallel_loop3A_361 = %parallel_loop3A_306 to %parallel_loop3A_307 step %parallel_loop3A_308  : i32 {
        %parallel_loop3A_362 = arith.constant 8 : i32
        %parallel_loop3A_363 = arith.divsi %parallel_loop3A_361, %parallel_loop3A_362 : i32
        %parallel_loop3A_364 = arith.constant 0 : i32
        %parallel_loop3A_365 = arith.cmpi sgt, %parallel_loop3A_361, %parallel_loop3A_364 : i32
        %parallel_loop3A_366 = arith.extui %parallel_loop3A_365 : i1 to i32
        %parallel_loop3A_367 = arith.constant 0 : i32
        %parallel_loop3A_368 = arith.cmpi slt, %parallel_loop3A_361, %parallel_loop3A_367 : i32
        %parallel_loop3A_369 = arith.extui %parallel_loop3A_368 : i1 to i32
        %parallel_loop3A_370 = arith.subi %parallel_loop3A_366, %parallel_loop3A_369 : i32
        %parallel_loop3A_371 = arith.constant 0 : i32
        %parallel_loop3A_372 = arith.cmpi sgt, %parallel_loop3A_362, %parallel_loop3A_371 : i32
        %parallel_loop3A_373 = arith.extui %parallel_loop3A_372 : i1 to i32
        %parallel_loop3A_374 = arith.constant 0 : i32
        %parallel_loop3A_375 = arith.cmpi slt, %parallel_loop3A_362, %parallel_loop3A_374 : i32
        %parallel_loop3A_376 = arith.extui %parallel_loop3A_375 : i1 to i32
        %parallel_loop3A_377 = arith.subi %parallel_loop3A_373, %parallel_loop3A_376 : i32
        %parallel_loop3A_378 = arith.cmpi ne, %parallel_loop3A_370, %parallel_loop3A_377 : i32
        %parallel_loop3A_379 = arith.remsi %parallel_loop3A_361, %parallel_loop3A_362 : i32
        %parallel_loop3A_380 = arith.constant 0 : i32
        %parallel_loop3A_381 = arith.cmpi ne, %parallel_loop3A_379, %parallel_loop3A_380 : i32
        %parallel_loop3A_382 = arith.andi %parallel_loop3A_378, %parallel_loop3A_381 : i1
        %parallel_loop3A_383 = arith.constant 1 : i32
        %parallel_loop3A_384 = arith.subi %parallel_loop3A_363, %parallel_loop3A_383 : i32
        %parallel_loop3A_385 = arith.select %parallel_loop3A_382, %parallel_loop3A_384, %parallel_loop3A_363 : i32
        %parallel_loop3A_386 = arith.constant 8 : i32
        %parallel_loop3A_387 = arith.constant 0 : i32
        %parallel_loop3A_388 = arith.cmpi eq, %parallel_loop3A_386, %parallel_loop3A_387 : i32
        %parallel_loop3A_389 = arith.constant 1 : i32
        %parallel_loop3A_390 = arith.select %parallel_loop3A_388, %parallel_loop3A_389, %parallel_loop3A_386 : i32
        %parallel_loop3A_391 = arith.remsi %parallel_loop3A_361, %parallel_loop3A_390 : i32
        %parallel_loop3A_392 = arith.constant 0 : i32
        %parallel_loop3A_393 = arith.cmpi ne, %parallel_loop3A_391, %parallel_loop3A_392 : i32
        %parallel_loop3A_394 = arith.constant 0 : i32
        %parallel_loop3A_395 = arith.cmpi slt, %parallel_loop3A_391, %parallel_loop3A_394 : i32
        %parallel_loop3A_396 = arith.constant 0 : i32
        %parallel_loop3A_397 = arith.cmpi slt, %parallel_loop3A_390, %parallel_loop3A_396 : i32
        %parallel_loop3A_398 = arith.xori %parallel_loop3A_395, %parallel_loop3A_397 : i1
        %parallel_loop3A_399 = arith.andi %parallel_loop3A_398, %parallel_loop3A_393 : i1
        %parallel_loop3A_400 = arith.addi %parallel_loop3A_391, %parallel_loop3A_390 : i32
        %parallel_loop3A_401 = arith.select %parallel_loop3A_399, %parallel_loop3A_400, %parallel_loop3A_391 : i32
        %parallel_loop3A_402 = arith.constant 16 : i32
        %parallel_loop3A_403 = arith.muli %parallel_loop3A_401, %parallel_loop3A_402 : i32
        %parallel_loop3A_404 = arith.constant 0 : i32
        %parallel_loop3A_405 = arith.index_cast %parallel_loop3A_404 : i32 to index
        %parallel_loop3A_406 = arith.index_cast %parallel_loop3A_385 : i32 to index
        %parallel_loop3A_407 = arith.index_cast %parallel_loop3A_403 : i32 to index
        %parallel_loop3A_408 = tpu.vector_load %arg7[%parallel_loop3A_405, %parallel_loop3A_406, %parallel_loop3A_407] {strides = array<i32>} : memref<3x8x128xf32, #tpu.memory_space<vmem>>, vector<16xf32>,
        %parallel_loop3A_409 = arith.constant 1 : i32
        %parallel_loop3A_410 = arith.index_cast %parallel_loop3A_409 : i32 to index
        %parallel_loop3A_411 = arith.index_cast %parallel_loop3A_385 : i32 to index
        %parallel_loop3A_412 = arith.index_cast %parallel_loop3A_403 : i32 to index
        %parallel_loop3A_413 = tpu.vector_load %arg7[%parallel_loop3A_410, %parallel_loop3A_411, %parallel_loop3A_412] {strides = array<i32>} : memref<3x8x128xf32, #tpu.memory_space<vmem>>, vector<16xf32>,
        %parallel_loop3A_414 = arith.constant 2 : i32
        %parallel_loop3A_415 = arith.index_cast %parallel_loop3A_414 : i32 to index
        %parallel_loop3A_416 = arith.index_cast %parallel_loop3A_385 : i32 to index
        %parallel_loop3A_417 = arith.index_cast %parallel_loop3A_403 : i32 to index
        %parallel_loop3A_418 = tpu.vector_load %arg7[%parallel_loop3A_415, %parallel_loop3A_416, %parallel_loop3A_417] {strides = array<i32>} : memref<3x8x128xf32, #tpu.memory_space<vmem>>, vector<16xf32>,
        %parallel_loop3A_419 = vector.broadcast %scan3A : f32 to vector<16xf32>
        %parallel_loop3A_420 = arith.mulf %parallel_loop3A_408, %parallel_loop3A_419 : vector<16xf32>
        %parallel_loop3A_421 = arith.constant 31.9999962 : f32
        %parallel_loop3A_422 = vector.broadcast %parallel_loop3A_421 : f32 to vector<16xf32>
        %parallel_loop3A_423 = arith.minimumf %parallel_loop3A_420, %parallel_loop3A_422 : vector<16xf32>
        %parallel_loop3A_424 = vector.broadcast %scan3A : f32 to vector<16xf32>
        %parallel_loop3A_425 = arith.mulf %parallel_loop3A_413, %parallel_loop3A_424 : vector<16xf32>
        %parallel_loop3A_426 = arith.constant 31.9999962 : f32
        %parallel_loop3A_427 = vector.broadcast %parallel_loop3A_426 : f32 to vector<16xf32>
        %parallel_loop3A_428 = arith.minimumf %parallel_loop3A_425, %parallel_loop3A_427 : vector<16xf32>
        %parallel_loop3A_429 = vector.broadcast %scan3A : f32 to vector<16xf32>
        %parallel_loop3A_430 = arith.mulf %parallel_loop3A_418, %parallel_loop3A_429 : vector<16xf32>
        %parallel_loop3A_431 = arith.constant 31.9999962 : f32
        %parallel_loop3A_432 = vector.broadcast %parallel_loop3A_431 : f32 to vector<16xf32>
        %parallel_loop3A_433 = arith.minimumf %parallel_loop3A_430, %parallel_loop3A_432 : vector<16xf32>
        %parallel_loop3A_434 = arith.fptosi %parallel_loop3A_423 : vector<16xf32> to vector<16xi32>
        %parallel_loop3A_435 = arith.fptosi %parallel_loop3A_428 : vector<16xf32> to vector<16xi32>
        %parallel_loop3A_436 = arith.fptosi %parallel_loop3A_433 : vector<16xf32> to vector<16xi32>
        %parallel_loop3A_437 = arith.sitofp %parallel_loop3A_434 : vector<16xi32> to vector<16xf32>
        %parallel_loop3A_438 = arith.subf %parallel_loop3A_423, %parallel_loop3A_437 : vector<16xf32>
        %parallel_loop3A_439 = arith.sitofp %parallel_loop3A_435 : vector<16xi32> to vector<16xf32>
        %parallel_loop3A_440 = arith.subf %parallel_loop3A_428, %parallel_loop3A_439 : vector<16xf32>
        %parallel_loop3A_441 = arith.sitofp %parallel_loop3A_436 : vector<16xi32> to vector<16xf32>
        %parallel_loop3A_442 = arith.subf %parallel_loop3A_433, %parallel_loop3A_441 : vector<16xf32>
        %parallel_loop3A_443 = arith.constant 1089 : i32
        %parallel_loop3A_444 = vector.broadcast %parallel_loop3A_443 : i32 to vector<16xi32>
        %parallel_loop3A_445 = arith.muli %parallel_loop3A_434, %parallel_loop3A_444 : vector<16xi32>
        %parallel_loop3A_446 = arith.constant 33 : i32
        %parallel_loop3A_447 = vector.broadcast %parallel_loop3A_446 : i32 to vector<16xi32>
        %parallel_loop3A_448 = arith.muli %parallel_loop3A_435, %parallel_loop3A_447 : vector<16xi32>
        %parallel_loop3A_449 = arith.addi %parallel_loop3A_445, %parallel_loop3A_448 : vector<16xi32>
        %parallel_loop3A_450 = arith.constant 33 : i32
        %parallel_loop3A_451 = vector.broadcast %parallel_loop3A_450 : i32 to vector<16xi32>
        %parallel_loop3A_452 = arith.addi %parallel_loop3A_449, %parallel_loop3A_451 : vector<16xi32>
        %parallel_loop3A_453 = arith.constant 1089 : i32
        %parallel_loop3A_454 = vector.broadcast %parallel_loop3A_453 : i32 to vector<16xi32>
        %parallel_loop3A_455 = arith.addi %parallel_loop3A_449, %parallel_loop3A_454 : vector<16xi32>
        %parallel_loop3A_456 = arith.constant 1089 : i32
        %parallel_loop3A_457 = vector.broadcast %parallel_loop3A_456 : i32 to vector<16xi32>
        %parallel_loop3A_458 = arith.addi %parallel_loop3A_452, %parallel_loop3A_457 : vector<16xi32>
        %parallel_loop3A_459 = arith.addi %parallel_loop3A_449, %parallel_loop3A_436 : vector<16xi32>
        %parallel_loop3A_460 = arith.addi %parallel_loop3A_455, %parallel_loop3A_436 : vector<16xi32>
        %parallel_loop3A_461 = arith.addi %parallel_loop3A_452, %parallel_loop3A_436 : vector<16xi32>
        %parallel_loop3A_462 = arith.addi %parallel_loop3A_458, %parallel_loop3A_436 : vector<16xi32>
        %parallel_loop3A_463 = arith.constant 1 : i32
        %parallel_loop3A_464 = vector.broadcast %parallel_loop3A_463 : i32 to vector<16xi32>
        %parallel_loop3A_465 = arith.addi %parallel_loop3A_459, %parallel_loop3A_464 : vector<16xi32>
        %parallel_loop3A_466 = arith.constant 1 : i32
        %parallel_loop3A_467 = vector.broadcast %parallel_loop3A_466 : i32 to vector<16xi32>
        %parallel_loop3A_468 = arith.addi %parallel_loop3A_460, %parallel_loop3A_467 : vector<16xi32>
        %parallel_loop3A_469 = arith.constant 1 : i32
        %parallel_loop3A_470 = vector.broadcast %parallel_loop3A_469 : i32 to vector<16xi32>
        %parallel_loop3A_471 = arith.addi %parallel_loop3A_461, %parallel_loop3A_470 : vector<16xi32>
        %parallel_loop3A_472 = arith.constant 1 : i32
        %parallel_loop3A_473 = vector.broadcast %parallel_loop3A_472 : i32 to vector<16xi32>
        %parallel_loop3A_474 = arith.addi %parallel_loop3A_462, %parallel_loop3A_473 : vector<16xi32>
        %parallel_loop3A_475 = arith.constant 1.000000e+00 : f32
        %parallel_loop3A_476 = vector.broadcast %parallel_loop3A_475 : f32 to vector<16xf32>
        %parallel_loop3A_477 = arith.subf %parallel_loop3A_476, %parallel_loop3A_438 : vector<16xf32>
        %parallel_loop3A_478 = arith.constant 1.000000e+00 : f32
        %parallel_loop3A_479 = vector.broadcast %parallel_loop3A_478 : f32 to vector<16xf32>
        %parallel_loop3A_480 = arith.subf %parallel_loop3A_479, %parallel_loop3A_440 : vector<16xf32>
        %parallel_loop3A_481 = arith.constant 1.000000e+00 : f32
        %parallel_loop3A_482 = vector.broadcast %parallel_loop3A_481 : f32 to vector<16xf32>
        %parallel_loop3A_483 = arith.subf %parallel_loop3A_482, %parallel_loop3A_442 : vector<16xf32>
        %parallel_loop3A_484 = arith.mulf %parallel_loop3A_480, %parallel_loop3A_483 : vector<16xf32>
        %parallel_loop3A_485 = arith.mulf %parallel_loop3A_440, %parallel_loop3A_483 : vector<16xf32>
        %parallel_loop3A_486 = arith.mulf %parallel_loop3A_480, %parallel_loop3A_442 : vector<16xf32>
        %parallel_loop3A_487 = arith.mulf %parallel_loop3A_440, %parallel_loop3A_442 : vector<16xf32>
        %parallel_loop3A_488 = arith.mulf %parallel_loop3A_477, %parallel_loop3A_484 : vector<16xf32>
        %parallel_loop3A_489 = arith.mulf %parallel_loop3A_438, %parallel_loop3A_484 : vector<16xf32>
        %parallel_loop3A_490 = arith.mulf %parallel_loop3A_477, %parallel_loop3A_485 : vector<16xf32>
        %parallel_loop3A_491 = arith.mulf %parallel_loop3A_438, %parallel_loop3A_485 : vector<16xf32>
        %parallel_loop3A_492 = arith.mulf %parallel_loop3A_477, %parallel_loop3A_486 : vector<16xf32>
        %parallel_loop3A_493 = arith.mulf %parallel_loop3A_438, %parallel_loop3A_486 : vector<16xf32>
        %parallel_loop3A_494 = arith.mulf %parallel_loop3A_477, %parallel_loop3A_487 : vector<16xf32>
        %parallel_loop3A_495 = arith.mulf %parallel_loop3A_438, %parallel_loop3A_487 : vector<16xf32>
        %parallel_loop3A_496 = arith.constant 0 : i32
        %parallel_loop3A_497 = tpu.memref_slice %arg5[%parallel_loop3A_496] : memref<107832xf32, #tpu.memory_space<vmem>> -> memref<35944xf32, #tpu.memory_space<vmem>>
        %parallel_loop3A_498 = tpu.vector_load_idx %parallel_loop3A_497[%parallel_loop3A_459] : memref<35944xf32, #tpu.memory_space<vmem>>[vector<16xi32>], vector<16xf32>,
        %parallel_loop3A_499 = arith.mulf %parallel_loop3A_498, %parallel_loop3A_488 : vector<16xf32>
        %parallel_loop3A_500 = arith.constant 0 : i32
        %parallel_loop3A_501 = tpu.memref_slice %arg5[%parallel_loop3A_500] : memref<107832xf32, #tpu.memory_space<vmem>> -> memref<35944xf32, #tpu.memory_space<vmem>>
        %parallel_loop3A_502 = tpu.vector_load_idx %parallel_loop3A_501[%parallel_loop3A_460] : memref<35944xf32, #tpu.memory_space<vmem>>[vector<16xi32>], vector<16xf32>,
        %parallel_loop3A_503 = arith.mulf %parallel_loop3A_502, %parallel_loop3A_489 : vector<16xf32>
        %parallel_loop3A_504 = arith.constant 0 : i32
        %parallel_loop3A_505 = tpu.memref_slice %arg5[%parallel_loop3A_504] : memref<107832xf32, #tpu.memory_space<vmem>> -> memref<35944xf32, #tpu.memory_space<vmem>>
        %parallel_loop3A_506 = tpu.vector_load_idx %parallel_loop3A_505[%parallel_loop3A_461] : memref<35944xf32, #tpu.memory_space<vmem>>[vector<16xi32>], vector<16xf32>,
        %parallel_loop3A_507 = arith.mulf %parallel_loop3A_506, %parallel_loop3A_490 : vector<16xf32>
        %parallel_loop3A_508 = arith.constant 0 : i32
        %parallel_loop3A_509 = tpu.memref_slice %arg5[%parallel_loop3A_508] : memref<107832xf32, #tpu.memory_space<vmem>> -> memref<35944xf32, #tpu.memory_space<vmem>>
        %parallel_loop3A_510 = tpu.vector_load_idx %parallel_loop3A_509[%parallel_loop3A_462] : memref<35944xf32, #tpu.memory_space<vmem>>[vector<16xi32>], vector<16xf32>,
        %parallel_loop3A_511 = arith.mulf %parallel_loop3A_510, %parallel_loop3A_491 : vector<16xf32>
        %parallel_loop3A_512 = arith.constant 0 : i32
        %parallel_loop3A_513 = tpu.memref_slice %arg5[%parallel_loop3A_512] : memref<107832xf32, #tpu.memory_space<vmem>> -> memref<35944xf32, #tpu.memory_space<vmem>>
        %parallel_loop3A_514 = tpu.vector_load_idx %parallel_loop3A_513[%parallel_loop3A_465] : memref<35944xf32, #tpu.memory_space<vmem>>[vector<16xi32>], vector<16xf32>,
        %parallel_loop3A_515 = arith.mulf %parallel_loop3A_514, %parallel_loop3A_492 : vector<16xf32>
        %parallel_loop3A_516 = arith.constant 0 : i32
        %parallel_loop3A_517 = tpu.memref_slice %arg5[%parallel_loop3A_516] : memref<107832xf32, #tpu.memory_space<vmem>> -> memref<35944xf32, #tpu.memory_space<vmem>>
        %parallel_loop3A_518 = tpu.vector_load_idx %parallel_loop3A_517[%parallel_loop3A_468] : memref<35944xf32, #tpu.memory_space<vmem>>[vector<16xi32>], vector<16xf32>,
        %parallel_loop3A_519 = arith.mulf %parallel_loop3A_518, %parallel_loop3A_493 : vector<16xf32>
        %parallel_loop3A_520 = arith.constant 0 : i32
        %parallel_loop3A_521 = tpu.memref_slice %arg5[%parallel_loop3A_520] : memref<107832xf32, #tpu.memory_space<vmem>> -> memref<35944xf32, #tpu.memory_space<vmem>>
        %parallel_loop3A_522 = tpu.vector_load_idx %parallel_loop3A_521[%parallel_loop3A_471] : memref<35944xf32, #tpu.memory_space<vmem>>[vector<16xi32>], vector<16xf32>,
        %parallel_loop3A_523 = arith.mulf %parallel_loop3A_522, %parallel_loop3A_494 : vector<16xf32>
        %parallel_loop3A_524 = arith.constant 0 : i32
        %parallel_loop3A_525 = tpu.memref_slice %arg5[%parallel_loop3A_524] : memref<107832xf32, #tpu.memory_space<vmem>> -> memref<35944xf32, #tpu.memory_space<vmem>>
        %parallel_loop3A_526 = tpu.vector_load_idx %parallel_loop3A_525[%parallel_loop3A_474] : memref<35944xf32, #tpu.memory_space<vmem>>[vector<16xi32>], vector<16xf32>,
        %parallel_loop3A_527 = arith.mulf %parallel_loop3A_526, %parallel_loop3A_495 : vector<16xf32>
        %parallel_loop3A_528 = arith.addf %parallel_loop3A_499, %parallel_loop3A_503 : vector<16xf32>
        %parallel_loop3A_529 = arith.addf %parallel_loop3A_507, %parallel_loop3A_511 : vector<16xf32>
        %parallel_loop3A_530 = arith.addf %parallel_loop3A_528, %parallel_loop3A_529 : vector<16xf32>
        %parallel_loop3A_531 = arith.addf %parallel_loop3A_515, %parallel_loop3A_519 : vector<16xf32>
        %parallel_loop3A_532 = arith.addf %parallel_loop3A_523, %parallel_loop3A_527 : vector<16xf32>
        %parallel_loop3A_533 = arith.addf %parallel_loop3A_531, %parallel_loop3A_532 : vector<16xf32>
        %parallel_loop3A_534 = arith.addf %parallel_loop3A_530, %parallel_loop3A_533 : vector<16xf32>
        %parallel_loop3A_535 = arith.addf %parallel_loop3A_534, %parallel_loop3A_408 : vector<16xf32>
        %parallel_loop3A_536 = arith.constant 0 : i32
        %parallel_loop3A_537 = arith.index_cast %parallel_loop3A_536 : i32 to index
        %parallel_loop3A_538 = arith.index_cast %parallel_loop3A_385 : i32 to index
        %parallel_loop3A_539 = arith.index_cast %parallel_loop3A_403 : i32 to index
        %parallel_loop3A_540 = tpu.vector_load %arg9[%parallel_loop3A_537, %parallel_loop3A_538, %parallel_loop3A_539] {strides = array<i32>} : memref<3x8x128xf32, #tpu.memory_space<vmem>>, vector<16xf32>,
        tpu.vector_store %arg9[%parallel_loop3A_537, %parallel_loop3A_538, %parallel_loop3A_539], %parallel_loop3A_535 {strides = array<i32>} : memref<3x8x128xf32, #tpu.memory_space<vmem>>, vector<16xf32>,
        %parallel_loop3A_541 = arith.constant 35944 : i32
        %parallel_loop3A_542 = tpu.memref_slice %arg5[%parallel_loop3A_541] : memref<107832xf32, #tpu.memory_space<vmem>> -> memref<35944xf32, #tpu.memory_space<vmem>>
        %parallel_loop3A_543 = tpu.vector_load_idx %parallel_loop3A_542[%parallel_loop3A_459] : memref<35944xf32, #tpu.memory_space<vmem>>[vector<16xi32>], vector<16xf32>,
        %parallel_loop3A_544 = arith.mulf %parallel_loop3A_543, %parallel_loop3A_488 : vector<16xf32>
        %parallel_loop3A_545 = arith.constant 35944 : i32
        %parallel_loop3A_546 = tpu.memref_slice %arg5[%parallel_loop3A_545] : memref<107832xf32, #tpu.memory_space<vmem>> -> memref<35944xf32, #tpu.memory_space<vmem>>
        %parallel_loop3A_547 = tpu.vector_load_idx %parallel_loop3A_546[%parallel_loop3A_460] : memref<35944xf32, #tpu.memory_space<vmem>>[vector<16xi32>], vector<16xf32>,
        %parallel_loop3A_548 = arith.mulf %parallel_loop3A_547, %parallel_loop3A_489 : vector<16xf32>
        %parallel_loop3A_549 = arith.constant 35944 : i32
        %parallel_loop3A_550 = tpu.memref_slice %arg5[%parallel_loop3A_549] : memref<107832xf32, #tpu.memory_space<vmem>> -> memref<35944xf32, #tpu.memory_space<vmem>>
        %parallel_loop3A_551 = tpu.vector_load_idx %parallel_loop3A_550[%parallel_loop3A_461] : memref<35944xf32, #tpu.memory_space<vmem>>[vector<16xi32>], vector<16xf32>,
        %parallel_loop3A_552 = arith.mulf %parallel_loop3A_551, %parallel_loop3A_490 : vector<16xf32>
        %parallel_loop3A_553 = arith.constant 35944 : i32
        %parallel_loop3A_554 = tpu.memref_slice %arg5[%parallel_loop3A_553] : memref<107832xf32, #tpu.memory_space<vmem>> -> memref<35944xf32, #tpu.memory_space<vmem>>
        %parallel_loop3A_555 = tpu.vector_load_idx %parallel_loop3A_554[%parallel_loop3A_462] : memref<35944xf32, #tpu.memory_space<vmem>>[vector<16xi32>], vector<16xf32>,
        %parallel_loop3A_556 = arith.mulf %parallel_loop3A_555, %parallel_loop3A_491 : vector<16xf32>
        %parallel_loop3A_557 = arith.constant 35944 : i32
        %parallel_loop3A_558 = tpu.memref_slice %arg5[%parallel_loop3A_557] : memref<107832xf32, #tpu.memory_space<vmem>> -> memref<35944xf32, #tpu.memory_space<vmem>>
        %parallel_loop3A_559 = tpu.vector_load_idx %parallel_loop3A_558[%parallel_loop3A_465] : memref<35944xf32, #tpu.memory_space<vmem>>[vector<16xi32>], vector<16xf32>,
        %parallel_loop3A_560 = arith.mulf %parallel_loop3A_559, %parallel_loop3A_492 : vector<16xf32>
        %parallel_loop3A_561 = arith.constant 35944 : i32
        %parallel_loop3A_562 = tpu.memref_slice %arg5[%parallel_loop3A_561] : memref<107832xf32, #tpu.memory_space<vmem>> -> memref<35944xf32, #tpu.memory_space<vmem>>
        %parallel_loop3A_563 = tpu.vector_load_idx %parallel_loop3A_562[%parallel_loop3A_468] : memref<35944xf32, #tpu.memory_space<vmem>>[vector<16xi32>], vector<16xf32>,
        %parallel_loop3A_564 = arith.mulf %parallel_loop3A_563, %parallel_loop3A_493 : vector<16xf32>
        %parallel_loop3A_565 = arith.constant 35944 : i32
        %parallel_loop3A_566 = tpu.memref_slice %arg5[%parallel_loop3A_565] : memref<107832xf32, #tpu.memory_space<vmem>> -> memref<35944xf32, #tpu.memory_space<vmem>>
        %parallel_loop3A_567 = tpu.vector_load_idx %parallel_loop3A_566[%parallel_loop3A_471] : memref<35944xf32, #tpu.memory_space<vmem>>[vector<16xi32>], vector<16xf32>,
        %parallel_loop3A_568 = arith.mulf %parallel_loop3A_567, %parallel_loop3A_494 : vector<16xf32>
        %parallel_loop3A_569 = arith.constant 35944 : i32
        %parallel_loop3A_570 = tpu.memref_slice %arg5[%parallel_loop3A_569] : memref<107832xf32, #tpu.memory_space<vmem>> -> memref<35944xf32, #tpu.memory_space<vmem>>
        %parallel_loop3A_571 = tpu.vector_load_idx %parallel_loop3A_570[%parallel_loop3A_474] : memref<35944xf32, #tpu.memory_space<vmem>>[vector<16xi32>], vector<16xf32>,
        %parallel_loop3A_572 = arith.mulf %parallel_loop3A_571, %parallel_loop3A_495 : vector<16xf32>
        %parallel_loop3A_573 = arith.addf %parallel_loop3A_544, %parallel_loop3A_548 : vector<16xf32>
        %parallel_loop3A_574 = arith.addf %parallel_loop3A_552, %parallel_loop3A_556 : vector<16xf32>
        %parallel_loop3A_575 = arith.addf %parallel_loop3A_573, %parallel_loop3A_574 : vector<16xf32>
        %parallel_loop3A_576 = arith.addf %parallel_loop3A_560, %parallel_loop3A_564 : vector<16xf32>
        %parallel_loop3A_577 = arith.addf %parallel_loop3A_568, %parallel_loop3A_572 : vector<16xf32>
        %parallel_loop3A_578 = arith.addf %parallel_loop3A_576, %parallel_loop3A_577 : vector<16xf32>
        %parallel_loop3A_579 = arith.addf %parallel_loop3A_575, %parallel_loop3A_578 : vector<16xf32>
        %parallel_loop3A_580 = arith.addf %parallel_loop3A_579, %parallel_loop3A_413 : vector<16xf32>
        %parallel_loop3A_581 = arith.constant 1 : i32
        %parallel_loop3A_582 = arith.index_cast %parallel_loop3A_581 : i32 to index
        %parallel_loop3A_583 = arith.index_cast %parallel_loop3A_385 : i32 to index
        %parallel_loop3A_584 = arith.index_cast %parallel_loop3A_403 : i32 to index
        %parallel_loop3A_585 = tpu.vector_load %arg9[%parallel_loop3A_582, %parallel_loop3A_583, %parallel_loop3A_584] {strides = array<i32>} : memref<3x8x128xf32, #tpu.memory_space<vmem>>, vector<16xf32>,
        tpu.vector_store %arg9[%parallel_loop3A_582, %parallel_loop3A_583, %parallel_loop3A_584], %parallel_loop3A_580 {strides = array<i32>} : memref<3x8x128xf32, #tpu.memory_space<vmem>>, vector<16xf32>,
        %parallel_loop3A_586 = arith.constant 71888 : i32
        %parallel_loop3A_587 = tpu.memref_slice %arg5[%parallel_loop3A_586] : memref<107832xf32, #tpu.memory_space<vmem>> -> memref<35944xf32, #tpu.memory_space<vmem>>
        %parallel_loop3A_588 = tpu.vector_load_idx %parallel_loop3A_587[%parallel_loop3A_459] : memref<35944xf32, #tpu.memory_space<vmem>>[vector<16xi32>], vector<16xf32>,
        %parallel_loop3A_589 = arith.mulf %parallel_loop3A_588, %parallel_loop3A_488 : vector<16xf32>
        %parallel_loop3A_590 = arith.constant 71888 : i32
        %parallel_loop3A_591 = tpu.memref_slice %arg5[%parallel_loop3A_590] : memref<107832xf32, #tpu.memory_space<vmem>> -> memref<35944xf32, #tpu.memory_space<vmem>>
        %parallel_loop3A_592 = tpu.vector_load_idx %parallel_loop3A_591[%parallel_loop3A_460] : memref<35944xf32, #tpu.memory_space<vmem>>[vector<16xi32>], vector<16xf32>,
        %parallel_loop3A_593 = arith.mulf %parallel_loop3A_592, %parallel_loop3A_489 : vector<16xf32>
        %parallel_loop3A_594 = arith.constant 71888 : i32
        %parallel_loop3A_595 = tpu.memref_slice %arg5[%parallel_loop3A_594] : memref<107832xf32, #tpu.memory_space<vmem>> -> memref<35944xf32, #tpu.memory_space<vmem>>
        %parallel_loop3A_596 = tpu.vector_load_idx %parallel_loop3A_595[%parallel_loop3A_461] : memref<35944xf32, #tpu.memory_space<vmem>>[vector<16xi32>], vector<16xf32>,
        %parallel_loop3A_597 = arith.mulf %parallel_loop3A_596, %parallel_loop3A_490 : vector<16xf32>
        %parallel_loop3A_598 = arith.constant 71888 : i32
        %parallel_loop3A_599 = tpu.memref_slice %arg5[%parallel_loop3A_598] : memref<107832xf32, #tpu.memory_space<vmem>> -> memref<35944xf32, #tpu.memory_space<vmem>>
        %parallel_loop3A_600 = tpu.vector_load_idx %parallel_loop3A_599[%parallel_loop3A_462] : memref<35944xf32, #tpu.memory_space<vmem>>[vector<16xi32>], vector<16xf32>,
        %parallel_loop3A_601 = arith.mulf %parallel_loop3A_600, %parallel_loop3A_491 : vector<16xf32>
        %parallel_loop3A_602 = arith.constant 71888 : i32
        %parallel_loop3A_603 = tpu.memref_slice %arg5[%parallel_loop3A_602] : memref<107832xf32, #tpu.memory_space<vmem>> -> memref<35944xf32, #tpu.memory_space<vmem>>
        %parallel_loop3A_604 = tpu.vector_load_idx %parallel_loop3A_603[%parallel_loop3A_465] : memref<35944xf32, #tpu.memory_space<vmem>>[vector<16xi32>], vector<16xf32>,
        %parallel_loop3A_605 = arith.mulf %parallel_loop3A_604, %parallel_loop3A_492 : vector<16xf32>
        %parallel_loop3A_606 = arith.constant 71888 : i32
        %parallel_loop3A_607 = tpu.memref_slice %arg5[%parallel_loop3A_606] : memref<107832xf32, #tpu.memory_space<vmem>> -> memref<35944xf32, #tpu.memory_space<vmem>>
        %parallel_loop3A_608 = tpu.vector_load_idx %parallel_loop3A_607[%parallel_loop3A_468] : memref<35944xf32, #tpu.memory_space<vmem>>[vector<16xi32>], vector<16xf32>,
        %parallel_loop3A_609 = arith.mulf %parallel_loop3A_608, %parallel_loop3A_493 : vector<16xf32>
        %parallel_loop3A_610 = arith.constant 71888 : i32
        %parallel_loop3A_611 = tpu.memref_slice %arg5[%parallel_loop3A_610] : memref<107832xf32, #tpu.memory_space<vmem>> -> memref<35944xf32, #tpu.memory_space<vmem>>
        %parallel_loop3A_612 = tpu.vector_load_idx %parallel_loop3A_611[%parallel_loop3A_471] : memref<35944xf32, #tpu.memory_space<vmem>>[vector<16xi32>], vector<16xf32>,
        %parallel_loop3A_613 = arith.mulf %parallel_loop3A_612, %parallel_loop3A_494 : vector<16xf32>
        %parallel_loop3A_614 = arith.constant 71888 : i32
        %parallel_loop3A_615 = tpu.memref_slice %arg5[%parallel_loop3A_614] : memref<107832xf32, #tpu.memory_space<vmem>> -> memref<35944xf32, #tpu.memory_space<vmem>>
        %parallel_loop3A_616 = tpu.vector_load_idx %parallel_loop3A_615[%parallel_loop3A_474] : memref<35944xf32, #tpu.memory_space<vmem>>[vector<16xi32>], vector<16xf32>,
        %parallel_loop3A_617 = arith.mulf %parallel_loop3A_616, %parallel_loop3A_495 : vector<16xf32>
        %parallel_loop3A_618 = arith.addf %parallel_loop3A_589, %parallel_loop3A_593 : vector<16xf32>
        %parallel_loop3A_619 = arith.addf %parallel_loop3A_597, %parallel_loop3A_601 : vector<16xf32>
        %parallel_loop3A_620 = arith.addf %parallel_loop3A_618, %parallel_loop3A_619 : vector<16xf32>
        %parallel_loop3A_621 = arith.addf %parallel_loop3A_605, %parallel_loop3A_609 : vector<16xf32>
        %parallel_loop3A_622 = arith.addf %parallel_loop3A_613, %parallel_loop3A_617 : vector<16xf32>
        %parallel_loop3A_623 = arith.addf %parallel_loop3A_621, %parallel_loop3A_622 : vector<16xf32>
        %parallel_loop3A_624 = arith.addf %parallel_loop3A_620, %parallel_loop3A_623 : vector<16xf32>
        %parallel_loop3A_625 = arith.addf %parallel_loop3A_624, %parallel_loop3A_418 : vector<16xf32>
        %parallel_loop3A_626 = arith.constant 2 : i32
        %parallel_loop3A_627 = arith.index_cast %parallel_loop3A_626 : i32 to index
        %parallel_loop3A_628 = arith.index_cast %parallel_loop3A_385 : i32 to index
        %parallel_loop3A_629 = arith.index_cast %parallel_loop3A_403 : i32 to index
        %parallel_loop3A_630 = tpu.vector_load %arg9[%parallel_loop3A_627, %parallel_loop3A_628, %parallel_loop3A_629] {strides = array<i32>} : memref<3x8x128xf32, #tpu.memory_space<vmem>>, vector<16xf32>,
        tpu.vector_store %arg9[%parallel_loop3A_627, %parallel_loop3A_628, %parallel_loop3A_629], %parallel_loop3A_625 {strides = array<i32>} : memref<3x8x128xf32, #tpu.memory_space<vmem>>, vector<16xf32>,
      } {sc.loop_unroll_factor = 2 : i64, sc.parallel_access}
      %jit3A_309 = arith.constant 4 : i32
      %div3A_310 = arith.divsi %add3A_87, %jit3A_309 : i32
      %sign3A_311 = arith.constant 0 : i32
      %sign3A_312 = arith.cmpi sgt, %add3A_87, %sign3A_311 : i32
      %sign3A_313 = arith.extui %sign3A_312 : i1 to i32
      %sign3A_314 = arith.constant 0 : i32
      %sign3A_315 = arith.cmpi slt, %add3A_87, %sign3A_314 : i32
      %sign3A_316 = arith.extui %sign3A_315 : i1 to i32
      %sign3A_317 = arith.subi %sign3A_313, %sign3A_316 : i32
      %sign3A_318 = arith.constant 0 : i32
      %sign3A_319 = arith.cmpi sgt, %jit3A_309, %sign3A_318 : i32
      %sign3A_320 = arith.extui %sign3A_319 : i1 to i32
      %sign3A_321 = arith.constant 0 : i32
      %sign3A_322 = arith.cmpi slt, %jit3A_309, %sign3A_321 : i32
      %sign3A_323 = arith.extui %sign3A_322 : i1 to i32
      %sign3A_324 = arith.subi %sign3A_320, %sign3A_323 : i32
      %ne3A_325 = arith.cmpi ne, %sign3A_317, %sign3A_324 : i32
      %rem3A_326 = arith.remsi %add3A_87, %jit3A_309 : i32
      %ne3A_327 = arith.constant 0 : i32
      %ne3A_328 = arith.cmpi ne, %rem3A_326, %ne3A_327 : i32
      %and3A_329 = arith.andi %ne3A_325, %ne3A_328 : i1
      %sub3A_330 = arith.constant 1 : i32
      %sub3A_331 = arith.subi %div3A_310, %sub3A_330 : i32
      %select_n3A_332 = arith.select %and3A_329, %sub3A_331, %div3A_310 : i32
      %mul3A_333 = arith.constant 8 : i32
      %mul3A_334 = arith.muli %select_n3A_332, %mul3A_333 : i32
      %add3A_335 = arith.addi %mul3A_32, %mul3A_334 : i32
      %jit3A_336 = arith.constant 4 : i32
      %eq3A_337 = arith.constant 0 : i32
      %eq3A_338 = arith.cmpi eq, %jit3A_336, %eq3A_337 : i32
      %jit3A_339 = arith.constant 1 : i32
      %select_n3A_340 = arith.select %eq3A_338, %jit3A_339, %jit3A_336 : i32
      %rem3A_341 = arith.remsi %add3A_87, %select_n3A_340 : i32
      %ne3A_342 = arith.constant 0 : i32
      %ne3A_343 = arith.cmpi ne, %rem3A_341, %ne3A_342 : i32
      %lt3A_344 = arith.constant 0 : i32
      %lt3A_345 = arith.cmpi slt, %rem3A_341, %lt3A_344 : i32
      %lt3A_346 = arith.constant 0 : i32
      %lt3A_347 = arith.cmpi slt, %select_n3A_340, %lt3A_346 : i32
      %ne3A_348 = arith.xori %lt3A_345, %lt3A_347 : i1
      %and3A_349 = arith.andi %ne3A_348, %ne3A_343 : i1
      %add3A_350 = arith.addi %rem3A_341, %select_n3A_340 : i32
      %select_n3A_351 = arith.select %and3A_349, %add3A_350, %rem3A_341 : i32
      %mul3A_352 = arith.constant 128 : i32
      %mul3A_353 = arith.muli %select_n3A_351, %mul3A_352 : i32
      %dma_start3A_354 = arith.constant 0 : i32
      %dma_start3A_355 = tpu.memref_slice %arg4[%select_n3A, %dma_start3A_354, %add3A_335, %mul3A_353] : memref<4x3x512x512xf32, #tpu.memory_space<hbm>> -> memref<1x3x8x128xf32, #tpu.memory_space<hbm>>
      %dma_start3A_356 = tpu.memref_squeeze %dma_start3A_355 : memref<1x3x8x128xf32, #tpu.memory_space<hbm>> -> memref<3x8x128xf32, #tpu.memory_space<hbm>>
      %dma_start3A_357 = arith.constant 0 : i32
      %dma_start3A_358 = tpu.memref_slice %arg4[%select_n3A, %dma_start3A_357, %add3A_335, %mul3A_353] : memref<4x3x512x512xf32, #tpu.memory_space<hbm>> -> memref<1x3x8x128xf32, #tpu.memory_space<hbm>>
      %dma_start3A_359 = tpu.memref_squeeze %dma_start3A_358 : memref<1x3x8x128xf32, #tpu.memory_space<hbm>> -> memref<3x8x128xf32, #tpu.memory_space<hbm>>
      tpu.enqueue_dma source(%arg9 : memref<3x8x128xf32, #tpu.memory_space<vmem>>) target(%dma_start3A_359 : memref<3x8x128xf32, #tpu.memory_space<hbm>>) target_semaphore(%arg14 : memref<!tpu.dma_semaphore, #tpu.memory_space<semaphore_mem>>)
      %scan3A_360 = arith.constant 0 : i32
      scf.yield %scan3A_360 : i32
    }
    %scan3A_59 = arith.constant 16 : i32
    %add3A_60 = arith.constant 56 : i32
    %add3A_61 = arith.addi %mul3A_32, %add3A_60 : i32
    %dma_wait3A_62 = arith.constant 0 : i32
    %dma_wait3A_63 = arith.constant 256 : i32
    %dma_wait3A_64 = tpu.memref_slice %arg4[%select_n3A, %dma_wait3A_62, %add3A_61, %dma_wait3A_63] : memref<4x3x512x512xf32, #tpu.memory_space<hbm>> -> memref<1x3x8x128xf32, #tpu.memory_space<hbm>>
    %dma_wait3A_65 = tpu.memref_squeeze %dma_wait3A_64 : memref<1x3x8x128xf32, #tpu.memory_space<hbm>> -> memref<3x8x128xf32, #tpu.memory_space<hbm>>
    %dma_wait3A_66 = arith.constant 0 : i32
    %dma_wait3A_67 = arith.constant 256 : i32
    %dma_wait3A_68 = tpu.memref_slice %arg4[%select_n3A, %dma_wait3A_66, %add3A_61, %dma_wait3A_67] : memref<4x3x512x512xf32, #tpu.memory_space<hbm>> -> memref<1x3x8x128xf32, #tpu.memory_space<hbm>>
    %dma_wait3A_69 = tpu.memref_squeeze %dma_wait3A_68 : memref<1x3x8x128xf32, #tpu.memory_space<hbm>> -> memref<3x8x128xf32, #tpu.memory_space<hbm>>
    tpu.wait_dma2 semaphore(%arg13 : memref<!tpu.dma_semaphore, #tpu.memory_space<semaphore_mem>>) src(%arg8 : memref<3x8x128xf32, #tpu.memory_space<vmem>>) dst(%dma_wait3A_69 : memref<3x8x128xf32, #tpu.memory_space<hbm>>)
    %add3A_70 = arith.constant 56 : i32
    %add3A_71 = arith.addi %mul3A_32, %add3A_70 : i32
    %dma_wait3A_72 = arith.constant 0 : i32
    %dma_wait3A_73 = arith.constant 384 : i32
    %dma_wait3A_74 = tpu.memref_slice %arg4[%select_n3A, %dma_wait3A_72, %add3A_71, %dma_wait3A_73] : memref<4x3x512x512xf32, #tpu.memory_space<hbm>> -> memref<1x3x8x128xf32, #tpu.memory_space<hbm>>
    %dma_wait3A_75 = tpu.memref_squeeze %dma_wait3A_74 : memref<1x3x8x128xf32, #tpu.memory_space<hbm>> -> memref<3x8x128xf32, #tpu.memory_space<hbm>>
    %dma_wait3A_76 = arith.constant 0 : i32
    %dma_wait3A_77 = arith.constant 384 : i32
    %dma_wait3A_78 = tpu.memref_slice %arg4[%select_n3A, %dma_wait3A_76, %add3A_71, %dma_wait3A_77] : memref<4x3x512x512xf32, #tpu.memory_space<hbm>> -> memref<1x3x8x128xf32, #tpu.memory_space<hbm>>
    %dma_wait3A_79 = tpu.memref_squeeze %dma_wait3A_78 : memref<1x3x8x128xf32, #tpu.memory_space<hbm>> -> memref<3x8x128xf32, #tpu.memory_space<hbm>>
    tpu.wait_dma2 semaphore(%arg14 : memref<!tpu.dma_semaphore, #tpu.memory_space<semaphore_mem>>) src(%arg9 : memref<3x8x128xf32, #tpu.memory_space<vmem>>) dst(%dma_wait3A_79 : memref<3x8x128xf32, #tpu.memory_space<hbm>>)
    return
  }
}

module attributes {stable_mosaic.version = 14 : i64} {
  func.func @_combine_body(%arg0: i32, %arg1: i32, %arg2: memref<4x20xf32, #tpu.memory_space<smem>>, %arg3: memref<20x1x33x33x33xf32, #tpu.memory_space<vmem>>, %arg4: memref<4x1x33x33x33xf32, #tpu.memory_space<vmem>>) attributes {dimension_semantics = [#tpu.dimension_semantics<arbitrary>, #tpu.dimension_semantics<arbitrary>], iteration_bounds = array<i64: 3, 1>, scalar_prefetch = 0 : i64, scratch_operands = 0 : i64, tpu.core_type = #tpu.core_type<tc>, window_params = [{transform_indices = @transform_0, window_bounds = array<i64: 4, 20>}, {transform_indices = @transform_1, window_bounds = array<i64: 20, 1, 33, 33, 33>}, {transform_indices = @transform_2, window_bounds = array<i64: 4, 1, 33, 33, 33>}]} {
    %get3A = arith.constant 0 : index
    %get3A_0 = arith.constant 0 : index
    %get3A_1 = memref.load %arg2[%get3A, %get3A_0] : memref<4x20xf32, #tpu.memory_space<smem>>
    %get3A_2 = arith.constant 0 : index
    %get3A_3 = arith.constant 0 : index
    %get3A_4 = arith.constant 0 : index
    %get3A_5 = arith.constant 0 : index
    %get3A_6 = arith.constant 0 : index
    %get3A_7 = vector.load %arg3[%get3A_2, %get3A_3, %get3A_4, %get3A_5, %get3A_6] : memref<20x1x33x33x33xf32, #tpu.memory_space<vmem>>, vector<1x1x33x33x33xf32>
    %get3A_8 = vector.shape_cast %get3A_7 : vector<1x1x33x33x33xf32> to vector<33x33x33xf32>
    %mul3A = vector.broadcast %get3A_1 : f32 to vector<33x33x33xf32>
    %mul3A_9 = arith.mulf %mul3A, %get3A_8 : vector<33x33x33xf32>
    %get3A_10 = arith.constant 0 : index
    %get3A_11 = arith.constant 1 : index
    %get3A_12 = memref.load %arg2[%get3A_10, %get3A_11] : memref<4x20xf32, #tpu.memory_space<smem>>
    %get3A_13 = arith.constant 1 : index
    %get3A_14 = arith.constant 0 : index
    %get3A_15 = arith.constant 0 : index
    %get3A_16 = arith.constant 0 : index
    %get3A_17 = arith.constant 0 : index
    %get3A_18 = vector.load %arg3[%get3A_13, %get3A_14, %get3A_15, %get3A_16, %get3A_17] : memref<20x1x33x33x33xf32, #tpu.memory_space<vmem>>, vector<1x1x33x33x33xf32>
    %get3A_19 = vector.shape_cast %get3A_18 : vector<1x1x33x33x33xf32> to vector<33x33x33xf32>
    %mul3A_20 = vector.broadcast %get3A_12 : f32 to vector<33x33x33xf32>
    %mul3A_21 = arith.mulf %mul3A_20, %get3A_19 : vector<33x33x33xf32>
    %add3A = arith.addf %mul3A_9, %mul3A_21 : vector<33x33x33xf32>
    %get3A_22 = arith.constant 0 : index
    %get3A_23 = arith.constant 2 : index
    %get3A_24 = memref.load %arg2[%get3A_22, %get3A_23] : memref<4x20xf32, #tpu.memory_space<smem>>
    %get3A_25 = arith.constant 2 : index
    %get3A_26 = arith.constant 0 : index
    %get3A_27 = arith.constant 0 : index
    %get3A_28 = arith.constant 0 : index
    %get3A_29 = arith.constant 0 : index
    %get3A_30 = vector.load %arg3[%get3A_25, %get3A_26, %get3A_27, %get3A_28, %get3A_29] : memref<20x1x33x33x33xf32, #tpu.memory_space<vmem>>, vector<1x1x33x33x33xf32>
    %get3A_31 = vector.shape_cast %get3A_30 : vector<1x1x33x33x33xf32> to vector<33x33x33xf32>
    %mul3A_32 = vector.broadcast %get3A_24 : f32 to vector<33x33x33xf32>
    %mul3A_33 = arith.mulf %mul3A_32, %get3A_31 : vector<33x33x33xf32>
    %add3A_34 = arith.addf %add3A, %mul3A_33 : vector<33x33x33xf32>
    %get3A_35 = arith.constant 0 : index
    %get3A_36 = arith.constant 3 : index
    %get3A_37 = memref.load %arg2[%get3A_35, %get3A_36] : memref<4x20xf32, #tpu.memory_space<smem>>
    %get3A_38 = arith.constant 3 : index
    %get3A_39 = arith.constant 0 : index
    %get3A_40 = arith.constant 0 : index
    %get3A_41 = arith.constant 0 : index
    %get3A_42 = arith.constant 0 : index
    %get3A_43 = vector.load %arg3[%get3A_38, %get3A_39, %get3A_40, %get3A_41, %get3A_42] : memref<20x1x33x33x33xf32, #tpu.memory_space<vmem>>, vector<1x1x33x33x33xf32>
    %get3A_44 = vector.shape_cast %get3A_43 : vector<1x1x33x33x33xf32> to vector<33x33x33xf32>
    %mul3A_45 = vector.broadcast %get3A_37 : f32 to vector<33x33x33xf32>
    %mul3A_46 = arith.mulf %mul3A_45, %get3A_44 : vector<33x33x33xf32>
    %add3A_47 = arith.addf %add3A_34, %mul3A_46 : vector<33x33x33xf32>
    %get3A_48 = arith.constant 0 : index
    %get3A_49 = arith.constant 4 : index
    %get3A_50 = memref.load %arg2[%get3A_48, %get3A_49] : memref<4x20xf32, #tpu.memory_space<smem>>
    %get3A_51 = arith.constant 4 : index
    %get3A_52 = arith.constant 0 : index
    %get3A_53 = arith.constant 0 : index
    %get3A_54 = arith.constant 0 : index
    %get3A_55 = arith.constant 0 : index
    %get3A_56 = vector.load %arg3[%get3A_51, %get3A_52, %get3A_53, %get3A_54, %get3A_55] : memref<20x1x33x33x33xf32, #tpu.memory_space<vmem>>, vector<1x1x33x33x33xf32>
    %get3A_57 = vector.shape_cast %get3A_56 : vector<1x1x33x33x33xf32> to vector<33x33x33xf32>
    %mul3A_58 = vector.broadcast %get3A_50 : f32 to vector<33x33x33xf32>
    %mul3A_59 = arith.mulf %mul3A_58, %get3A_57 : vector<33x33x33xf32>
    %add3A_60 = arith.addf %add3A_47, %mul3A_59 : vector<33x33x33xf32>
    %get3A_61 = arith.constant 0 : index
    %get3A_62 = arith.constant 5 : index
    %get3A_63 = memref.load %arg2[%get3A_61, %get3A_62] : memref<4x20xf32, #tpu.memory_space<smem>>
    %get3A_64 = arith.constant 5 : index
    %get3A_65 = arith.constant 0 : index
    %get3A_66 = arith.constant 0 : index
    %get3A_67 = arith.constant 0 : index
    %get3A_68 = arith.constant 0 : index
    %get3A_69 = vector.load %arg3[%get3A_64, %get3A_65, %get3A_66, %get3A_67, %get3A_68] : memref<20x1x33x33x33xf32, #tpu.memory_space<vmem>>, vector<1x1x33x33x33xf32>
    %get3A_70 = vector.shape_cast %get3A_69 : vector<1x1x33x33x33xf32> to vector<33x33x33xf32>
    %mul3A_71 = vector.broadcast %get3A_63 : f32 to vector<33x33x33xf32>
    %mul3A_72 = arith.mulf %mul3A_71, %get3A_70 : vector<33x33x33xf32>
    %add3A_73 = arith.addf %add3A_60, %mul3A_72 : vector<33x33x33xf32>
    %get3A_74 = arith.constant 0 : index
    %get3A_75 = arith.constant 6 : index
    %get3A_76 = memref.load %arg2[%get3A_74, %get3A_75] : memref<4x20xf32, #tpu.memory_space<smem>>
    %get3A_77 = arith.constant 6 : index
    %get3A_78 = arith.constant 0 : index
    %get3A_79 = arith.constant 0 : index
    %get3A_80 = arith.constant 0 : index
    %get3A_81 = arith.constant 0 : index
    %get3A_82 = vector.load %arg3[%get3A_77, %get3A_78, %get3A_79, %get3A_80, %get3A_81] : memref<20x1x33x33x33xf32, #tpu.memory_space<vmem>>, vector<1x1x33x33x33xf32>
    %get3A_83 = vector.shape_cast %get3A_82 : vector<1x1x33x33x33xf32> to vector<33x33x33xf32>
    %mul3A_84 = vector.broadcast %get3A_76 : f32 to vector<33x33x33xf32>
    %mul3A_85 = arith.mulf %mul3A_84, %get3A_83 : vector<33x33x33xf32>
    %add3A_86 = arith.addf %add3A_73, %mul3A_85 : vector<33x33x33xf32>
    %get3A_87 = arith.constant 0 : index
    %get3A_88 = arith.constant 7 : index
    %get3A_89 = memref.load %arg2[%get3A_87, %get3A_88] : memref<4x20xf32, #tpu.memory_space<smem>>
    %get3A_90 = arith.constant 7 : index
    %get3A_91 = arith.constant 0 : index
    %get3A_92 = arith.constant 0 : index
    %get3A_93 = arith.constant 0 : index
    %get3A_94 = arith.constant 0 : index
    %get3A_95 = vector.load %arg3[%get3A_90, %get3A_91, %get3A_92, %get3A_93, %get3A_94] : memref<20x1x33x33x33xf32, #tpu.memory_space<vmem>>, vector<1x1x33x33x33xf32>
    %get3A_96 = vector.shape_cast %get3A_95 : vector<1x1x33x33x33xf32> to vector<33x33x33xf32>
    %mul3A_97 = vector.broadcast %get3A_89 : f32 to vector<33x33x33xf32>
    %mul3A_98 = arith.mulf %mul3A_97, %get3A_96 : vector<33x33x33xf32>
    %add3A_99 = arith.addf %add3A_86, %mul3A_98 : vector<33x33x33xf32>
    %get3A_100 = arith.constant 0 : index
    %get3A_101 = arith.constant 8 : index
    %get3A_102 = memref.load %arg2[%get3A_100, %get3A_101] : memref<4x20xf32, #tpu.memory_space<smem>>
    %get3A_103 = arith.constant 8 : index
    %get3A_104 = arith.constant 0 : index
    %get3A_105 = arith.constant 0 : index
    %get3A_106 = arith.constant 0 : index
    %get3A_107 = arith.constant 0 : index
    %get3A_108 = vector.load %arg3[%get3A_103, %get3A_104, %get3A_105, %get3A_106, %get3A_107] : memref<20x1x33x33x33xf32, #tpu.memory_space<vmem>>, vector<1x1x33x33x33xf32>
    %get3A_109 = vector.shape_cast %get3A_108 : vector<1x1x33x33x33xf32> to vector<33x33x33xf32>
    %mul3A_110 = vector.broadcast %get3A_102 : f32 to vector<33x33x33xf32>
    %mul3A_111 = arith.mulf %mul3A_110, %get3A_109 : vector<33x33x33xf32>
    %add3A_112 = arith.addf %add3A_99, %mul3A_111 : vector<33x33x33xf32>
    %get3A_113 = arith.constant 0 : index
    %get3A_114 = arith.constant 9 : index
    %get3A_115 = memref.load %arg2[%get3A_113, %get3A_114] : memref<4x20xf32, #tpu.memory_space<smem>>
    %get3A_116 = arith.constant 9 : index
    %get3A_117 = arith.constant 0 : index
    %get3A_118 = arith.constant 0 : index
    %get3A_119 = arith.constant 0 : index
    %get3A_120 = arith.constant 0 : index
    %get3A_121 = vector.load %arg3[%get3A_116, %get3A_117, %get3A_118, %get3A_119, %get3A_120] : memref<20x1x33x33x33xf32, #tpu.memory_space<vmem>>, vector<1x1x33x33x33xf32>
    %get3A_122 = vector.shape_cast %get3A_121 : vector<1x1x33x33x33xf32> to vector<33x33x33xf32>
    %mul3A_123 = vector.broadcast %get3A_115 : f32 to vector<33x33x33xf32>
    %mul3A_124 = arith.mulf %mul3A_123, %get3A_122 : vector<33x33x33xf32>
    %add3A_125 = arith.addf %add3A_112, %mul3A_124 : vector<33x33x33xf32>
    %get3A_126 = arith.constant 0 : index
    %get3A_127 = arith.constant 10 : index
    %get3A_128 = memref.load %arg2[%get3A_126, %get3A_127] : memref<4x20xf32, #tpu.memory_space<smem>>
    %get3A_129 = arith.constant 10 : index
    %get3A_130 = arith.constant 0 : index
    %get3A_131 = arith.constant 0 : index
    %get3A_132 = arith.constant 0 : index
    %get3A_133 = arith.constant 0 : index
    %get3A_134 = vector.load %arg3[%get3A_129, %get3A_130, %get3A_131, %get3A_132, %get3A_133] : memref<20x1x33x33x33xf32, #tpu.memory_space<vmem>>, vector<1x1x33x33x33xf32>
    %get3A_135 = vector.shape_cast %get3A_134 : vector<1x1x33x33x33xf32> to vector<33x33x33xf32>
    %mul3A_136 = vector.broadcast %get3A_128 : f32 to vector<33x33x33xf32>
    %mul3A_137 = arith.mulf %mul3A_136, %get3A_135 : vector<33x33x33xf32>
    %add3A_138 = arith.addf %add3A_125, %mul3A_137 : vector<33x33x33xf32>
    %get3A_139 = arith.constant 0 : index
    %get3A_140 = arith.constant 11 : index
    %get3A_141 = memref.load %arg2[%get3A_139, %get3A_140] : memref<4x20xf32, #tpu.memory_space<smem>>
    %get3A_142 = arith.constant 11 : index
    %get3A_143 = arith.constant 0 : index
    %get3A_144 = arith.constant 0 : index
    %get3A_145 = arith.constant 0 : index
    %get3A_146 = arith.constant 0 : index
    %get3A_147 = vector.load %arg3[%get3A_142, %get3A_143, %get3A_144, %get3A_145, %get3A_146] : memref<20x1x33x33x33xf32, #tpu.memory_space<vmem>>, vector<1x1x33x33x33xf32>
    %get3A_148 = vector.shape_cast %get3A_147 : vector<1x1x33x33x33xf32> to vector<33x33x33xf32>
    %mul3A_149 = vector.broadcast %get3A_141 : f32 to vector<33x33x33xf32>
    %mul3A_150 = arith.mulf %mul3A_149, %get3A_148 : vector<33x33x33xf32>
    %add3A_151 = arith.addf %add3A_138, %mul3A_150 : vector<33x33x33xf32>
    %get3A_152 = arith.constant 0 : index
    %get3A_153 = arith.constant 12 : index
    %get3A_154 = memref.load %arg2[%get3A_152, %get3A_153] : memref<4x20xf32, #tpu.memory_space<smem>>
    %get3A_155 = arith.constant 12 : index
    %get3A_156 = arith.constant 0 : index
    %get3A_157 = arith.constant 0 : index
    %get3A_158 = arith.constant 0 : index
    %get3A_159 = arith.constant 0 : index
    %get3A_160 = vector.load %arg3[%get3A_155, %get3A_156, %get3A_157, %get3A_158, %get3A_159] : memref<20x1x33x33x33xf32, #tpu.memory_space<vmem>>, vector<1x1x33x33x33xf32>
    %get3A_161 = vector.shape_cast %get3A_160 : vector<1x1x33x33x33xf32> to vector<33x33x33xf32>
    %mul3A_162 = vector.broadcast %get3A_154 : f32 to vector<33x33x33xf32>
    %mul3A_163 = arith.mulf %mul3A_162, %get3A_161 : vector<33x33x33xf32>
    %add3A_164 = arith.addf %add3A_151, %mul3A_163 : vector<33x33x33xf32>
    %get3A_165 = arith.constant 0 : index
    %get3A_166 = arith.constant 13 : index
    %get3A_167 = memref.load %arg2[%get3A_165, %get3A_166] : memref<4x20xf32, #tpu.memory_space<smem>>
    %get3A_168 = arith.constant 13 : index
    %get3A_169 = arith.constant 0 : index
    %get3A_170 = arith.constant 0 : index
    %get3A_171 = arith.constant 0 : index
    %get3A_172 = arith.constant 0 : index
    %get3A_173 = vector.load %arg3[%get3A_168, %get3A_169, %get3A_170, %get3A_171, %get3A_172] : memref<20x1x33x33x33xf32, #tpu.memory_space<vmem>>, vector<1x1x33x33x33xf32>
    %get3A_174 = vector.shape_cast %get3A_173 : vector<1x1x33x33x33xf32> to vector<33x33x33xf32>
    %mul3A_175 = vector.broadcast %get3A_167 : f32 to vector<33x33x33xf32>
    %mul3A_176 = arith.mulf %mul3A_175, %get3A_174 : vector<33x33x33xf32>
    %add3A_177 = arith.addf %add3A_164, %mul3A_176 : vector<33x33x33xf32>
    %get3A_178 = arith.constant 0 : index
    %get3A_179 = arith.constant 14 : index
    %get3A_180 = memref.load %arg2[%get3A_178, %get3A_179] : memref<4x20xf32, #tpu.memory_space<smem>>
    %get3A_181 = arith.constant 14 : index
    %get3A_182 = arith.constant 0 : index
    %get3A_183 = arith.constant 0 : index
    %get3A_184 = arith.constant 0 : index
    %get3A_185 = arith.constant 0 : index
    %get3A_186 = vector.load %arg3[%get3A_181, %get3A_182, %get3A_183, %get3A_184, %get3A_185] : memref<20x1x33x33x33xf32, #tpu.memory_space<vmem>>, vector<1x1x33x33x33xf32>
    %get3A_187 = vector.shape_cast %get3A_186 : vector<1x1x33x33x33xf32> to vector<33x33x33xf32>
    %mul3A_188 = vector.broadcast %get3A_180 : f32 to vector<33x33x33xf32>
    %mul3A_189 = arith.mulf %mul3A_188, %get3A_187 : vector<33x33x33xf32>
    %add3A_190 = arith.addf %add3A_177, %mul3A_189 : vector<33x33x33xf32>
    %get3A_191 = arith.constant 0 : index
    %get3A_192 = arith.constant 15 : index
    %get3A_193 = memref.load %arg2[%get3A_191, %get3A_192] : memref<4x20xf32, #tpu.memory_space<smem>>
    %get3A_194 = arith.constant 15 : index
    %get3A_195 = arith.constant 0 : index
    %get3A_196 = arith.constant 0 : index
    %get3A_197 = arith.constant 0 : index
    %get3A_198 = arith.constant 0 : index
    %get3A_199 = vector.load %arg3[%get3A_194, %get3A_195, %get3A_196, %get3A_197, %get3A_198] : memref<20x1x33x33x33xf32, #tpu.memory_space<vmem>>, vector<1x1x33x33x33xf32>
    %get3A_200 = vector.shape_cast %get3A_199 : vector<1x1x33x33x33xf32> to vector<33x33x33xf32>
    %mul3A_201 = vector.broadcast %get3A_193 : f32 to vector<33x33x33xf32>
    %mul3A_202 = arith.mulf %mul3A_201, %get3A_200 : vector<33x33x33xf32>
    %add3A_203 = arith.addf %add3A_190, %mul3A_202 : vector<33x33x33xf32>
    %get3A_204 = arith.constant 0 : index
    %get3A_205 = arith.constant 16 : index
    %get3A_206 = memref.load %arg2[%get3A_204, %get3A_205] : memref<4x20xf32, #tpu.memory_space<smem>>
    %get3A_207 = arith.constant 16 : index
    %get3A_208 = arith.constant 0 : index
    %get3A_209 = arith.constant 0 : index
    %get3A_210 = arith.constant 0 : index
    %get3A_211 = arith.constant 0 : index
    %get3A_212 = vector.load %arg3[%get3A_207, %get3A_208, %get3A_209, %get3A_210, %get3A_211] : memref<20x1x33x33x33xf32, #tpu.memory_space<vmem>>, vector<1x1x33x33x33xf32>
    %get3A_213 = vector.shape_cast %get3A_212 : vector<1x1x33x33x33xf32> to vector<33x33x33xf32>
    %mul3A_214 = vector.broadcast %get3A_206 : f32 to vector<33x33x33xf32>
    %mul3A_215 = arith.mulf %mul3A_214, %get3A_213 : vector<33x33x33xf32>
    %add3A_216 = arith.addf %add3A_203, %mul3A_215 : vector<33x33x33xf32>
    %get3A_217 = arith.constant 0 : index
    %get3A_218 = arith.constant 17 : index
    %get3A_219 = memref.load %arg2[%get3A_217, %get3A_218] : memref<4x20xf32, #tpu.memory_space<smem>>
    %get3A_220 = arith.constant 17 : index
    %get3A_221 = arith.constant 0 : index
    %get3A_222 = arith.constant 0 : index
    %get3A_223 = arith.constant 0 : index
    %get3A_224 = arith.constant 0 : index
    %get3A_225 = vector.load %arg3[%get3A_220, %get3A_221, %get3A_222, %get3A_223, %get3A_224] : memref<20x1x33x33x33xf32, #tpu.memory_space<vmem>>, vector<1x1x33x33x33xf32>
    %get3A_226 = vector.shape_cast %get3A_225 : vector<1x1x33x33x33xf32> to vector<33x33x33xf32>
    %mul3A_227 = vector.broadcast %get3A_219 : f32 to vector<33x33x33xf32>
    %mul3A_228 = arith.mulf %mul3A_227, %get3A_226 : vector<33x33x33xf32>
    %add3A_229 = arith.addf %add3A_216, %mul3A_228 : vector<33x33x33xf32>
    %get3A_230 = arith.constant 0 : index
    %get3A_231 = arith.constant 18 : index
    %get3A_232 = memref.load %arg2[%get3A_230, %get3A_231] : memref<4x20xf32, #tpu.memory_space<smem>>
    %get3A_233 = arith.constant 18 : index
    %get3A_234 = arith.constant 0 : index
    %get3A_235 = arith.constant 0 : index
    %get3A_236 = arith.constant 0 : index
    %get3A_237 = arith.constant 0 : index
    %get3A_238 = vector.load %arg3[%get3A_233, %get3A_234, %get3A_235, %get3A_236, %get3A_237] : memref<20x1x33x33x33xf32, #tpu.memory_space<vmem>>, vector<1x1x33x33x33xf32>
    %get3A_239 = vector.shape_cast %get3A_238 : vector<1x1x33x33x33xf32> to vector<33x33x33xf32>
    %mul3A_240 = vector.broadcast %get3A_232 : f32 to vector<33x33x33xf32>
    %mul3A_241 = arith.mulf %mul3A_240, %get3A_239 : vector<33x33x33xf32>
    %add3A_242 = arith.addf %add3A_229, %mul3A_241 : vector<33x33x33xf32>
    %get3A_243 = arith.constant 0 : index
    %get3A_244 = arith.constant 19 : index
    %get3A_245 = memref.load %arg2[%get3A_243, %get3A_244] : memref<4x20xf32, #tpu.memory_space<smem>>
    %get3A_246 = arith.constant 19 : index
    %get3A_247 = arith.constant 0 : index
    %get3A_248 = arith.constant 0 : index
    %get3A_249 = arith.constant 0 : index
    %get3A_250 = arith.constant 0 : index
    %get3A_251 = vector.load %arg3[%get3A_246, %get3A_247, %get3A_248, %get3A_249, %get3A_250] : memref<20x1x33x33x33xf32, #tpu.memory_space<vmem>>, vector<1x1x33x33x33xf32>
    %get3A_252 = vector.shape_cast %get3A_251 : vector<1x1x33x33x33xf32> to vector<33x33x33xf32>
    %mul3A_253 = vector.broadcast %get3A_245 : f32 to vector<33x33x33xf32>
    %mul3A_254 = arith.mulf %mul3A_253, %get3A_252 : vector<33x33x33xf32>
    %add3A_255 = arith.addf %add3A_242, %mul3A_254 : vector<33x33x33xf32>
    %swap3A = arith.constant 0 : index
    %swap3A_256 = arith.constant 0 : index
    %swap3A_257 = arith.constant 0 : index
    %swap3A_258 = arith.constant 0 : index
    %swap3A_259 = arith.constant 0 : index
    %swap3A_260 = vector.load %arg4[%swap3A, %swap3A_256, %swap3A_257, %swap3A_258, %swap3A_259] : memref<4x1x33x33x33xf32, #tpu.memory_space<vmem>>, vector<1x1x33x33x33xf32>
    %swap3A_261 = vector.shape_cast %swap3A_260 : vector<1x1x33x33x33xf32> to vector<33x33x33xf32>
    %swap3A_262 = vector.shape_cast %add3A_255 : vector<33x33x33xf32> to vector<1x1x33x33x33xf32>
    tpu.vector_store %arg4[%swap3A, %swap3A_256, %swap3A_257, %swap3A_258, %swap3A_259], %swap3A_262 {strides = array<i32>} : memref<4x1x33x33x33xf32, #tpu.memory_space<vmem>>, vector<1x1x33x33x33xf32>,
    %get3A_263 = arith.constant 1 : index
    %get3A_264 = arith.constant 0 : index
    %get3A_265 = memref.load %arg2[%get3A_263, %get3A_264] : memref<4x20xf32, #tpu.memory_space<smem>>
    %get3A_266 = arith.constant 0 : index
    %get3A_267 = arith.constant 0 : index
    %get3A_268 = arith.constant 0 : index
    %get3A_269 = arith.constant 0 : index
    %get3A_270 = arith.constant 0 : index
    %get3A_271 = vector.load %arg3[%get3A_266, %get3A_267, %get3A_268, %get3A_269, %get3A_270] : memref<20x1x33x33x33xf32, #tpu.memory_space<vmem>>, vector<1x1x33x33x33xf32>
    %get3A_272 = vector.shape_cast %get3A_271 : vector<1x1x33x33x33xf32> to vector<33x33x33xf32>
    %mul3A_273 = vector.broadcast %get3A_265 : f32 to vector<33x33x33xf32>
    %mul3A_274 = arith.mulf %mul3A_273, %get3A_272 : vector<33x33x33xf32>
    %get3A_275 = arith.constant 1 : index
    %get3A_276 = arith.constant 1 : index
    %get3A_277 = memref.load %arg2[%get3A_275, %get3A_276] : memref<4x20xf32, #tpu.memory_space<smem>>
    %get3A_278 = arith.constant 1 : index
    %get3A_279 = arith.constant 0 : index
    %get3A_280 = arith.constant 0 : index
    %get3A_281 = arith.constant 0 : index
    %get3A_282 = arith.constant 0 : index
    %get3A_283 = vector.load %arg3[%get3A_278, %get3A_279, %get3A_280, %get3A_281, %get3A_282] : memref<20x1x33x33x33xf32, #tpu.memory_space<vmem>>, vector<1x1x33x33x33xf32>
    %get3A_284 = vector.shape_cast %get3A_283 : vector<1x1x33x33x33xf32> to vector<33x33x33xf32>
    %mul3A_285 = vector.broadcast %get3A_277 : f32 to vector<33x33x33xf32>
    %mul3A_286 = arith.mulf %mul3A_285, %get3A_284 : vector<33x33x33xf32>
    %add3A_287 = arith.addf %mul3A_274, %mul3A_286 : vector<33x33x33xf32>
    %get3A_288 = arith.constant 1 : index
    %get3A_289 = arith.constant 2 : index
    %get3A_290 = memref.load %arg2[%get3A_288, %get3A_289] : memref<4x20xf32, #tpu.memory_space<smem>>
    %get3A_291 = arith.constant 2 : index
    %get3A_292 = arith.constant 0 : index
    %get3A_293 = arith.constant 0 : index
    %get3A_294 = arith.constant 0 : index
    %get3A_295 = arith.constant 0 : index
    %get3A_296 = vector.load %arg3[%get3A_291, %get3A_292, %get3A_293, %get3A_294, %get3A_295] : memref<20x1x33x33x33xf32, #tpu.memory_space<vmem>>, vector<1x1x33x33x33xf32>
    %get3A_297 = vector.shape_cast %get3A_296 : vector<1x1x33x33x33xf32> to vector<33x33x33xf32>
    %mul3A_298 = vector.broadcast %get3A_290 : f32 to vector<33x33x33xf32>
    %mul3A_299 = arith.mulf %mul3A_298, %get3A_297 : vector<33x33x33xf32>
    %add3A_300 = arith.addf %add3A_287, %mul3A_299 : vector<33x33x33xf32>
    %get3A_301 = arith.constant 1 : index
    %get3A_302 = arith.constant 3 : index
    %get3A_303 = memref.load %arg2[%get3A_301, %get3A_302] : memref<4x20xf32, #tpu.memory_space<smem>>
    %get3A_304 = arith.constant 3 : index
    %get3A_305 = arith.constant 0 : index
    %get3A_306 = arith.constant 0 : index
    %get3A_307 = arith.constant 0 : index
    %get3A_308 = arith.constant 0 : index
    %get3A_309 = vector.load %arg3[%get3A_304, %get3A_305, %get3A_306, %get3A_307, %get3A_308] : memref<20x1x33x33x33xf32, #tpu.memory_space<vmem>>, vector<1x1x33x33x33xf32>
    %get3A_310 = vector.shape_cast %get3A_309 : vector<1x1x33x33x33xf32> to vector<33x33x33xf32>
    %mul3A_311 = vector.broadcast %get3A_303 : f32 to vector<33x33x33xf32>
    %mul3A_312 = arith.mulf %mul3A_311, %get3A_310 : vector<33x33x33xf32>
    %add3A_313 = arith.addf %add3A_300, %mul3A_312 : vector<33x33x33xf32>
    %get3A_314 = arith.constant 1 : index
    %get3A_315 = arith.constant 4 : index
    %get3A_316 = memref.load %arg2[%get3A_314, %get3A_315] : memref<4x20xf32, #tpu.memory_space<smem>>
    %get3A_317 = arith.constant 4 : index
    %get3A_318 = arith.constant 0 : index
    %get3A_319 = arith.constant 0 : index
    %get3A_320 = arith.constant 0 : index
    %get3A_321 = arith.constant 0 : index
    %get3A_322 = vector.load %arg3[%get3A_317, %get3A_318, %get3A_319, %get3A_320, %get3A_321] : memref<20x1x33x33x33xf32, #tpu.memory_space<vmem>>, vector<1x1x33x33x33xf32>
    %get3A_323 = vector.shape_cast %get3A_322 : vector<1x1x33x33x33xf32> to vector<33x33x33xf32>
    %mul3A_324 = vector.broadcast %get3A_316 : f32 to vector<33x33x33xf32>
    %mul3A_325 = arith.mulf %mul3A_324, %get3A_323 : vector<33x33x33xf32>
    %add3A_326 = arith.addf %add3A_313, %mul3A_325 : vector<33x33x33xf32>
    %get3A_327 = arith.constant 1 : index
    %get3A_328 = arith.constant 5 : index
    %get3A_329 = memref.load %arg2[%get3A_327, %get3A_328] : memref<4x20xf32, #tpu.memory_space<smem>>
    %get3A_330 = arith.constant 5 : index
    %get3A_331 = arith.constant 0 : index
    %get3A_332 = arith.constant 0 : index
    %get3A_333 = arith.constant 0 : index
    %get3A_334 = arith.constant 0 : index
    %get3A_335 = vector.load %arg3[%get3A_330, %get3A_331, %get3A_332, %get3A_333, %get3A_334] : memref<20x1x33x33x33xf32, #tpu.memory_space<vmem>>, vector<1x1x33x33x33xf32>
    %get3A_336 = vector.shape_cast %get3A_335 : vector<1x1x33x33x33xf32> to vector<33x33x33xf32>
    %mul3A_337 = vector.broadcast %get3A_329 : f32 to vector<33x33x33xf32>
    %mul3A_338 = arith.mulf %mul3A_337, %get3A_336 : vector<33x33x33xf32>
    %add3A_339 = arith.addf %add3A_326, %mul3A_338 : vector<33x33x33xf32>
    %get3A_340 = arith.constant 1 : index
    %get3A_341 = arith.constant 6 : index
    %get3A_342 = memref.load %arg2[%get3A_340, %get3A_341] : memref<4x20xf32, #tpu.memory_space<smem>>
    %get3A_343 = arith.constant 6 : index
    %get3A_344 = arith.constant 0 : index
    %get3A_345 = arith.constant 0 : index
    %get3A_346 = arith.constant 0 : index
    %get3A_347 = arith.constant 0 : index
    %get3A_348 = vector.load %arg3[%get3A_343, %get3A_344, %get3A_345, %get3A_346, %get3A_347] : memref<20x1x33x33x33xf32, #tpu.memory_space<vmem>>, vector<1x1x33x33x33xf32>
    %get3A_349 = vector.shape_cast %get3A_348 : vector<1x1x33x33x33xf32> to vector<33x33x33xf32>
    %mul3A_350 = vector.broadcast %get3A_342 : f32 to vector<33x33x33xf32>
    %mul3A_351 = arith.mulf %mul3A_350, %get3A_349 : vector<33x33x33xf32>
    %add3A_352 = arith.addf %add3A_339, %mul3A_351 : vector<33x33x33xf32>
    %get3A_353 = arith.constant 1 : index
    %get3A_354 = arith.constant 7 : index
    %get3A_355 = memref.load %arg2[%get3A_353, %get3A_354] : memref<4x20xf32, #tpu.memory_space<smem>>
    %get3A_356 = arith.constant 7 : index
    %get3A_357 = arith.constant 0 : index
    %get3A_358 = arith.constant 0 : index
    %get3A_359 = arith.constant 0 : index
    %get3A_360 = arith.constant 0 : index
    %get3A_361 = vector.load %arg3[%get3A_356, %get3A_357, %get3A_358, %get3A_359, %get3A_360] : memref<20x1x33x33x33xf32, #tpu.memory_space<vmem>>, vector<1x1x33x33x33xf32>
    %get3A_362 = vector.shape_cast %get3A_361 : vector<1x1x33x33x33xf32> to vector<33x33x33xf32>
    %mul3A_363 = vector.broadcast %get3A_355 : f32 to vector<33x33x33xf32>
    %mul3A_364 = arith.mulf %mul3A_363, %get3A_362 : vector<33x33x33xf32>
    %add3A_365 = arith.addf %add3A_352, %mul3A_364 : vector<33x33x33xf32>
    %get3A_366 = arith.constant 1 : index
    %get3A_367 = arith.constant 8 : index
    %get3A_368 = memref.load %arg2[%get3A_366, %get3A_367] : memref<4x20xf32, #tpu.memory_space<smem>>
    %get3A_369 = arith.constant 8 : index
    %get3A_370 = arith.constant 0 : index
    %get3A_371 = arith.constant 0 : index
    %get3A_372 = arith.constant 0 : index
    %get3A_373 = arith.constant 0 : index
    %get3A_374 = vector.load %arg3[%get3A_369, %get3A_370, %get3A_371, %get3A_372, %get3A_373] : memref<20x1x33x33x33xf32, #tpu.memory_space<vmem>>, vector<1x1x33x33x33xf32>
    %get3A_375 = vector.shape_cast %get3A_374 : vector<1x1x33x33x33xf32> to vector<33x33x33xf32>
    %mul3A_376 = vector.broadcast %get3A_368 : f32 to vector<33x33x33xf32>
    %mul3A_377 = arith.mulf %mul3A_376, %get3A_375 : vector<33x33x33xf32>
    %add3A_378 = arith.addf %add3A_365, %mul3A_377 : vector<33x33x33xf32>
    %get3A_379 = arith.constant 1 : index
    %get3A_380 = arith.constant 9 : index
    %get3A_381 = memref.load %arg2[%get3A_379, %get3A_380] : memref<4x20xf32, #tpu.memory_space<smem>>
    %get3A_382 = arith.constant 9 : index
    %get3A_383 = arith.constant 0 : index
    %get3A_384 = arith.constant 0 : index
    %get3A_385 = arith.constant 0 : index
    %get3A_386 = arith.constant 0 : index
    %get3A_387 = vector.load %arg3[%get3A_382, %get3A_383, %get3A_384, %get3A_385, %get3A_386] : memref<20x1x33x33x33xf32, #tpu.memory_space<vmem>>, vector<1x1x33x33x33xf32>
    %get3A_388 = vector.shape_cast %get3A_387 : vector<1x1x33x33x33xf32> to vector<33x33x33xf32>
    %mul3A_389 = vector.broadcast %get3A_381 : f32 to vector<33x33x33xf32>
    %mul3A_390 = arith.mulf %mul3A_389, %get3A_388 : vector<33x33x33xf32>
    %add3A_391 = arith.addf %add3A_378, %mul3A_390 : vector<33x33x33xf32>
    %get3A_392 = arith.constant 1 : index
    %get3A_393 = arith.constant 10 : index
    %get3A_394 = memref.load %arg2[%get3A_392, %get3A_393] : memref<4x20xf32, #tpu.memory_space<smem>>
    %get3A_395 = arith.constant 10 : index
    %get3A_396 = arith.constant 0 : index
    %get3A_397 = arith.constant 0 : index
    %get3A_398 = arith.constant 0 : index
    %get3A_399 = arith.constant 0 : index
    %get3A_400 = vector.load %arg3[%get3A_395, %get3A_396, %get3A_397, %get3A_398, %get3A_399] : memref<20x1x33x33x33xf32, #tpu.memory_space<vmem>>, vector<1x1x33x33x33xf32>
    %get3A_401 = vector.shape_cast %get3A_400 : vector<1x1x33x33x33xf32> to vector<33x33x33xf32>
    %mul3A_402 = vector.broadcast %get3A_394 : f32 to vector<33x33x33xf32>
    %mul3A_403 = arith.mulf %mul3A_402, %get3A_401 : vector<33x33x33xf32>
    %add3A_404 = arith.addf %add3A_391, %mul3A_403 : vector<33x33x33xf32>
    %get3A_405 = arith.constant 1 : index
    %get3A_406 = arith.constant 11 : index
    %get3A_407 = memref.load %arg2[%get3A_405, %get3A_406] : memref<4x20xf32, #tpu.memory_space<smem>>
    %get3A_408 = arith.constant 11 : index
    %get3A_409 = arith.constant 0 : index
    %get3A_410 = arith.constant 0 : index
    %get3A_411 = arith.constant 0 : index
    %get3A_412 = arith.constant 0 : index
    %get3A_413 = vector.load %arg3[%get3A_408, %get3A_409, %get3A_410, %get3A_411, %get3A_412] : memref<20x1x33x33x33xf32, #tpu.memory_space<vmem>>, vector<1x1x33x33x33xf32>
    %get3A_414 = vector.shape_cast %get3A_413 : vector<1x1x33x33x33xf32> to vector<33x33x33xf32>
    %mul3A_415 = vector.broadcast %get3A_407 : f32 to vector<33x33x33xf32>
    %mul3A_416 = arith.mulf %mul3A_415, %get3A_414 : vector<33x33x33xf32>
    %add3A_417 = arith.addf %add3A_404, %mul3A_416 : vector<33x33x33xf32>
    %get3A_418 = arith.constant 1 : index
    %get3A_419 = arith.constant 12 : index
    %get3A_420 = memref.load %arg2[%get3A_418, %get3A_419] : memref<4x20xf32, #tpu.memory_space<smem>>
    %get3A_421 = arith.constant 12 : index
    %get3A_422 = arith.constant 0 : index
    %get3A_423 = arith.constant 0 : index
    %get3A_424 = arith.constant 0 : index
    %get3A_425 = arith.constant 0 : index
    %get3A_426 = vector.load %arg3[%get3A_421, %get3A_422, %get3A_423, %get3A_424, %get3A_425] : memref<20x1x33x33x33xf32, #tpu.memory_space<vmem>>, vector<1x1x33x33x33xf32>
    %get3A_427 = vector.shape_cast %get3A_426 : vector<1x1x33x33x33xf32> to vector<33x33x33xf32>
    %mul3A_428 = vector.broadcast %get3A_420 : f32 to vector<33x33x33xf32>
    %mul3A_429 = arith.mulf %mul3A_428, %get3A_427 : vector<33x33x33xf32>
    %add3A_430 = arith.addf %add3A_417, %mul3A_429 : vector<33x33x33xf32>
    %get3A_431 = arith.constant 1 : index
    %get3A_432 = arith.constant 13 : index
    %get3A_433 = memref.load %arg2[%get3A_431, %get3A_432] : memref<4x20xf32, #tpu.memory_space<smem>>
    %get3A_434 = arith.constant 13 : index
    %get3A_435 = arith.constant 0 : index
    %get3A_436 = arith.constant 0 : index
    %get3A_437 = arith.constant 0 : index
    %get3A_438 = arith.constant 0 : index
    %get3A_439 = vector.load %arg3[%get3A_434, %get3A_435, %get3A_436, %get3A_437, %get3A_438] : memref<20x1x33x33x33xf32, #tpu.memory_space<vmem>>, vector<1x1x33x33x33xf32>
    %get3A_440 = vector.shape_cast %get3A_439 : vector<1x1x33x33x33xf32> to vector<33x33x33xf32>
    %mul3A_441 = vector.broadcast %get3A_433 : f32 to vector<33x33x33xf32>
    %mul3A_442 = arith.mulf %mul3A_441, %get3A_440 : vector<33x33x33xf32>
    %add3A_443 = arith.addf %add3A_430, %mul3A_442 : vector<33x33x33xf32>
    %get3A_444 = arith.constant 1 : index
    %get3A_445 = arith.constant 14 : index
    %get3A_446 = memref.load %arg2[%get3A_444, %get3A_445] : memref<4x20xf32, #tpu.memory_space<smem>>
    %get3A_447 = arith.constant 14 : index
    %get3A_448 = arith.constant 0 : index
    %get3A_449 = arith.constant 0 : index
    %get3A_450 = arith.constant 0 : index
    %get3A_451 = arith.constant 0 : index
    %get3A_452 = vector.load %arg3[%get3A_447, %get3A_448, %get3A_449, %get3A_450, %get3A_451] : memref<20x1x33x33x33xf32, #tpu.memory_space<vmem>>, vector<1x1x33x33x33xf32>
    %get3A_453 = vector.shape_cast %get3A_452 : vector<1x1x33x33x33xf32> to vector<33x33x33xf32>
    %mul3A_454 = vector.broadcast %get3A_446 : f32 to vector<33x33x33xf32>
    %mul3A_455 = arith.mulf %mul3A_454, %get3A_453 : vector<33x33x33xf32>
    %add3A_456 = arith.addf %add3A_443, %mul3A_455 : vector<33x33x33xf32>
    %get3A_457 = arith.constant 1 : index
    %get3A_458 = arith.constant 15 : index
    %get3A_459 = memref.load %arg2[%get3A_457, %get3A_458] : memref<4x20xf32, #tpu.memory_space<smem>>
    %get3A_460 = arith.constant 15 : index
    %get3A_461 = arith.constant 0 : index
    %get3A_462 = arith.constant 0 : index
    %get3A_463 = arith.constant 0 : index
    %get3A_464 = arith.constant 0 : index
    %get3A_465 = vector.load %arg3[%get3A_460, %get3A_461, %get3A_462, %get3A_463, %get3A_464] : memref<20x1x33x33x33xf32, #tpu.memory_space<vmem>>, vector<1x1x33x33x33xf32>
    %get3A_466 = vector.shape_cast %get3A_465 : vector<1x1x33x33x33xf32> to vector<33x33x33xf32>
    %mul3A_467 = vector.broadcast %get3A_459 : f32 to vector<33x33x33xf32>
    %mul3A_468 = arith.mulf %mul3A_467, %get3A_466 : vector<33x33x33xf32>
    %add3A_469 = arith.addf %add3A_456, %mul3A_468 : vector<33x33x33xf32>
    %get3A_470 = arith.constant 1 : index
    %get3A_471 = arith.constant 16 : index
    %get3A_472 = memref.load %arg2[%get3A_470, %get3A_471] : memref<4x20xf32, #tpu.memory_space<smem>>
    %get3A_473 = arith.constant 16 : index
    %get3A_474 = arith.constant 0 : index
    %get3A_475 = arith.constant 0 : index
    %get3A_476 = arith.constant 0 : index
    %get3A_477 = arith.constant 0 : index
    %get3A_478 = vector.load %arg3[%get3A_473, %get3A_474, %get3A_475, %get3A_476, %get3A_477] : memref<20x1x33x33x33xf32, #tpu.memory_space<vmem>>, vector<1x1x33x33x33xf32>
    %get3A_479 = vector.shape_cast %get3A_478 : vector<1x1x33x33x33xf32> to vector<33x33x33xf32>
    %mul3A_480 = vector.broadcast %get3A_472 : f32 to vector<33x33x33xf32>
    %mul3A_481 = arith.mulf %mul3A_480, %get3A_479 : vector<33x33x33xf32>
    %add3A_482 = arith.addf %add3A_469, %mul3A_481 : vector<33x33x33xf32>
    %get3A_483 = arith.constant 1 : index
    %get3A_484 = arith.constant 17 : index
    %get3A_485 = memref.load %arg2[%get3A_483, %get3A_484] : memref<4x20xf32, #tpu.memory_space<smem>>
    %get3A_486 = arith.constant 17 : index
    %get3A_487 = arith.constant 0 : index
    %get3A_488 = arith.constant 0 : index
    %get3A_489 = arith.constant 0 : index
    %get3A_490 = arith.constant 0 : index
    %get3A_491 = vector.load %arg3[%get3A_486, %get3A_487, %get3A_488, %get3A_489, %get3A_490] : memref<20x1x33x33x33xf32, #tpu.memory_space<vmem>>, vector<1x1x33x33x33xf32>
    %get3A_492 = vector.shape_cast %get3A_491 : vector<1x1x33x33x33xf32> to vector<33x33x33xf32>
    %mul3A_493 = vector.broadcast %get3A_485 : f32 to vector<33x33x33xf32>
    %mul3A_494 = arith.mulf %mul3A_493, %get3A_492 : vector<33x33x33xf32>
    %add3A_495 = arith.addf %add3A_482, %mul3A_494 : vector<33x33x33xf32>
    %get3A_496 = arith.constant 1 : index
    %get3A_497 = arith.constant 18 : index
    %get3A_498 = memref.load %arg2[%get3A_496, %get3A_497] : memref<4x20xf32, #tpu.memory_space<smem>>
    %get3A_499 = arith.constant 18 : index
    %get3A_500 = arith.constant 0 : index
    %get3A_501 = arith.constant 0 : index
    %get3A_502 = arith.constant 0 : index
    %get3A_503 = arith.constant 0 : index
    %get3A_504 = vector.load %arg3[%get3A_499, %get3A_500, %get3A_501, %get3A_502, %get3A_503] : memref<20x1x33x33x33xf32, #tpu.memory_space<vmem>>, vector<1x1x33x33x33xf32>
    %get3A_505 = vector.shape_cast %get3A_504 : vector<1x1x33x33x33xf32> to vector<33x33x33xf32>
    %mul3A_506 = vector.broadcast %get3A_498 : f32 to vector<33x33x33xf32>
    %mul3A_507 = arith.mulf %mul3A_506, %get3A_505 : vector<33x33x33xf32>
    %add3A_508 = arith.addf %add3A_495, %mul3A_507 : vector<33x33x33xf32>
    %get3A_509 = arith.constant 1 : index
    %get3A_510 = arith.constant 19 : index
    %get3A_511 = memref.load %arg2[%get3A_509, %get3A_510] : memref<4x20xf32, #tpu.memory_space<smem>>
    %get3A_512 = arith.constant 19 : index
    %get3A_513 = arith.constant 0 : index
    %get3A_514 = arith.constant 0 : index
    %get3A_515 = arith.constant 0 : index
    %get3A_516 = arith.constant 0 : index
    %get3A_517 = vector.load %arg3[%get3A_512, %get3A_513, %get3A_514, %get3A_515, %get3A_516] : memref<20x1x33x33x33xf32, #tpu.memory_space<vmem>>, vector<1x1x33x33x33xf32>
    %get3A_518 = vector.shape_cast %get3A_517 : vector<1x1x33x33x33xf32> to vector<33x33x33xf32>
    %mul3A_519 = vector.broadcast %get3A_511 : f32 to vector<33x33x33xf32>
    %mul3A_520 = arith.mulf %mul3A_519, %get3A_518 : vector<33x33x33xf32>
    %add3A_521 = arith.addf %add3A_508, %mul3A_520 : vector<33x33x33xf32>
    %swap3A_522 = arith.constant 1 : index
    %swap3A_523 = arith.constant 0 : index
    %swap3A_524 = arith.constant 0 : index
    %swap3A_525 = arith.constant 0 : index
    %swap3A_526 = arith.constant 0 : index
    %swap3A_527 = vector.load %arg4[%swap3A_522, %swap3A_523, %swap3A_524, %swap3A_525, %swap3A_526] : memref<4x1x33x33x33xf32, #tpu.memory_space<vmem>>, vector<1x1x33x33x33xf32>
    %swap3A_528 = vector.shape_cast %swap3A_527 : vector<1x1x33x33x33xf32> to vector<33x33x33xf32>
    %swap3A_529 = vector.shape_cast %add3A_521 : vector<33x33x33xf32> to vector<1x1x33x33x33xf32>
    tpu.vector_store %arg4[%swap3A_522, %swap3A_523, %swap3A_524, %swap3A_525, %swap3A_526], %swap3A_529 {strides = array<i32>} : memref<4x1x33x33x33xf32, #tpu.memory_space<vmem>>, vector<1x1x33x33x33xf32>,
    %get3A_530 = arith.constant 2 : index
    %get3A_531 = arith.constant 0 : index
    %get3A_532 = memref.load %arg2[%get3A_530, %get3A_531] : memref<4x20xf32, #tpu.memory_space<smem>>
    %get3A_533 = arith.constant 0 : index
    %get3A_534 = arith.constant 0 : index
    %get3A_535 = arith.constant 0 : index
    %get3A_536 = arith.constant 0 : index
    %get3A_537 = arith.constant 0 : index
    %get3A_538 = vector.load %arg3[%get3A_533, %get3A_534, %get3A_535, %get3A_536, %get3A_537] : memref<20x1x33x33x33xf32, #tpu.memory_space<vmem>>, vector<1x1x33x33x33xf32>
    %get3A_539 = vector.shape_cast %get3A_538 : vector<1x1x33x33x33xf32> to vector<33x33x33xf32>
    %mul3A_540 = vector.broadcast %get3A_532 : f32 to vector<33x33x33xf32>
    %mul3A_541 = arith.mulf %mul3A_540, %get3A_539 : vector<33x33x33xf32>
    %get3A_542 = arith.constant 2 : index
    %get3A_543 = arith.constant 1 : index
    %get3A_544 = memref.load %arg2[%get3A_542, %get3A_543] : memref<4x20xf32, #tpu.memory_space<smem>>
    %get3A_545 = arith.constant 1 : index
    %get3A_546 = arith.constant 0 : index
    %get3A_547 = arith.constant 0 : index
    %get3A_548 = arith.constant 0 : index
    %get3A_549 = arith.constant 0 : index
    %get3A_550 = vector.load %arg3[%get3A_545, %get3A_546, %get3A_547, %get3A_548, %get3A_549] : memref<20x1x33x33x33xf32, #tpu.memory_space<vmem>>, vector<1x1x33x33x33xf32>
    %get3A_551 = vector.shape_cast %get3A_550 : vector<1x1x33x33x33xf32> to vector<33x33x33xf32>
    %mul3A_552 = vector.broadcast %get3A_544 : f32 to vector<33x33x33xf32>
    %mul3A_553 = arith.mulf %mul3A_552, %get3A_551 : vector<33x33x33xf32>
    %add3A_554 = arith.addf %mul3A_541, %mul3A_553 : vector<33x33x33xf32>
    %get3A_555 = arith.constant 2 : index
    %get3A_556 = arith.constant 2 : index
    %get3A_557 = memref.load %arg2[%get3A_555, %get3A_556] : memref<4x20xf32, #tpu.memory_space<smem>>
    %get3A_558 = arith.constant 2 : index
    %get3A_559 = arith.constant 0 : index
    %get3A_560 = arith.constant 0 : index
    %get3A_561 = arith.constant 0 : index
    %get3A_562 = arith.constant 0 : index
    %get3A_563 = vector.load %arg3[%get3A_558, %get3A_559, %get3A_560, %get3A_561, %get3A_562] : memref<20x1x33x33x33xf32, #tpu.memory_space<vmem>>, vector<1x1x33x33x33xf32>
    %get3A_564 = vector.shape_cast %get3A_563 : vector<1x1x33x33x33xf32> to vector<33x33x33xf32>
    %mul3A_565 = vector.broadcast %get3A_557 : f32 to vector<33x33x33xf32>
    %mul3A_566 = arith.mulf %mul3A_565, %get3A_564 : vector<33x33x33xf32>
    %add3A_567 = arith.addf %add3A_554, %mul3A_566 : vector<33x33x33xf32>
    %get3A_568 = arith.constant 2 : index
    %get3A_569 = arith.constant 3 : index
    %get3A_570 = memref.load %arg2[%get3A_568, %get3A_569] : memref<4x20xf32, #tpu.memory_space<smem>>
    %get3A_571 = arith.constant 3 : index
    %get3A_572 = arith.constant 0 : index
    %get3A_573 = arith.constant 0 : index
    %get3A_574 = arith.constant 0 : index
    %get3A_575 = arith.constant 0 : index
    %get3A_576 = vector.load %arg3[%get3A_571, %get3A_572, %get3A_573, %get3A_574, %get3A_575] : memref<20x1x33x33x33xf32, #tpu.memory_space<vmem>>, vector<1x1x33x33x33xf32>
    %get3A_577 = vector.shape_cast %get3A_576 : vector<1x1x33x33x33xf32> to vector<33x33x33xf32>
    %mul3A_578 = vector.broadcast %get3A_570 : f32 to vector<33x33x33xf32>
    %mul3A_579 = arith.mulf %mul3A_578, %get3A_577 : vector<33x33x33xf32>
    %add3A_580 = arith.addf %add3A_567, %mul3A_579 : vector<33x33x33xf32>
    %get3A_581 = arith.constant 2 : index
    %get3A_582 = arith.constant 4 : index
    %get3A_583 = memref.load %arg2[%get3A_581, %get3A_582] : memref<4x20xf32, #tpu.memory_space<smem>>
    %get3A_584 = arith.constant 4 : index
    %get3A_585 = arith.constant 0 : index
    %get3A_586 = arith.constant 0 : index
    %get3A_587 = arith.constant 0 : index
    %get3A_588 = arith.constant 0 : index
    %get3A_589 = vector.load %arg3[%get3A_584, %get3A_585, %get3A_586, %get3A_587, %get3A_588] : memref<20x1x33x33x33xf32, #tpu.memory_space<vmem>>, vector<1x1x33x33x33xf32>
    %get3A_590 = vector.shape_cast %get3A_589 : vector<1x1x33x33x33xf32> to vector<33x33x33xf32>
    %mul3A_591 = vector.broadcast %get3A_583 : f32 to vector<33x33x33xf32>
    %mul3A_592 = arith.mulf %mul3A_591, %get3A_590 : vector<33x33x33xf32>
    %add3A_593 = arith.addf %add3A_580, %mul3A_592 : vector<33x33x33xf32>
    %get3A_594 = arith.constant 2 : index
    %get3A_595 = arith.constant 5 : index
    %get3A_596 = memref.load %arg2[%get3A_594, %get3A_595] : memref<4x20xf32, #tpu.memory_space<smem>>
    %get3A_597 = arith.constant 5 : index
    %get3A_598 = arith.constant 0 : index
    %get3A_599 = arith.constant 0 : index
    %get3A_600 = arith.constant 0 : index
    %get3A_601 = arith.constant 0 : index
    %get3A_602 = vector.load %arg3[%get3A_597, %get3A_598, %get3A_599, %get3A_600, %get3A_601] : memref<20x1x33x33x33xf32, #tpu.memory_space<vmem>>, vector<1x1x33x33x33xf32>
    %get3A_603 = vector.shape_cast %get3A_602 : vector<1x1x33x33x33xf32> to vector<33x33x33xf32>
    %mul3A_604 = vector.broadcast %get3A_596 : f32 to vector<33x33x33xf32>
    %mul3A_605 = arith.mulf %mul3A_604, %get3A_603 : vector<33x33x33xf32>
    %add3A_606 = arith.addf %add3A_593, %mul3A_605 : vector<33x33x33xf32>
    %get3A_607 = arith.constant 2 : index
    %get3A_608 = arith.constant 6 : index
    %get3A_609 = memref.load %arg2[%get3A_607, %get3A_608] : memref<4x20xf32, #tpu.memory_space<smem>>
    %get3A_610 = arith.constant 6 : index
    %get3A_611 = arith.constant 0 : index
    %get3A_612 = arith.constant 0 : index
    %get3A_613 = arith.constant 0 : index
    %get3A_614 = arith.constant 0 : index
    %get3A_615 = vector.load %arg3[%get3A_610, %get3A_611, %get3A_612, %get3A_613, %get3A_614] : memref<20x1x33x33x33xf32, #tpu.memory_space<vmem>>, vector<1x1x33x33x33xf32>
    %get3A_616 = vector.shape_cast %get3A_615 : vector<1x1x33x33x33xf32> to vector<33x33x33xf32>
    %mul3A_617 = vector.broadcast %get3A_609 : f32 to vector<33x33x33xf32>
    %mul3A_618 = arith.mulf %mul3A_617, %get3A_616 : vector<33x33x33xf32>
    %add3A_619 = arith.addf %add3A_606, %mul3A_618 : vector<33x33x33xf32>
    %get3A_620 = arith.constant 2 : index
    %get3A_621 = arith.constant 7 : index
    %get3A_622 = memref.load %arg2[%get3A_620, %get3A_621] : memref<4x20xf32, #tpu.memory_space<smem>>
    %get3A_623 = arith.constant 7 : index
    %get3A_624 = arith.constant 0 : index
    %get3A_625 = arith.constant 0 : index
    %get3A_626 = arith.constant 0 : index
    %get3A_627 = arith.constant 0 : index
    %get3A_628 = vector.load %arg3[%get3A_623, %get3A_624, %get3A_625, %get3A_626, %get3A_627] : memref<20x1x33x33x33xf32, #tpu.memory_space<vmem>>, vector<1x1x33x33x33xf32>
    %get3A_629 = vector.shape_cast %get3A_628 : vector<1x1x33x33x33xf32> to vector<33x33x33xf32>
    %mul3A_630 = vector.broadcast %get3A_622 : f32 to vector<33x33x33xf32>
    %mul3A_631 = arith.mulf %mul3A_630, %get3A_629 : vector<33x33x33xf32>
    %add3A_632 = arith.addf %add3A_619, %mul3A_631 : vector<33x33x33xf32>
    %get3A_633 = arith.constant 2 : index
    %get3A_634 = arith.constant 8 : index
    %get3A_635 = memref.load %arg2[%get3A_633, %get3A_634] : memref<4x20xf32, #tpu.memory_space<smem>>
    %get3A_636 = arith.constant 8 : index
    %get3A_637 = arith.constant 0 : index
    %get3A_638 = arith.constant 0 : index
    %get3A_639 = arith.constant 0 : index
    %get3A_640 = arith.constant 0 : index
    %get3A_641 = vector.load %arg3[%get3A_636, %get3A_637, %get3A_638, %get3A_639, %get3A_640] : memref<20x1x33x33x33xf32, #tpu.memory_space<vmem>>, vector<1x1x33x33x33xf32>
    %get3A_642 = vector.shape_cast %get3A_641 : vector<1x1x33x33x33xf32> to vector<33x33x33xf32>
    %mul3A_643 = vector.broadcast %get3A_635 : f32 to vector<33x33x33xf32>
    %mul3A_644 = arith.mulf %mul3A_643, %get3A_642 : vector<33x33x33xf32>
    %add3A_645 = arith.addf %add3A_632, %mul3A_644 : vector<33x33x33xf32>
    %get3A_646 = arith.constant 2 : index
    %get3A_647 = arith.constant 9 : index
    %get3A_648 = memref.load %arg2[%get3A_646, %get3A_647] : memref<4x20xf32, #tpu.memory_space<smem>>
    %get3A_649 = arith.constant 9 : index
    %get3A_650 = arith.constant 0 : index
    %get3A_651 = arith.constant 0 : index
    %get3A_652 = arith.constant 0 : index
    %get3A_653 = arith.constant 0 : index
    %get3A_654 = vector.load %arg3[%get3A_649, %get3A_650, %get3A_651, %get3A_652, %get3A_653] : memref<20x1x33x33x33xf32, #tpu.memory_space<vmem>>, vector<1x1x33x33x33xf32>
    %get3A_655 = vector.shape_cast %get3A_654 : vector<1x1x33x33x33xf32> to vector<33x33x33xf32>
    %mul3A_656 = vector.broadcast %get3A_648 : f32 to vector<33x33x33xf32>
    %mul3A_657 = arith.mulf %mul3A_656, %get3A_655 : vector<33x33x33xf32>
    %add3A_658 = arith.addf %add3A_645, %mul3A_657 : vector<33x33x33xf32>
    %get3A_659 = arith.constant 2 : index
    %get3A_660 = arith.constant 10 : index
    %get3A_661 = memref.load %arg2[%get3A_659, %get3A_660] : memref<4x20xf32, #tpu.memory_space<smem>>
    %get3A_662 = arith.constant 10 : index
    %get3A_663 = arith.constant 0 : index
    %get3A_664 = arith.constant 0 : index
    %get3A_665 = arith.constant 0 : index
    %get3A_666 = arith.constant 0 : index
    %get3A_667 = vector.load %arg3[%get3A_662, %get3A_663, %get3A_664, %get3A_665, %get3A_666] : memref<20x1x33x33x33xf32, #tpu.memory_space<vmem>>, vector<1x1x33x33x33xf32>
    %get3A_668 = vector.shape_cast %get3A_667 : vector<1x1x33x33x33xf32> to vector<33x33x33xf32>
    %mul3A_669 = vector.broadcast %get3A_661 : f32 to vector<33x33x33xf32>
    %mul3A_670 = arith.mulf %mul3A_669, %get3A_668 : vector<33x33x33xf32>
    %add3A_671 = arith.addf %add3A_658, %mul3A_670 : vector<33x33x33xf32>
    %get3A_672 = arith.constant 2 : index
    %get3A_673 = arith.constant 11 : index
    %get3A_674 = memref.load %arg2[%get3A_672, %get3A_673] : memref<4x20xf32, #tpu.memory_space<smem>>
    %get3A_675 = arith.constant 11 : index
    %get3A_676 = arith.constant 0 : index
    %get3A_677 = arith.constant 0 : index
    %get3A_678 = arith.constant 0 : index
    %get3A_679 = arith.constant 0 : index
    %get3A_680 = vector.load %arg3[%get3A_675, %get3A_676, %get3A_677, %get3A_678, %get3A_679] : memref<20x1x33x33x33xf32, #tpu.memory_space<vmem>>, vector<1x1x33x33x33xf32>
    %get3A_681 = vector.shape_cast %get3A_680 : vector<1x1x33x33x33xf32> to vector<33x33x33xf32>
    %mul3A_682 = vector.broadcast %get3A_674 : f32 to vector<33x33x33xf32>
    %mul3A_683 = arith.mulf %mul3A_682, %get3A_681 : vector<33x33x33xf32>
    %add3A_684 = arith.addf %add3A_671, %mul3A_683 : vector<33x33x33xf32>
    %get3A_685 = arith.constant 2 : index
    %get3A_686 = arith.constant 12 : index
    %get3A_687 = memref.load %arg2[%get3A_685, %get3A_686] : memref<4x20xf32, #tpu.memory_space<smem>>
    %get3A_688 = arith.constant 12 : index
    %get3A_689 = arith.constant 0 : index
    %get3A_690 = arith.constant 0 : index
    %get3A_691 = arith.constant 0 : index
    %get3A_692 = arith.constant 0 : index
    %get3A_693 = vector.load %arg3[%get3A_688, %get3A_689, %get3A_690, %get3A_691, %get3A_692] : memref<20x1x33x33x33xf32, #tpu.memory_space<vmem>>, vector<1x1x33x33x33xf32>
    %get3A_694 = vector.shape_cast %get3A_693 : vector<1x1x33x33x33xf32> to vector<33x33x33xf32>
    %mul3A_695 = vector.broadcast %get3A_687 : f32 to vector<33x33x33xf32>
    %mul3A_696 = arith.mulf %mul3A_695, %get3A_694 : vector<33x33x33xf32>
    %add3A_697 = arith.addf %add3A_684, %mul3A_696 : vector<33x33x33xf32>
    %get3A_698 = arith.constant 2 : index
    %get3A_699 = arith.constant 13 : index
    %get3A_700 = memref.load %arg2[%get3A_698, %get3A_699] : memref<4x20xf32, #tpu.memory_space<smem>>
    %get3A_701 = arith.constant 13 : index
    %get3A_702 = arith.constant 0 : index
    %get3A_703 = arith.constant 0 : index
    %get3A_704 = arith.constant 0 : index
    %get3A_705 = arith.constant 0 : index
    %get3A_706 = vector.load %arg3[%get3A_701, %get3A_702, %get3A_703, %get3A_704, %get3A_705] : memref<20x1x33x33x33xf32, #tpu.memory_space<vmem>>, vector<1x1x33x33x33xf32>
    %get3A_707 = vector.shape_cast %get3A_706 : vector<1x1x33x33x33xf32> to vector<33x33x33xf32>
    %mul3A_708 = vector.broadcast %get3A_700 : f32 to vector<33x33x33xf32>
    %mul3A_709 = arith.mulf %mul3A_708, %get3A_707 : vector<33x33x33xf32>
    %add3A_710 = arith.addf %add3A_697, %mul3A_709 : vector<33x33x33xf32>
    %get3A_711 = arith.constant 2 : index
    %get3A_712 = arith.constant 14 : index
    %get3A_713 = memref.load %arg2[%get3A_711, %get3A_712] : memref<4x20xf32, #tpu.memory_space<smem>>
    %get3A_714 = arith.constant 14 : index
    %get3A_715 = arith.constant 0 : index
    %get3A_716 = arith.constant 0 : index
    %get3A_717 = arith.constant 0 : index
    %get3A_718 = arith.constant 0 : index
    %get3A_719 = vector.load %arg3[%get3A_714, %get3A_715, %get3A_716, %get3A_717, %get3A_718] : memref<20x1x33x33x33xf32, #tpu.memory_space<vmem>>, vector<1x1x33x33x33xf32>
    %get3A_720 = vector.shape_cast %get3A_719 : vector<1x1x33x33x33xf32> to vector<33x33x33xf32>
    %mul3A_721 = vector.broadcast %get3A_713 : f32 to vector<33x33x33xf32>
    %mul3A_722 = arith.mulf %mul3A_721, %get3A_720 : vector<33x33x33xf32>
    %add3A_723 = arith.addf %add3A_710, %mul3A_722 : vector<33x33x33xf32>
    %get3A_724 = arith.constant 2 : index
    %get3A_725 = arith.constant 15 : index
    %get3A_726 = memref.load %arg2[%get3A_724, %get3A_725] : memref<4x20xf32, #tpu.memory_space<smem>>
    %get3A_727 = arith.constant 15 : index
    %get3A_728 = arith.constant 0 : index
    %get3A_729 = arith.constant 0 : index
    %get3A_730 = arith.constant 0 : index
    %get3A_731 = arith.constant 0 : index
    %get3A_732 = vector.load %arg3[%get3A_727, %get3A_728, %get3A_729, %get3A_730, %get3A_731] : memref<20x1x33x33x33xf32, #tpu.memory_space<vmem>>, vector<1x1x33x33x33xf32>
    %get3A_733 = vector.shape_cast %get3A_732 : vector<1x1x33x33x33xf32> to vector<33x33x33xf32>
    %mul3A_734 = vector.broadcast %get3A_726 : f32 to vector<33x33x33xf32>
    %mul3A_735 = arith.mulf %mul3A_734, %get3A_733 : vector<33x33x33xf32>
    %add3A_736 = arith.addf %add3A_723, %mul3A_735 : vector<33x33x33xf32>
    %get3A_737 = arith.constant 2 : index
    %get3A_738 = arith.constant 16 : index
    %get3A_739 = memref.load %arg2[%get3A_737, %get3A_738] : memref<4x20xf32, #tpu.memory_space<smem>>
    %get3A_740 = arith.constant 16 : index
    %get3A_741 = arith.constant 0 : index
    %get3A_742 = arith.constant 0 : index
    %get3A_743 = arith.constant 0 : index
    %get3A_744 = arith.constant 0 : index
    %get3A_745 = vector.load %arg3[%get3A_740, %get3A_741, %get3A_742, %get3A_743, %get3A_744] : memref<20x1x33x33x33xf32, #tpu.memory_space<vmem>>, vector<1x1x33x33x33xf32>
    %get3A_746 = vector.shape_cast %get3A_745 : vector<1x1x33x33x33xf32> to vector<33x33x33xf32>
    %mul3A_747 = vector.broadcast %get3A_739 : f32 to vector<33x33x33xf32>
    %mul3A_748 = arith.mulf %mul3A_747, %get3A_746 : vector<33x33x33xf32>
    %add3A_749 = arith.addf %add3A_736, %mul3A_748 : vector<33x33x33xf32>
    %get3A_750 = arith.constant 2 : index
    %get3A_751 = arith.constant 17 : index
    %get3A_752 = memref.load %arg2[%get3A_750, %get3A_751] : memref<4x20xf32, #tpu.memory_space<smem>>
    %get3A_753 = arith.constant 17 : index
    %get3A_754 = arith.constant 0 : index
    %get3A_755 = arith.constant 0 : index
    %get3A_756 = arith.constant 0 : index
    %get3A_757 = arith.constant 0 : index
    %get3A_758 = vector.load %arg3[%get3A_753, %get3A_754, %get3A_755, %get3A_756, %get3A_757] : memref<20x1x33x33x33xf32, #tpu.memory_space<vmem>>, vector<1x1x33x33x33xf32>
    %get3A_759 = vector.shape_cast %get3A_758 : vector<1x1x33x33x33xf32> to vector<33x33x33xf32>
    %mul3A_760 = vector.broadcast %get3A_752 : f32 to vector<33x33x33xf32>
    %mul3A_761 = arith.mulf %mul3A_760, %get3A_759 : vector<33x33x33xf32>
    %add3A_762 = arith.addf %add3A_749, %mul3A_761 : vector<33x33x33xf32>
    %get3A_763 = arith.constant 2 : index
    %get3A_764 = arith.constant 18 : index
    %get3A_765 = memref.load %arg2[%get3A_763, %get3A_764] : memref<4x20xf32, #tpu.memory_space<smem>>
    %get3A_766 = arith.constant 18 : index
    %get3A_767 = arith.constant 0 : index
    %get3A_768 = arith.constant 0 : index
    %get3A_769 = arith.constant 0 : index
    %get3A_770 = arith.constant 0 : index
    %get3A_771 = vector.load %arg3[%get3A_766, %get3A_767, %get3A_768, %get3A_769, %get3A_770] : memref<20x1x33x33x33xf32, #tpu.memory_space<vmem>>, vector<1x1x33x33x33xf32>
    %get3A_772 = vector.shape_cast %get3A_771 : vector<1x1x33x33x33xf32> to vector<33x33x33xf32>
    %mul3A_773 = vector.broadcast %get3A_765 : f32 to vector<33x33x33xf32>
    %mul3A_774 = arith.mulf %mul3A_773, %get3A_772 : vector<33x33x33xf32>
    %add3A_775 = arith.addf %add3A_762, %mul3A_774 : vector<33x33x33xf32>
    %get3A_776 = arith.constant 2 : index
    %get3A_777 = arith.constant 19 : index
    %get3A_778 = memref.load %arg2[%get3A_776, %get3A_777] : memref<4x20xf32, #tpu.memory_space<smem>>
    %get3A_779 = arith.constant 19 : index
    %get3A_780 = arith.constant 0 : index
    %get3A_781 = arith.constant 0 : index
    %get3A_782 = arith.constant 0 : index
    %get3A_783 = arith.constant 0 : index
    %get3A_784 = vector.load %arg3[%get3A_779, %get3A_780, %get3A_781, %get3A_782, %get3A_783] : memref<20x1x33x33x33xf32, #tpu.memory_space<vmem>>, vector<1x1x33x33x33xf32>
    %get3A_785 = vector.shape_cast %get3A_784 : vector<1x1x33x33x33xf32> to vector<33x33x33xf32>
    %mul3A_786 = vector.broadcast %get3A_778 : f32 to vector<33x33x33xf32>
    %mul3A_787 = arith.mulf %mul3A_786, %get3A_785 : vector<33x33x33xf32>
    %add3A_788 = arith.addf %add3A_775, %mul3A_787 : vector<33x33x33xf32>
    %swap3A_789 = arith.constant 2 : index
    %swap3A_790 = arith.constant 0 : index
    %swap3A_791 = arith.constant 0 : index
    %swap3A_792 = arith.constant 0 : index
    %swap3A_793 = arith.constant 0 : index
    %swap3A_794 = vector.load %arg4[%swap3A_789, %swap3A_790, %swap3A_791, %swap3A_792, %swap3A_793] : memref<4x1x33x33x33xf32, #tpu.memory_space<vmem>>, vector<1x1x33x33x33xf32>
    %swap3A_795 = vector.shape_cast %swap3A_794 : vector<1x1x33x33x33xf32> to vector<33x33x33xf32>
    %swap3A_796 = vector.shape_cast %add3A_788 : vector<33x33x33xf32> to vector<1x1x33x33x33xf32>
    tpu.vector_store %arg4[%swap3A_789, %swap3A_790, %swap3A_791, %swap3A_792, %swap3A_793], %swap3A_796 {strides = array<i32>} : memref<4x1x33x33x33xf32, #tpu.memory_space<vmem>>, vector<1x1x33x33x33xf32>,
    %get3A_797 = arith.constant 3 : index
    %get3A_798 = arith.constant 0 : index
    %get3A_799 = memref.load %arg2[%get3A_797, %get3A_798] : memref<4x20xf32, #tpu.memory_space<smem>>
    %get3A_800 = arith.constant 0 : index
    %get3A_801 = arith.constant 0 : index
    %get3A_802 = arith.constant 0 : index
    %get3A_803 = arith.constant 0 : index
    %get3A_804 = arith.constant 0 : index
    %get3A_805 = vector.load %arg3[%get3A_800, %get3A_801, %get3A_802, %get3A_803, %get3A_804] : memref<20x1x33x33x33xf32, #tpu.memory_space<vmem>>, vector<1x1x33x33x33xf32>
    %get3A_806 = vector.shape_cast %get3A_805 : vector<1x1x33x33x33xf32> to vector<33x33x33xf32>
    %mul3A_807 = vector.broadcast %get3A_799 : f32 to vector<33x33x33xf32>
    %mul3A_808 = arith.mulf %mul3A_807, %get3A_806 : vector<33x33x33xf32>
    %get3A_809 = arith.constant 3 : index
    %get3A_810 = arith.constant 1 : index
    %get3A_811 = memref.load %arg2[%get3A_809, %get3A_810] : memref<4x20xf32, #tpu.memory_space<smem>>
    %get3A_812 = arith.constant 1 : index
    %get3A_813 = arith.constant 0 : index
    %get3A_814 = arith.constant 0 : index
    %get3A_815 = arith.constant 0 : index
    %get3A_816 = arith.constant 0 : index
    %get3A_817 = vector.load %arg3[%get3A_812, %get3A_813, %get3A_814, %get3A_815, %get3A_816] : memref<20x1x33x33x33xf32, #tpu.memory_space<vmem>>, vector<1x1x33x33x33xf32>
    %get3A_818 = vector.shape_cast %get3A_817 : vector<1x1x33x33x33xf32> to vector<33x33x33xf32>
    %mul3A_819 = vector.broadcast %get3A_811 : f32 to vector<33x33x33xf32>
    %mul3A_820 = arith.mulf %mul3A_819, %get3A_818 : vector<33x33x33xf32>
    %add3A_821 = arith.addf %mul3A_808, %mul3A_820 : vector<33x33x33xf32>
    %get3A_822 = arith.constant 3 : index
    %get3A_823 = arith.constant 2 : index
    %get3A_824 = memref.load %arg2[%get3A_822, %get3A_823] : memref<4x20xf32, #tpu.memory_space<smem>>
    %get3A_825 = arith.constant 2 : index
    %get3A_826 = arith.constant 0 : index
    %get3A_827 = arith.constant 0 : index
    %get3A_828 = arith.constant 0 : index
    %get3A_829 = arith.constant 0 : index
    %get3A_830 = vector.load %arg3[%get3A_825, %get3A_826, %get3A_827, %get3A_828, %get3A_829] : memref<20x1x33x33x33xf32, #tpu.memory_space<vmem>>, vector<1x1x33x33x33xf32>
    %get3A_831 = vector.shape_cast %get3A_830 : vector<1x1x33x33x33xf32> to vector<33x33x33xf32>
    %mul3A_832 = vector.broadcast %get3A_824 : f32 to vector<33x33x33xf32>
    %mul3A_833 = arith.mulf %mul3A_832, %get3A_831 : vector<33x33x33xf32>
    %add3A_834 = arith.addf %add3A_821, %mul3A_833 : vector<33x33x33xf32>
    %get3A_835 = arith.constant 3 : index
    %get3A_836 = arith.constant 3 : index
    %get3A_837 = memref.load %arg2[%get3A_835, %get3A_836] : memref<4x20xf32, #tpu.memory_space<smem>>
    %get3A_838 = arith.constant 3 : index
    %get3A_839 = arith.constant 0 : index
    %get3A_840 = arith.constant 0 : index
    %get3A_841 = arith.constant 0 : index
    %get3A_842 = arith.constant 0 : index
    %get3A_843 = vector.load %arg3[%get3A_838, %get3A_839, %get3A_840, %get3A_841, %get3A_842] : memref<20x1x33x33x33xf32, #tpu.memory_space<vmem>>, vector<1x1x33x33x33xf32>
    %get3A_844 = vector.shape_cast %get3A_843 : vector<1x1x33x33x33xf32> to vector<33x33x33xf32>
    %mul3A_845 = vector.broadcast %get3A_837 : f32 to vector<33x33x33xf32>
    %mul3A_846 = arith.mulf %mul3A_845, %get3A_844 : vector<33x33x33xf32>
    %add3A_847 = arith.addf %add3A_834, %mul3A_846 : vector<33x33x33xf32>
    %get3A_848 = arith.constant 3 : index
    %get3A_849 = arith.constant 4 : index
    %get3A_850 = memref.load %arg2[%get3A_848, %get3A_849] : memref<4x20xf32, #tpu.memory_space<smem>>
    %get3A_851 = arith.constant 4 : index
    %get3A_852 = arith.constant 0 : index
    %get3A_853 = arith.constant 0 : index
    %get3A_854 = arith.constant 0 : index
    %get3A_855 = arith.constant 0 : index
    %get3A_856 = vector.load %arg3[%get3A_851, %get3A_852, %get3A_853, %get3A_854, %get3A_855] : memref<20x1x33x33x33xf32, #tpu.memory_space<vmem>>, vector<1x1x33x33x33xf32>
    %get3A_857 = vector.shape_cast %get3A_856 : vector<1x1x33x33x33xf32> to vector<33x33x33xf32>
    %mul3A_858 = vector.broadcast %get3A_850 : f32 to vector<33x33x33xf32>
    %mul3A_859 = arith.mulf %mul3A_858, %get3A_857 : vector<33x33x33xf32>
    %add3A_860 = arith.addf %add3A_847, %mul3A_859 : vector<33x33x33xf32>
    %get3A_861 = arith.constant 3 : index
    %get3A_862 = arith.constant 5 : index
    %get3A_863 = memref.load %arg2[%get3A_861, %get3A_862] : memref<4x20xf32, #tpu.memory_space<smem>>
    %get3A_864 = arith.constant 5 : index
    %get3A_865 = arith.constant 0 : index
    %get3A_866 = arith.constant 0 : index
    %get3A_867 = arith.constant 0 : index
    %get3A_868 = arith.constant 0 : index
    %get3A_869 = vector.load %arg3[%get3A_864, %get3A_865, %get3A_866, %get3A_867, %get3A_868] : memref<20x1x33x33x33xf32, #tpu.memory_space<vmem>>, vector<1x1x33x33x33xf32>
    %get3A_870 = vector.shape_cast %get3A_869 : vector<1x1x33x33x33xf32> to vector<33x33x33xf32>
    %mul3A_871 = vector.broadcast %get3A_863 : f32 to vector<33x33x33xf32>
    %mul3A_872 = arith.mulf %mul3A_871, %get3A_870 : vector<33x33x33xf32>
    %add3A_873 = arith.addf %add3A_860, %mul3A_872 : vector<33x33x33xf32>
    %get3A_874 = arith.constant 3 : index
    %get3A_875 = arith.constant 6 : index
    %get3A_876 = memref.load %arg2[%get3A_874, %get3A_875] : memref<4x20xf32, #tpu.memory_space<smem>>
    %get3A_877 = arith.constant 6 : index
    %get3A_878 = arith.constant 0 : index
    %get3A_879 = arith.constant 0 : index
    %get3A_880 = arith.constant 0 : index
    %get3A_881 = arith.constant 0 : index
    %get3A_882 = vector.load %arg3[%get3A_877, %get3A_878, %get3A_879, %get3A_880, %get3A_881] : memref<20x1x33x33x33xf32, #tpu.memory_space<vmem>>, vector<1x1x33x33x33xf32>
    %get3A_883 = vector.shape_cast %get3A_882 : vector<1x1x33x33x33xf32> to vector<33x33x33xf32>
    %mul3A_884 = vector.broadcast %get3A_876 : f32 to vector<33x33x33xf32>
    %mul3A_885 = arith.mulf %mul3A_884, %get3A_883 : vector<33x33x33xf32>
    %add3A_886 = arith.addf %add3A_873, %mul3A_885 : vector<33x33x33xf32>
    %get3A_887 = arith.constant 3 : index
    %get3A_888 = arith.constant 7 : index
    %get3A_889 = memref.load %arg2[%get3A_887, %get3A_888] : memref<4x20xf32, #tpu.memory_space<smem>>
    %get3A_890 = arith.constant 7 : index
    %get3A_891 = arith.constant 0 : index
    %get3A_892 = arith.constant 0 : index
    %get3A_893 = arith.constant 0 : index
    %get3A_894 = arith.constant 0 : index
    %get3A_895 = vector.load %arg3[%get3A_890, %get3A_891, %get3A_892, %get3A_893, %get3A_894] : memref<20x1x33x33x33xf32, #tpu.memory_space<vmem>>, vector<1x1x33x33x33xf32>
    %get3A_896 = vector.shape_cast %get3A_895 : vector<1x1x33x33x33xf32> to vector<33x33x33xf32>
    %mul3A_897 = vector.broadcast %get3A_889 : f32 to vector<33x33x33xf32>
    %mul3A_898 = arith.mulf %mul3A_897, %get3A_896 : vector<33x33x33xf32>
    %add3A_899 = arith.addf %add3A_886, %mul3A_898 : vector<33x33x33xf32>
    %get3A_900 = arith.constant 3 : index
    %get3A_901 = arith.constant 8 : index
    %get3A_902 = memref.load %arg2[%get3A_900, %get3A_901] : memref<4x20xf32, #tpu.memory_space<smem>>
    %get3A_903 = arith.constant 8 : index
    %get3A_904 = arith.constant 0 : index
    %get3A_905 = arith.constant 0 : index
    %get3A_906 = arith.constant 0 : index
    %get3A_907 = arith.constant 0 : index
    %get3A_908 = vector.load %arg3[%get3A_903, %get3A_904, %get3A_905, %get3A_906, %get3A_907] : memref<20x1x33x33x33xf32, #tpu.memory_space<vmem>>, vector<1x1x33x33x33xf32>
    %get3A_909 = vector.shape_cast %get3A_908 : vector<1x1x33x33x33xf32> to vector<33x33x33xf32>
    %mul3A_910 = vector.broadcast %get3A_902 : f32 to vector<33x33x33xf32>
    %mul3A_911 = arith.mulf %mul3A_910, %get3A_909 : vector<33x33x33xf32>
    %add3A_912 = arith.addf %add3A_899, %mul3A_911 : vector<33x33x33xf32>
    %get3A_913 = arith.constant 3 : index
    %get3A_914 = arith.constant 9 : index
    %get3A_915 = memref.load %arg2[%get3A_913, %get3A_914] : memref<4x20xf32, #tpu.memory_space<smem>>
    %get3A_916 = arith.constant 9 : index
    %get3A_917 = arith.constant 0 : index
    %get3A_918 = arith.constant 0 : index
    %get3A_919 = arith.constant 0 : index
    %get3A_920 = arith.constant 0 : index
    %get3A_921 = vector.load %arg3[%get3A_916, %get3A_917, %get3A_918, %get3A_919, %get3A_920] : memref<20x1x33x33x33xf32, #tpu.memory_space<vmem>>, vector<1x1x33x33x33xf32>
    %get3A_922 = vector.shape_cast %get3A_921 : vector<1x1x33x33x33xf32> to vector<33x33x33xf32>
    %mul3A_923 = vector.broadcast %get3A_915 : f32 to vector<33x33x33xf32>
    %mul3A_924 = arith.mulf %mul3A_923, %get3A_922 : vector<33x33x33xf32>
    %add3A_925 = arith.addf %add3A_912, %mul3A_924 : vector<33x33x33xf32>
    %get3A_926 = arith.constant 3 : index
    %get3A_927 = arith.constant 10 : index
    %get3A_928 = memref.load %arg2[%get3A_926, %get3A_927] : memref<4x20xf32, #tpu.memory_space<smem>>
    %get3A_929 = arith.constant 10 : index
    %get3A_930 = arith.constant 0 : index
    %get3A_931 = arith.constant 0 : index
    %get3A_932 = arith.constant 0 : index
    %get3A_933 = arith.constant 0 : index
    %get3A_934 = vector.load %arg3[%get3A_929, %get3A_930, %get3A_931, %get3A_932, %get3A_933] : memref<20x1x33x33x33xf32, #tpu.memory_space<vmem>>, vector<1x1x33x33x33xf32>
    %get3A_935 = vector.shape_cast %get3A_934 : vector<1x1x33x33x33xf32> to vector<33x33x33xf32>
    %mul3A_936 = vector.broadcast %get3A_928 : f32 to vector<33x33x33xf32>
    %mul3A_937 = arith.mulf %mul3A_936, %get3A_935 : vector<33x33x33xf32>
    %add3A_938 = arith.addf %add3A_925, %mul3A_937 : vector<33x33x33xf32>
    %get3A_939 = arith.constant 3 : index
    %get3A_940 = arith.constant 11 : index
    %get3A_941 = memref.load %arg2[%get3A_939, %get3A_940] : memref<4x20xf32, #tpu.memory_space<smem>>
    %get3A_942 = arith.constant 11 : index
    %get3A_943 = arith.constant 0 : index
    %get3A_944 = arith.constant 0 : index
    %get3A_945 = arith.constant 0 : index
    %get3A_946 = arith.constant 0 : index
    %get3A_947 = vector.load %arg3[%get3A_942, %get3A_943, %get3A_944, %get3A_945, %get3A_946] : memref<20x1x33x33x33xf32, #tpu.memory_space<vmem>>, vector<1x1x33x33x33xf32>
    %get3A_948 = vector.shape_cast %get3A_947 : vector<1x1x33x33x33xf32> to vector<33x33x33xf32>
    %mul3A_949 = vector.broadcast %get3A_941 : f32 to vector<33x33x33xf32>
    %mul3A_950 = arith.mulf %mul3A_949, %get3A_948 : vector<33x33x33xf32>
    %add3A_951 = arith.addf %add3A_938, %mul3A_950 : vector<33x33x33xf32>
    %get3A_952 = arith.constant 3 : index
    %get3A_953 = arith.constant 12 : index
    %get3A_954 = memref.load %arg2[%get3A_952, %get3A_953] : memref<4x20xf32, #tpu.memory_space<smem>>
    %get3A_955 = arith.constant 12 : index
    %get3A_956 = arith.constant 0 : index
    %get3A_957 = arith.constant 0 : index
    %get3A_958 = arith.constant 0 : index
    %get3A_959 = arith.constant 0 : index
    %get3A_960 = vector.load %arg3[%get3A_955, %get3A_956, %get3A_957, %get3A_958, %get3A_959] : memref<20x1x33x33x33xf32, #tpu.memory_space<vmem>>, vector<1x1x33x33x33xf32>
    %get3A_961 = vector.shape_cast %get3A_960 : vector<1x1x33x33x33xf32> to vector<33x33x33xf32>
    %mul3A_962 = vector.broadcast %get3A_954 : f32 to vector<33x33x33xf32>
    %mul3A_963 = arith.mulf %mul3A_962, %get3A_961 : vector<33x33x33xf32>
    %add3A_964 = arith.addf %add3A_951, %mul3A_963 : vector<33x33x33xf32>
    %get3A_965 = arith.constant 3 : index
    %get3A_966 = arith.constant 13 : index
    %get3A_967 = memref.load %arg2[%get3A_965, %get3A_966] : memref<4x20xf32, #tpu.memory_space<smem>>
    %get3A_968 = arith.constant 13 : index
    %get3A_969 = arith.constant 0 : index
    %get3A_970 = arith.constant 0 : index
    %get3A_971 = arith.constant 0 : index
    %get3A_972 = arith.constant 0 : index
    %get3A_973 = vector.load %arg3[%get3A_968, %get3A_969, %get3A_970, %get3A_971, %get3A_972] : memref<20x1x33x33x33xf32, #tpu.memory_space<vmem>>, vector<1x1x33x33x33xf32>
    %get3A_974 = vector.shape_cast %get3A_973 : vector<1x1x33x33x33xf32> to vector<33x33x33xf32>
    %mul3A_975 = vector.broadcast %get3A_967 : f32 to vector<33x33x33xf32>
    %mul3A_976 = arith.mulf %mul3A_975, %get3A_974 : vector<33x33x33xf32>
    %add3A_977 = arith.addf %add3A_964, %mul3A_976 : vector<33x33x33xf32>
    %get3A_978 = arith.constant 3 : index
    %get3A_979 = arith.constant 14 : index
    %get3A_980 = memref.load %arg2[%get3A_978, %get3A_979] : memref<4x20xf32, #tpu.memory_space<smem>>
    %get3A_981 = arith.constant 14 : index
    %get3A_982 = arith.constant 0 : index
    %get3A_983 = arith.constant 0 : index
    %get3A_984 = arith.constant 0 : index
    %get3A_985 = arith.constant 0 : index
    %get3A_986 = vector.load %arg3[%get3A_981, %get3A_982, %get3A_983, %get3A_984, %get3A_985] : memref<20x1x33x33x33xf32, #tpu.memory_space<vmem>>, vector<1x1x33x33x33xf32>
    %get3A_987 = vector.shape_cast %get3A_986 : vector<1x1x33x33x33xf32> to vector<33x33x33xf32>
    %mul3A_988 = vector.broadcast %get3A_980 : f32 to vector<33x33x33xf32>
    %mul3A_989 = arith.mulf %mul3A_988, %get3A_987 : vector<33x33x33xf32>
    %add3A_990 = arith.addf %add3A_977, %mul3A_989 : vector<33x33x33xf32>
    %get3A_991 = arith.constant 3 : index
    %get3A_992 = arith.constant 15 : index
    %get3A_993 = memref.load %arg2[%get3A_991, %get3A_992] : memref<4x20xf32, #tpu.memory_space<smem>>
    %get3A_994 = arith.constant 15 : index
    %get3A_995 = arith.constant 0 : index
    %get3A_996 = arith.constant 0 : index
    %get3A_997 = arith.constant 0 : index
    %get3A_998 = arith.constant 0 : index
    %get3A_999 = vector.load %arg3[%get3A_994, %get3A_995, %get3A_996, %get3A_997, %get3A_998] : memref<20x1x33x33x33xf32, #tpu.memory_space<vmem>>, vector<1x1x33x33x33xf32>
    %get3A_1000 = vector.shape_cast %get3A_999 : vector<1x1x33x33x33xf32> to vector<33x33x33xf32>
    %mul3A_1001 = vector.broadcast %get3A_993 : f32 to vector<33x33x33xf32>
    %mul3A_1002 = arith.mulf %mul3A_1001, %get3A_1000 : vector<33x33x33xf32>
    %add3A_1003 = arith.addf %add3A_990, %mul3A_1002 : vector<33x33x33xf32>
    %get3A_1004 = arith.constant 3 : index
    %get3A_1005 = arith.constant 16 : index
    %get3A_1006 = memref.load %arg2[%get3A_1004, %get3A_1005] : memref<4x20xf32, #tpu.memory_space<smem>>
    %get3A_1007 = arith.constant 16 : index
    %get3A_1008 = arith.constant 0 : index
    %get3A_1009 = arith.constant 0 : index
    %get3A_1010 = arith.constant 0 : index
    %get3A_1011 = arith.constant 0 : index
    %get3A_1012 = vector.load %arg3[%get3A_1007, %get3A_1008, %get3A_1009, %get3A_1010, %get3A_1011] : memref<20x1x33x33x33xf32, #tpu.memory_space<vmem>>, vector<1x1x33x33x33xf32>
    %get3A_1013 = vector.shape_cast %get3A_1012 : vector<1x1x33x33x33xf32> to vector<33x33x33xf32>
    %mul3A_1014 = vector.broadcast %get3A_1006 : f32 to vector<33x33x33xf32>
    %mul3A_1015 = arith.mulf %mul3A_1014, %get3A_1013 : vector<33x33x33xf32>
    %add3A_1016 = arith.addf %add3A_1003, %mul3A_1015 : vector<33x33x33xf32>
    %get3A_1017 = arith.constant 3 : index
    %get3A_1018 = arith.constant 17 : index
    %get3A_1019 = memref.load %arg2[%get3A_1017, %get3A_1018] : memref<4x20xf32, #tpu.memory_space<smem>>
    %get3A_1020 = arith.constant 17 : index
    %get3A_1021 = arith.constant 0 : index
    %get3A_1022 = arith.constant 0 : index
    %get3A_1023 = arith.constant 0 : index
    %get3A_1024 = arith.constant 0 : index
    %get3A_1025 = vector.load %arg3[%get3A_1020, %get3A_1021, %get3A_1022, %get3A_1023, %get3A_1024] : memref<20x1x33x33x33xf32, #tpu.memory_space<vmem>>, vector<1x1x33x33x33xf32>
    %get3A_1026 = vector.shape_cast %get3A_1025 : vector<1x1x33x33x33xf32> to vector<33x33x33xf32>
    %mul3A_1027 = vector.broadcast %get3A_1019 : f32 to vector<33x33x33xf32>
    %mul3A_1028 = arith.mulf %mul3A_1027, %get3A_1026 : vector<33x33x33xf32>
    %add3A_1029 = arith.addf %add3A_1016, %mul3A_1028 : vector<33x33x33xf32>
    %get3A_1030 = arith.constant 3 : index
    %get3A_1031 = arith.constant 18 : index
    %get3A_1032 = memref.load %arg2[%get3A_1030, %get3A_1031] : memref<4x20xf32, #tpu.memory_space<smem>>
    %get3A_1033 = arith.constant 18 : index
    %get3A_1034 = arith.constant 0 : index
    %get3A_1035 = arith.constant 0 : index
    %get3A_1036 = arith.constant 0 : index
    %get3A_1037 = arith.constant 0 : index
    %get3A_1038 = vector.load %arg3[%get3A_1033, %get3A_1034, %get3A_1035, %get3A_1036, %get3A_1037] : memref<20x1x33x33x33xf32, #tpu.memory_space<vmem>>, vector<1x1x33x33x33xf32>
    %get3A_1039 = vector.shape_cast %get3A_1038 : vector<1x1x33x33x33xf32> to vector<33x33x33xf32>
    %mul3A_1040 = vector.broadcast %get3A_1032 : f32 to vector<33x33x33xf32>
    %mul3A_1041 = arith.mulf %mul3A_1040, %get3A_1039 : vector<33x33x33xf32>
    %add3A_1042 = arith.addf %add3A_1029, %mul3A_1041 : vector<33x33x33xf32>
    %get3A_1043 = arith.constant 3 : index
    %get3A_1044 = arith.constant 19 : index
    %get3A_1045 = memref.load %arg2[%get3A_1043, %get3A_1044] : memref<4x20xf32, #tpu.memory_space<smem>>
    %get3A_1046 = arith.constant 19 : index
    %get3A_1047 = arith.constant 0 : index
    %get3A_1048 = arith.constant 0 : index
    %get3A_1049 = arith.constant 0 : index
    %get3A_1050 = arith.constant 0 : index
    %get3A_1051 = vector.load %arg3[%get3A_1046, %get3A_1047, %get3A_1048, %get3A_1049, %get3A_1050] : memref<20x1x33x33x33xf32, #tpu.memory_space<vmem>>, vector<1x1x33x33x33xf32>
    %get3A_1052 = vector.shape_cast %get3A_1051 : vector<1x1x33x33x33xf32> to vector<33x33x33xf32>
    %mul3A_1053 = vector.broadcast %get3A_1045 : f32 to vector<33x33x33xf32>
    %mul3A_1054 = arith.mulf %mul3A_1053, %get3A_1052 : vector<33x33x33xf32>
    %add3A_1055 = arith.addf %add3A_1042, %mul3A_1054 : vector<33x33x33xf32>
    %swap3A_1056 = arith.constant 3 : index
    %swap3A_1057 = arith.constant 0 : index
    %swap3A_1058 = arith.constant 0 : index
    %swap3A_1059 = arith.constant 0 : index
    %swap3A_1060 = arith.constant 0 : index
    %swap3A_1061 = vector.load %arg4[%swap3A_1056, %swap3A_1057, %swap3A_1058, %swap3A_1059, %swap3A_1060] : memref<4x1x33x33x33xf32, #tpu.memory_space<vmem>>, vector<1x1x33x33x33xf32>
    %swap3A_1062 = vector.shape_cast %swap3A_1061 : vector<1x1x33x33x33xf32> to vector<33x33x33xf32>
    %swap3A_1063 = vector.shape_cast %add3A_1055 : vector<33x33x33xf32> to vector<1x1x33x33x33xf32>
    tpu.vector_store %arg4[%swap3A_1056, %swap3A_1057, %swap3A_1058, %swap3A_1059, %swap3A_1060], %swap3A_1063 {strides = array<i32>} : memref<4x1x33x33x33xf32, #tpu.memory_space<vmem>>, vector<1x1x33x33x33xf32>,
    return
  }
  func.func @transform_0(%arg0: i32, %arg1: i32) -> (i32, i32) {
    %c0_i32 = arith.constant 0 : i32
    %c0_i32_0 = arith.constant 0 : i32
    %c0_i32_1 = arith.constant 0 : i32
    return %c0_i32, %c0_i32_0 : i32, i32
  }
  func.func @transform_1(%arg0: i32, %arg1: i32) -> (i32, i32, i32, i32, i32) {
    %c0_i32 = arith.constant 0 : i32
    %c0_i32_0 = arith.constant 0 : i32
    %c0_i32_1 = arith.constant 0 : i32
    %c0_i32_2 = arith.constant 0 : i32
    return %c0_i32, %arg0, %arg1, %c0_i32_0, %c0_i32_1 : i32, i32, i32, i32, i32
  }
  func.func @transform_2(%arg0: i32, %arg1: i32) -> (i32, i32, i32, i32, i32) {
    %c0_i32 = arith.constant 0 : i32
    %c0_i32_0 = arith.constant 0 : i32
    %c0_i32_1 = arith.constant 0 : i32
    %c0_i32_2 = arith.constant 0 : i32
    return %c0_i32, %arg0, %arg1, %c0_i32_0, %c0_i32_1 : i32, i32, i32, i32, i32
  }
}

</mosaic_0001>

<sc_bundles>
// kernel: kernel.4.cloned.1.call-start
scs
__scs_entry_jumppad:
0x0: {  	(pc) =	sbr.rel $0x88, $3  }
0x1: {  	(tag) =	ssettag $0x0;
	lr =	simm.s32 $0x1  }
0x2: {  	[smem:$0x3F9E] =	sst lr;
	_ =	strace $0xD0000000  }
0x3: {  	_ = 	snop  }
0x4: {  	_ = 	snop  }
0x5: {  	_ = 	snop  }
0x6: {  	_ = 	snop  }
0x7: {  	_ = 	snop  }
__scs_overlays_trampoline_lowered:
0x8: {  	[smem:$0x3FAD] =	sst s0  }
0x9: {  	[smem:$0x3FAE] =	sst s1  }
0xa: {  	[smem:$0x3FAF] =	sst s2  }
0xb: {  	[smem:$0x3FB0] =	sst s3  }
0xc: {  	[smem:$0x3FB1] =	sst s4  }
0xd: {  	[smem:$0x3FB2] =	sst s5  }
0xe: {  	[smem:$0x3FB3] =	sst s6  }
0xf: {  	[smem:$0x3FB4] =	sst s7  }
0x10: {  	[smem:$0x3FB5] =	sst s8  }
0x11: {  	[smem:$0x3FB6] =	sst s9;
	s0 =	simm.s32 @!p0 $0x0  }
0x12: {  	s1 =	sld [smem:$0x3F9C];
	s0 =	simm.s32 @p0 $0x1  }
0x13: {  	[smem:$0x3FB7] =	sst s0;
	s0 =	simm.s32 @!p1 $0x0  }
0x14: {  	s2 =	sld [smem:$0x3F9B];
	s0 =	simm.s32 @p1 $0x1  }
0x15: {  	[smem:$0x3FB8] =	sst s0;
	s0 =	simm.s32 @!p2 $0x0  }
0x16: {  	s3 =	sld [smem:$0x3FDB];
	s0 =	simm.s32 @p2 $0x1  }
0x17: {  	s4 =	simm.s32 $0x1BF5;
	[smem:$0x3FBA] =	sst s0  }
0x18: {  	s0 =	sld [smem:$0x3F9D];
	_ =	swait.ge [sflag:s4], $0x0  }
0x19: {  	s7 =	sld [smem:$0x3F9E]  }
0x1a: {  	s8 =	sadd.s32 $0xFFFFE003, lr  }
0x1b: {  	s9 =	sadd.s32 $0xFFFFFEF7, lr;
	s5 =	simm.s32 $0xFFFFFFFF;
	p2 =	slt.u32 s8, $0xFFFFF086  }
0x1c: {  	p1 =	slt.u32 s9, $0xF7A;
	s5 =	simm.s32 @!p2 $0x0  }
0x1d: {  	s5 =	simm.s32 @p1 $0x1;
	p0 =	seq.s32 s7, s2  }
0x1e: {  	s7 =	smul.u32 @!p0 $0xF7A, s2;
	p2 =	seq.s32 @!p0 s5, $0x0  }
0x1f: {  	s9 =	smul.u32 $0xF7A, s1;
	s8 =	simm.s32 @!p0 $0x1BF5;
	p2 =	por !p2, p0  }
0x20: {  	[sflag:s8] =	ssyncset.s32 @!p0 $0xFFFFF086;
	s6 =	sadd.s32 @!p0 s3, s7;
	s7 =	simm.s32 @!p0 $0x108  }
0x21: {  	s3 =	sadd.s32 s3, s9;
	s6 =	sadd.s32 @!p0 $0x88, s6;
	s7 =	simm.s32 @p2 $0x1082  }
0x22: {  	[simem:s7], [sflag:s8] =	dma.local @!p0 [hbm:s6], $0xF7A  }
0x23: {  	s9 =	sor.u32 $0xD0000000, s2;
	s6 =	simm.s32 $0x108;
	_ =	swait.ge @!p0 [sflag:s8], $0x0  }
0x24: {  	s3 =	sadd.s32 $0x88, s3;
	s6 =	simm.s32 @!p1 $0x1082;
	[sflag:s4] =	ssyncset.s32 $0xFFFFF086  }
0x25: {  	[simem:s6], [sflag:s4] =	dma.local [hbm:s3], $0xF7A  }
0x26: {  	[smem:$0x3F9E] =	sst s1;
	(tag) =	ssettag s2;
	_ =	strace s9  }
0x27: {  	s1 =	sld [smem:$0x3FAE]  }
0x28: {  	s2 =	sld [smem:$0x3FAF]  }
0x29: {  	s4 =	sld [smem:$0x3FB1]  }
0x2a: {  	p0 =	seq.s32 s5, $0x0;
	s5 =	sld [smem:$0x3FB2]  }
0x2b: {  	s6 =	sld [smem:$0x3FB3]  }
0x2c: {  	s7 =	sld [smem:$0x3FB4]  }
0x2d: {  	s3 =	simm.s32 $0x108;
	s8 =	sld [smem:$0x3FB5]  }
0x2e: {  	s3 =	simm.s32 @!p0 $0x1082;
	s9 =	sld [smem:$0x3FB6]  }
0x2f: {  	lr =	sadd.s32 s0, s3;
	s0 =	sld [smem:$0x3FAD]  }
0x30: {  	s3 =	sld [smem:$0x3FB0]  }
0x31: {  	[smem:$0x3FB9] =	sst s10  }
0x32: {  	s10 =	sld [smem:$0x3FB7];
	_ =	sdelay $0x3  }
0x33: {  	p0 =	seq.s32 s10, $0x1;
	s10 =	sld [smem:$0x3FB9];
	_ =	sdelay $0x3  }
0x34: {  	[smem:$0x3FB9] =	sst s10  }
0x35: {  	s10 =	sld [smem:$0x3FB8];
	_ =	sdelay $0x3  }
0x36: {  	p1 =	seq.s32 s10, $0x1;
	s10 =	sld [smem:$0x3FB9];
	_ =	sdelay $0x3  }
0x37: {  	[smem:$0x3FB9] =	sst s10  }
0x38: {  	s10 =	sld [smem:$0x3FBA]  }
0x39: {  	_ = 	snop;
	(pc) =	sbr.ind lr, $3  }
0x3a: {  	_ = 	snop  }
0x3b: {  	_ = 	snop  }
0x3c: {  	p2 =	seq.s32 s10, $0x1;
	s10 =	sld [smem:$0x3FB9]  }
0x3d: {  	_ =	shalt  }
0x3e: {  	_ =	shalt  }
0x3f: {  	_ =	shalt  }
0x40: {  	_ =	shalt  }
0x41: {  	_ =	shalt  }
0x42: {  	_ =	shalt  }
0x43: {  	_ =	shalt  }
0x44: {  	_ =	shalt  }
0x45: {  	_ =	shalt  }
0x46: {  	_ =	shalt  }
0x47: {  	_ =	shalt  }
0x48: {  	_ =	shalt  }
0x49: {  	_ =	shalt  }
0x4a: {  	_ =	shalt  }
0x4b: {  	_ =	shalt  }
0x4c: {  	_ =	shalt  }
0x4d: {  	_ =	shalt  }
0x4e: {  	_ =	shalt  }
0x4f: {  	_ =	shalt  }
0x50: {  	_ =	shalt  }
0x51: {  	_ =	shalt  }
0x52: {  	_ =	shalt  }
0x53: {  	_ =	shalt  }
0x54: {  	_ =	shalt  }
0x55: {  	_ =	shalt  }
0x56: {  	_ =	shalt  }
0x57: {  	_ =	shalt  }
0x58: {  	_ =	shalt  }
0x59: {  	_ =	shalt  }
0x5a: {  	_ =	shalt  }
0x5b: {  	_ =	shalt  }
0x5c: {  	_ =	shalt  }
0x5d: {  	_ =	shalt  }
0x5e: {  	_ =	shalt  }
0x5f: {  	_ =	shalt  }
0x60: {  	_ =	shalt  }
0x61: {  	_ =	shalt  }
0x62: {  	_ =	shalt  }
0x63: {  	_ =	shalt  }
0x64: {  	_ =	shalt  }
0x65: {  	_ =	shalt  }
0x66: {  	_ =	shalt  }
0x67: {  	_ =	shalt  }
0x68: {  	_ =	shalt  }
0x69: {  	_ =	shalt  }
0x6a: {  	_ =	shalt  }
0x6b: {  	_ =	shalt  }
0x6c: {  	_ =	shalt  }
0x6d: {  	_ =	shalt  }
0x6e: {  	_ =	shalt  }
0x6f: {  	_ =	shalt  }
0x70: {  	_ =	shalt  }
0x71: {  	_ =	shalt  }
0x72: {  	_ =	shalt  }
0x73: {  	_ =	shalt  }
0x74: {  	_ =	shalt  }
0x75: {  	_ =	shalt  }
0x76: {  	_ =	shalt  }
0x77: {  	_ =	shalt  }
0x78: {  	_ =	shalt  }
0x79: {  	_ =	shalt  }
0x7a: {  	_ =	shalt  }
0x7b: {  	_ =	shalt  }
0x7c: {  	_ =	shalt  }
0x7d: {  	_ =	shalt  }
0x7e: {  	_ =	shalt  }
0x7f: {  	_ =	shalt  }
0x80: {  	_ =	shalt  }
0x81: {  	_ =	shalt  }
0x82: {  	_ =	shalt  }
0x83: {  	_ =	shalt  }
0x84: {  	_ =	shalt  }
0x85: {  	_ =	shalt  }
0x86: {  	_ =	shalt  }
0x87: {  	_ =	shalt  }
.Lfunc_end0:
.L_simem_size_0:
called_computation_lowered:
.L_overlay_start_0:
0x88: {  	s2 =	sld [smem:$0x3FD9]  }
0x89: {  	s3 =	sld [smem:$0x3FFE];
	_ =	sdelay $0x1  }
0x8a: {  	s1 =	srdreg.scid  }
0x8b: {  	s0 =	sand.u32 $0x1, s1  }
0x8c: {  	s17 =	sshll.u32 s0, $0xA;
	s2 =	sadd.s32 s3, s2  }
0x8d: {  	s2 =	sadd.s32 s2, s17  }
0x8e: {  	[smem:$0x3FC5] =	sst s2  }
0x8f: {  	_ = 	snop  }
0x90: {  	s2 =	sld [smem:$0x3FC8]  }
0x91: {  	s18 =	sld [smem:$0x3FD0];
	(tm) =	ssettm $0x1  }
0x92: {  	s4 =	sld [smem:$0x3FFB];
	_ =	sdelay $0x3  }
0x93: {  	_ =	strace s4  }
0x94: {  	s4 =	sld [smem:$0x3FFC];
	_ =	sdelay $0x3  }
0x95: {  	_ =	strace s4  }
0x96: {  	s4 =	sld [smem:$0x3FFD];
	_ =	sdelay $0x3  }
0x97: {  	_ =	strace s4  }
0x98: {  	_ =	strace $0x8FFFFFFF  }
0x99: {  	s19 =	sld [smem:$0x3FDB];
	_ =	sdelay $0x1  }
0x9a: {  	s5 =	simm.s32 $_scs_section_size  }
0x9b: {  	s6 =	simm.s32 $_size__tile_overlayer_lowered;
	s7 =	simm.s32 $_tile_overlayer_lowered  }
0x9c: {  	s22 =	simm.s32 $0x1BFF;
	s21 =	sshll.u32 s7, $0x1;
	s4 =	sadd.s32 s5, s19  }
0x9d: {  	s8 =	simm.s32 $0x0;
	s20 =	sshll.u32 s6, $0x1;
	s6 =	sadd.s32 s21, s4  }
0x9e: {  	[timem:s8], [sflag:s22] =	dma.local [hbm:s6], s20  }
0x9f: {  	_ =	swait.ge [sflag:s22], s20  }
0xa0: {  	s5 =	ssub.s32 $0x0, s20;
	[sflag:s22] =	ssyncset.done $0x0  }
0xa1: {  	[sflag:s22] =	ssyncadd.s32 s5;
	_ =	sdelay $0x1  }
0xa2: {  	s23 =	simm.s32 $0x1B8B  }
0xa3: {  	_ =	swait.ge [sflag:s23], $0x1  }
0xa4: {  	[sflag:s23] =	ssyncset.done $0x0  }
0xa5: {  	s25 =	simm.s32 $0x1B8E;
	s24 =	sld [smem:$0x3FFE];
	[sflag:s23] =	ssyncadd.s32 $0xFFFFFFFF  }
0xa6: {  	s26 =	simm.s32 $execute0_lowered;
	[smem:$0x3FD2] =	sst s25  }
0xa7: {  	s6 =	sshll.u32 s26, $0x1;
	_ =	strace $0x80000046;
	[dreg:$0x1] =	wrdreg $0xFFFFFFFF  }
0xa8: {  	s28 =	simm.s32 $_size_execute0_lowered;
	s4 =	sadd.s32 s4, s6;
	[dreg:$0x0] =	wrdreg $0x0  }
0xa9: {  	s6 =	sshll.u32 s28, $0x1;
	[dreg:$0x2] =	wrdreg s4  }
0xaa: {  	[dreg:$0x3] =	wrdreg s6  }
0xab: {  	[dreg:$0x4] =	wrdreg $0xC0  }
0xac: {  	_ =	task [dreg:s8], $0x5FFFF  }
0xad: {  	[dreg:$0x1] =	wrdreg $0xFFFFFFFF  }
0xae: {  	[dreg:$0x0] =	wrdreg $0x60  }
0xaf: {  	[dreg:$0x2] =	wrdreg s24  }
0xb0: {  	[dreg:$0x3] =	wrdreg s2  }
0xb1: {  	[dreg:$0x4] =	wrdreg s18  }
0xb2: {  	[dreg:$0x5] =	wrdreg $0x9  }
0xb3: {  	_ =	task.clear_ibuf [dreg:s8], $0x6FFFF;
	_ =	strace $0x90000046  }
0xb4: {  	s29 =	simm.s32 $0x9;
	_ =	strace $0x80000048  }
0xb5: {  	_ =	swait.ge [sflag:s29], $0x1  }
0xb6: {  	[sflag:s29] =	ssyncadd.s32 $0xFFFFFFFF  }
0xb7: {  	_ =	strace $0x90000048  }
0xb8: {  	_ =	sfence  }
0xb9: {  	s30 =	sld [smem:$0x0];
	_ =	sdelay $0x2  }
0xba: {  	s31 =	sshll.u32 s1, $0xD;
	s1 =	sshrl.u32 s1, $0x2  }
0xbb: {  	s3 =	sand.u32 $0x4000, s31;
	s1 =	sadd.s32 s1, s30  }
0xbc: {  	s0 =	sor.u32 s3, s0;
	s1 =	sshll.u32 s1, $0x11  }
0xbd: {  	s0 =	sor.u32 s1, s0  }
0xbe: {  	s0 =	sadd.s32 $0x8F2B, s0  }
0xbf: {  	[sflag:s0] =	ssyncadd.remote.s32 $0x1  }
0xc0: {  	_ =	sfence.sel $0xFFFF  }
0xc1: {  	[dreg:$0x0] =	wrdreg $0xFFFFFFFF;
	(pc) =	sbr.abs _section_cstart, $3  }
0xc2: {  	[dreg:$0x1] =	wrdreg $0xFFFFFFFF  }
0xc3: {  	_ =	task.clear_ibuf [dreg:s8], $0x2FFFF;
	_ =	strace $0x9FFFFFFF  }
0xc4: {  	(tm) =	ssettm $0x7FFFFFFF  }
0xc5: {  	_ =	shalt  }
tec
execute0_lowered:
.L_overlay_start_1:
0x0: {  	(tag) =	ssettag $0x1  }
0x1: {  	s0 =	rddreg [dreg:$0x0]  }
0x2: {  	s2 =	rddreg [dreg:$0x1]  }
0x3: {  	s3 =	rddreg [dreg:$0x2];
	s4 =	simm.s32 $0x0  }
0x4: {  	s6 =	stileid.u32;
	s1 =	srdreg.scid;
	s10 =	simm.s32 $0x200  }
0x5: {  	s11 =	simm.s32 $0x400;
	s12 =	simm.s32 $0x40000;
	s13 =	simm.s32 $0x1A580  }
0x6: {  	s14 =	simm.s32 $0x1;
	s15 =	simm.s32 $0x1B180;
	s16 =	simm.s32 $0x2  }
0x7: {  	s17 =	simm.s32 $0x8C68;
	s18 =	simm.s32 $0x118D0;
	s19 =	simm.s32 $0x1BD80  }
0x8: {  	s20 =	simm.s32 $0x3;
	s21 =	simm.s32 $0x5;
	s22 =	simm.s32 $0x1C980  }
0x9: {  	s23 =	simm.s32 $0x4;
	s24 =	simm.s32 $0x0;
	s5 =	sshll.u32 s6, $0x1  }
0xa: {  	s6 =	sshrl.u32 s6, $0x2;
	s1 =	sand.u32 $0x1, s1;
	s5 =	sand.u32 $0x6, s5  }
0xb: {  	[smem:$0x7FF] =	sst s4;
	s7 =	smul.u32 $0xC0000, s6;
	s5 =	sor.u32 s1, s5  }
0xc: {  	_ =	strace $0x80000047;
	s1 =	ssub.s32 $0x2, s1;
	s5 =	sshll.u32 s5, $0xF  }
0xd: {  	s6 =	sshll.u32 s6, $0x4;
	s30 =	sshrl.u32 s1, $0x1;
	s5 =	sor.u32 s7, s5  }
0xe: {  	s0 =	sadd.s32 s6, s0;
	s1 =	ssub.s32 s1, s30;
	s31 =	sshrl.u32 s5, $0x3  }
0xf: {  	s6 =	sadd.s32 $0x600, s0;
	s8 =	smax.u32 s1, $0x1;
	s7 =	sadd.s32 s2, s31  }
.LBB2_1:
0x10: {  	s0 =	simm.s32 $0x80  }
0x11: {  	[tilespmem:s4], [sflag:$0x1] =	stream.strided.gather [hbm4b:s6+s0], $0x1A580, s10, s0, $0x38;
	[tilespmem:$0x1D580] =	vst v63  }
0x12: {  	_ = 	snop  }
0x13: {  	[tilespmem:s13], [sflag:$0x2] =	stream.strided.gather [hbm4b:s7+s11], $0xC00, s12, s11, $0x38;
	[tilespmem:$0x1D580] =	vst v63  }
0x14: {  	_ =	swait.ge [sflag:s14], $0x1A580  }
0x15: {  	[sflag:s14] =	ssyncset.done $0x0  }
0x16: {  	s25 =	simm.s32 $0x0;
	[sflag:s14] =	ssyncadd.s32 $0xFFFE5A80  }
.LBB2_2:
0x17: {  	s28 =	sshll.u32 s25, $0xB  }
0x18: {  	s0 =	sand.u32 $0x7800, s28  }
0x19: {  	s0 =	sor.u32 s5, s0  }
0x1a: {  	s29 =	sshrl.u32 s0, $0x3  }
0x1b: {  	s26 =	sor.u32 $0x80, s29  }
0x1c: {  	s1 =	sadd.s32 s2, s26  }
0x1d: {  	[tilespmem:s15], [sflag:$0x3] =	stream.strided.gather [hbm4b:s1+s11], $0xC00, s12, s11, $0x38;
	[tilespmem:$0x1D580] =	vst v63  }
0x1e: {  	_ =	swait.ge [sflag:s16], $0xC00  }
0x1f: {  	p0 =	seq.s32 s25, $0x0;
	[sflag:s16] =	ssyncset.done $0x0  }
0x20: {  	s0 =	simm.s32 @!p0 $0x4;
	[sflag:s16] =	ssyncadd.s32 $0xFFFFF400  }
0x21: {  	_ =	swait.ge @!p0 [sflag:s0], $0xC00  }
0x22: {  	[sflag:s0] =	ssyncset.done @!p0 $0x0  }
0x23: {  	s9 =	simm.s32 $0x1A990;
	[sflag:s0] =	ssyncadd.s32 @!p0 $0xFFFFF400  }
0x24: {  	v2 =	vld [tilespmem:s9+$0xFFFFFC00]  }
0x25: {  	v9 =	vld [tilespmem:s9+$0x0];
	_ =	sdelay $0x1  }
0x26: {  	v0 =	vld [tilespmem:s9+$0x400];
	_ =	sdelay $0x2  }
0x27: {  	v1 =	vmul.f32 $3.200000000e+01, v2;
	v3 =	vmul.f32 $3.200000000e+01, v9;
	_ =	sdelay $0x1  }
0x28: {  	v4 =	vmul.f32 $3.200000000e+01, v0;
	v1 =	vmin.f32 v1, $3.199999620e+01;
	v3 =	vmin.f32 v3, $3.199999620e+01  }
0x29: {  	v5 =	vtrunc.f32 v1;
	v6 =	vtrunc.f32 v3  }
0x2a: {  	v5 =	vcvt.f32.s32 v5;
	v6 =	vcvt.f32.s32 v6  }
0x2b: {  	v4 =	vmin.f32 v4, $3.199999620e+01  }
0x2c: {  	v7 =	vtrunc.f32 v4;
	v8 =	vmul.u32 $0x441, v5;
	v10 =	vmul.u32 $0x21, v6  }
0x2d: {  	v7 =	vcvt.f32.s32 v7  }
0x2e: {  	v8 =	vadd.s32 v8, v10  }
0x2f: {  	v14 =	vadd.s32 v7, v8  }
0x30: {  	v13 =	vadd.s32 $0x441, v14  }
0x31: {  	v5 =	vcvt.s32.f32 v5;
	v6 =	vcvt.s32.f32 v6;
	v10 =	vadd.s32 $0x21, v14  }
0x32: {  	v8 =	vcvt.s32.f32 v7;
	v11 =	vadd.s32 $0x462, v14  }
0x33: {  	v1 =	vsub.f32 v1, v5;
	v12 =	vsub.f32 v3, v6;
	v7 =	vadd.s32 $0x1, v14  }
0x34: {  	v6 =	vadd.s32 $0x22, v14;
	v15 =	vsub.f32 v4, v8;
	v20 =	vld.idx.msk [tilespmem:v14+s4+$0x0], $0xffff  }
0x35: {  	v21 =	vsub.f32 $1.000000000e+00, v1;
	v5 =	vadd.s32 $0x463, v14;
	v16 =	vsub.f32 $1.000000000e+00, v12;
	v22 =	vld.idx.msk [tilespmem:v13+s4+$0x0], $0xffff  }
0x36: {  	v8 =	vadd.s32 $0x442, v14;
	v3 =	vmul.f32 v15, v12;
	v17 =	vsub.f32 $1.000000000e+00, v15;
	v23 =	vld.idx.msk [tilespmem:v10+s4+$0x0], $0xffff  }
0x37: {  	v27 =	vmul.f32 v15, v16;
	v24 =	vld.idx.msk [tilespmem:v11+s4+$0x0], $0xffff  }
0x38: {  	v4 =	vmul.f32 v3, v21;
	v25 =	vld.idx.msk [tilespmem:v7+s4+$0x0], $0xffff;
	v19 =	vmul.f32 v17, v16  }
0x39: {  	v3 =	vmul.f32 v3, v1;
	v12 =	vmul.f32 v17, v12;
	v28 =	vld.idx.msk [tilespmem:v6+s4+$0x0], $0xffff  }
0x3a: {  	v29 =	vld.idx.msk [tilespmem:v5+s4+$0x0], $0xffff;
	v15 =	vmul.f32 v27, v21;
	v18 =	vmul.f32 v19, v21  }
0x3b: {  	v26 =	vld.idx.msk [tilespmem:v8+s4+$0x0], $0xffff;
	v16 =	vmul.f32 v19, v1;
	v19 =	vmul.f32 v12, v21  }
0x3c: {  	v30 =	vld [tilespmem:s9+$0xFFFFFFF0];
	v17 =	vmul.f32 v12, v1;
	v12 =	vmul.f32 v27, v1  }
0x3d: {  	v20 =	vmul.f32 v18, v20;
	v21 =	vmul.f32 v16, v22  }
0x3e: {  	v1 =	vld [tilespmem:s9+$0xFFFFFBF0];
	v22 =	vmul.f32 v19, v23;
	v23 =	vmul.f32 v17, v24  }
0x3f: {  	v31 =	vld [tilespmem:s9+$0x3F0];
	v24 =	vmul.f32 v15, v25;
	v27 =	vmul.f32 v29, v3  }
0x40: {  	v25 =	vmul.f32 v12, v26;
	v26 =	vmul.f32 v4, v28  }
0x41: {  	v28 =	vmul.f32 $3.200000000e+01, v30;
	v20 =	vadd.f32 v21, v20;
	v21 =	vadd.f32 v23, v22  }
0x42: {  	v22 =	vadd.f32 v25, v24;
	v23 =	vadd.f32 v27, v26  }
0x43: {  	v24 =	vmin.f32 v28, $3.199999620e+01;
	v25 =	vmul.f32 $3.200000000e+01, v1  }
0x44: {  	v26 =	vmul.f32 $3.200000000e+01, v31;
	v20 =	vadd.f32 v21, v20;
	v21 =	vadd.f32 v23, v22  }
0x45: {  	v22 =	vtrunc.f32 v24  }
0x46: {  	v23 =	vmin.f32 v25, $3.199999620e+01;
	v25 =	vmin.f32 v26, $3.199999620e+01;
	v20 =	vadd.f32 v21, v20  }
0x47: {  	v26 =	vtrunc.f32 v25;
	v21 =	vtrunc.f32 v23  }
0x48: {  	v22 =	vcvt.f32.s32 v22;
	v21 =	vcvt.f32.s32 v21;
	v2 =	vadd.f32 v20, v2  }
0x49: {  	s30 =	simm.s32 $0x1C190;
	[tilespmem:$0x1FE10] =	vst v31;
	v20 =	vcvt.f32.s32 v26  }
0x4a: {  	v27 =	vmul.u32 $0x21, v22;
	v26 =	vmul.u32 $0x441, v21;
	[tilespmem:s30+$0xFFFFFC00] =	vst v2  }
0x4b: {  	v2 =	vcvt.s32.f32 v22;
	v22 =	vcvt.s32.f32 v20;
	v28 =	vld.idx.msk [tilespmem:v14+s17+$0x0], $0xffff  }
0x4c: {  	v26 =	vadd.s32 v26, v27;
	v27 =	vld.idx.msk [tilespmem:v13+s17+$0x0], $0xffff  }
0x4d: {  	v29 =	vld.idx.msk [tilespmem:v7+s17+$0x0], $0xffff;
	v2 =	vsub.f32 v24, v2;
	v22 =	vsub.f32 v25, v22;
	v40 =	vadd.s32 v20, v26  }
0x4e: {  	v21 =	vcvt.s32.f32 v21;
	v31 =	vld.idx.msk [tilespmem:v8+s17+$0x0], $0xffff;
	v54 =	vadd.s32 $0x441, v40  }
0x4f: {  	v33 =	vld.idx.msk [tilespmem:v6+s17+$0x0], $0xffff;
	v53 =	vadd.s32 $0x21, v40;
	v25 =	vsub.f32 $1.000000000e+00, v2;
	v26 =	vsub.f32 $1.000000000e+00, v22  }
0x50: {  	v21 =	vsub.f32 v23, v21;
	v20 =	vld.idx.msk [tilespmem:v10+s17+$0x0], $0xffff;
	v52 =	vadd.s32 $0x462, v40  }
0x51: {  	v24 =	vld.idx.msk [tilespmem:v11+s17+$0x0], $0xffff;
	v50 =	vadd.s32 $0x1, v40;
	v23 =	vmul.f32 v22, v2;
	v32 =	vmul.f32 v26, v25  }
0x52: {  	v49 =	vadd.s32 $0x442, v40;
	v2 =	vmul.f32 v26, v2;
	v22 =	vmul.f32 v22, v25;
	v25 =	vld.idx.msk [tilespmem:v5+s17+$0x0], $0xffff  }
0x53: {  	v51 =	vadd.s32 $0x22, v40;
	v46 =	vmul.f32 v23, v21;
	v28 =	vmul.f32 v28, v18;
	v26 =	vld.idx.msk [tilespmem:v54+s4+$0x0], $0xffff  }
0x54: {  	v27 =	vmul.f32 v27, v16;
	v29 =	vmul.f32 v29, v15;
	v34 =	vld.idx.msk [tilespmem:v53+s4+$0x0], $0xffff  }
0x55: {  	v31 =	vmul.f32 v31, v12;
	v33 =	vmul.f32 v33, v4;
	v35 =	vld.idx.msk [tilespmem:v52+s4+$0x0], $0xffff  }
0x56: {  	v56 =	vadd.s32 $0x463, v40;
	v20 =	vmul.f32 v20, v19;
	v24 =	vmul.f32 v24, v17;
	v36 =	vld.idx.msk [tilespmem:v50+s4+$0x0], $0xffff  }
0x57: {  	v37 =	vsub.f32 $1.000000000e+00, v21;
	v38 =	vld.idx.msk [tilespmem:v49+s4+$0x0], $0xffff;
	[tilespmem:$0x1FFC0] =	vst v49;
	v43 =	vmul.f32 v2, v21;
	v25 =	vmul.f32 v25, v3  }
0x58: {  	s1 =	simm.s32 $0x1A9B0;
	v27 =	vadd.f32 v27, v28;
	v28 =	vadd.f32 v31, v29;
	v39 =	vld.idx.msk [tilespmem:v51+s4+$0x0], $0xffff;
	[tilespmem:$0x1FFD0] =	vst v51  }
0x59: {  	v47 =	vmul.f32 v2, v37;
	v24 =	vadd.f32 v24, v20;
	v2 =	vld [tilespmem:s1+$0x0];
	v25 =	vadd.f32 v25, v33  }
0x5a: {  	v42 =	vmul.f32 v32, v21;
	v44 =	vmul.f32 v22, v37;
	v20 =	vld [tilespmem:s1+$0xFFFFFC00]  }
0x5b: {  	v45 =	vmul.f32 v22, v21;
	v21 =	vld.idx.msk [tilespmem:v56+s4+$0x0], $0xffff;
	v22 =	vadd.f32 v24, v27;
	v24 =	vadd.f32 v25, v28  }
0x5c: {  	v48 =	vmul.f32 v23, v37;
	v57 =	vmul.f32 v32, v37;
	[tilespmem:$0x1FFF0] =	vst v56  }
0x5d: {  	v55 =	vld [tilespmem:s1+$0x400];
	v23 =	vmul.f32 v42, v26;
	v26 =	vmul.f32 v43, v35;
	v22 =	vadd.f32 v24, v22  }
0x5e: {  	v27 =	vmul.f32 v45, v38;
	v29 =	vmul.f32 $3.200000000e+01, v2  }
0x5f: {  	v31 =	vmul.f32 v48, v39;
	v28 =	vld.idx.msk [tilespmem:v40+s4+$0x0], $0xffff;
	v9 =	vadd.f32 v22, v9;
	v22 =	vmul.f32 $3.200000000e+01, v20  }
0x60: {  	v25 =	vmul.f32 v47, v34;
	v21 =	vmul.f32 v21, v46;
	v41 =	vmin.f32 v29, $3.199999620e+01  }
0x61: {  	v39 =	vld [tilespmem:s1+$0xFFFFFFF0];
	v24 =	vmul.f32 v44, v36;
	v58 =	vtrunc.f32 v41;
	[tilespmem:s30+$0x0] =	vst v9;
	v22 =	vmin.f32 v22, $3.199999620e+01  }
0x62: {  	v9 =	vmul.f32 $3.200000000e+01, v55;
	v14 =	vld.idx.msk [tilespmem:v14+s18+$0x0], $0xffff;
	v29 =	vtrunc.f32 v22  }
0x63: {  	v25 =	vadd.f32 v26, v25;
	v13 =	vld.idx.msk [tilespmem:v13+s18+$0x0], $0xffff;
	[tilespmem:$0x1FFE0] =	vst v57;
	v26 =	vcvt.f32.s32 v29;
	v29 =	vcvt.f32.s32 v58  }
0x64: {  	v24 =	vadd.f32 v27, v24;
	v27 =	vmul.f32 v57, v28;
	v10 =	vld.idx.msk [tilespmem:v10+s18+$0x0], $0xffff;
	v9 =	vmin.f32 v9, $3.199999620e+01  }
0x65: {  	v11 =	vld.idx.msk [tilespmem:v11+s18+$0x0], $0xffff;
	v28 =	vtrunc.f32 v9;
	v59 =	vmul.u32 $0x441, v26;
	v60 =	vmul.u32 $0x21, v29  }
0x66: {  	v23 =	vadd.f32 v23, v27;
	v7 =	vld.idx.msk [tilespmem:v7+s18+$0x0], $0xffff;
	[tilespmem:$0x1FE20] =	vst v39;
	v27 =	vcvt.f32.s32 v28  }
0x67: {  	v21 =	vadd.f32 v21, v31;
	v31 =	vld.idx.msk [tilespmem:v8+s18+$0x0], $0xffff;
	v61 =	vcvt.s32.f32 v29;
	v8 =	vadd.s32 v59, v60  }
0x68: {  	v6 =	vld.idx.msk [tilespmem:v6+s18+$0x0], $0xffff;
	v26 =	vcvt.s32.f32 v26;
	v14 =	vmul.f32 v14, v18;
	v32 =	vadd.s32 v27, v8  }
0x69: {  	v16 =	vmul.f32 v13, v16;
	v13 =	vsub.f32 v41, v61;
	v8 =	vadd.s32 $0x441, v32  }
0x6a: {  	v18 =	vmul.f32 v10, v19;
	v11 =	vmul.f32 v11, v17;
	v29 =	vadd.s32 $0x21, v32  }
0x6b: {  	v5 =	vld.idx.msk [tilespmem:v5+s18+$0x0], $0xffff;
	v10 =	vcvt.s32.f32 v27;
	v15 =	vmul.f32 v7, v15;
	v33 =	vadd.s32 $0x462, v32  }
0x6c: {  	v17 =	vsub.f32 v22, v26;
	v7 =	vadd.s32 $0x1, v32;
	v12 =	vmul.f32 v31, v12  }
0x6d: {  	v22 =	vmul.f32 v6, v4;
	v31 =	vadd.s32 $0x442, v32;
	v9 =	vsub.f32 v9, v10;
	v26 =	vld.idx.msk [tilespmem:v32+s4+$0x0], $0xffff  }
0x6e: {  	v27 =	vadd.s32 $0x22, v32;
	v6 =	vadd.s32 $0x463, v32;
	v34 =	vsub.f32 $1.000000000e+00, v13;
	v62 =	vld.idx.msk [tilespmem:v8+s4+$0x0], $0xffff  }
0x6f: {  	v10 =	vsub.f32 $1.000000000e+00, v17;
	v19 =	vmul.f32 v9, v13;
	v58 =	vsub.f32 $1.000000000e+00, v9;
	v63 =	vld.idx.msk [tilespmem:v29+s4+$0x0], $0xffff  }
0x70: {  	v21 =	vadd.f32 v21, v24;
	v24 =	vmul.f32 v5, v3;
	v41 =	vmul.f32 v9, v34;
	v59 =	vld.idx.msk [tilespmem:v33+s4+$0x0], $0xffff  }
0x71: {  	v3 =	vadd.f32 v25, v23;
	v4 =	vmul.f32 v19, v10;
	v23 =	vld.idx.msk [tilespmem:v7+s4+$0x0], $0xffff;
	v25 =	vmul.f32 v58, v34  }
0x72: {  	v14 =	vadd.f32 v16, v14;
	v5 =	vmul.f32 v19, v17;
	v60 =	vld.idx.msk [tilespmem:v31+s4+$0x0], $0xffff;
	v13 =	vmul.f32 v58, v13  }
0x73: {  	v3 =	vadd.f32 v21, v3;
	v21 =	vld.idx.msk [tilespmem:v27+s4+$0x0], $0xffff;
	v9 =	vmul.f32 v41, v10;
	v35 =	vmul.f32 v25, v10  }
0x74: {  	v11 =	vadd.f32 v11, v18;
	v34 =	vmul.f32 v25, v17;
	v25 =	vld.idx.msk [tilespmem:v6+s4+$0x0], $0xffff;
	v19 =	vmul.f32 v13, v10  }
0x75: {  	v12 =	vadd.f32 v12, v15;
	v13 =	vmul.f32 v13, v17;
	v10 =	vmul.f32 v41, v17  }
0x76: {  	v61 =	vld [tilespmem:s1+$0x3F0];
	v22 =	vadd.f32 v24, v22;
	v16 =	vmul.f32 v35, v26;
	v17 =	vmul.f32 v34, v62  }
0x77: {  	v1 =	vadd.f32 v3, v1;
	v3 =	vld [tilespmem:s1+$0xFFFFFBF0];
	v18 =	vmul.f32 v19, v63;
	v26 =	vmul.f32 v13, v59  }
0x78: {  	v15 =	vmul.f32 v9, v23;
	v23 =	vmul.f32 v10, v60  }
0x79: {  	v12 =	vadd.f32 v22, v12;
	v21 =	vmul.f32 v4, v21;
	v24 =	vmul.f32 v25, v5  }
0x7a: {  	v16 =	vadd.f32 v17, v16;
	v17 =	vadd.f32 v26, v18  }
0x7b: {  	v28 =	vmul.f32 $3.200000000e+01, v39;
	[tilespmem:s30+$0xFFFFFBF0] =	vst v1;
	v15 =	vadd.f32 v23, v15;
	v21 =	vadd.f32 v24, v21  }
0x7c: {  	v1 =	vadd.f32 v11, v14;
	v14 =	vmul.f32 $3.200000000e+01, v61;
	[tilespmem:$0x1FE30] =	vst v61;
	v11 =	vmul.f32 $3.200000000e+01, v3  }
0x7d: {  	v36 =	vld.idx.msk [tilespmem:v51+s17+$0x0], $0xffff;
	v16 =	vadd.f32 v17, v16;
	v15 =	vadd.f32 v21, v15  }
0x7e: {  	v14 =	vmin.f32 v14, $3.199999620e+01;
	v11 =	vmin.f32 v11, $3.199999620e+01;
	v18 =	vmin.f32 v28, $3.199999620e+01;
	v26 =	vld.idx.msk [tilespmem:v50+s17+$0x0], $0xffff  }
0x7f: {  	v22 =	vtrunc.f32 v11;
	v23 =	vtrunc.f32 v18;
	v24 =	vld.idx.msk [tilespmem:v40+s17+$0x0], $0xffff;
	v15 =	vadd.f32 v15, v16  }
0x80: {  	v1 =	vadd.f32 v12, v1;
	v25 =	vtrunc.f32 v14;
	v17 =	vld.idx.msk [tilespmem:v54+s17+$0x0], $0xffff;
	v23 =	vcvt.f32.s32 v23  }
0x81: {  	v25 =	vcvt.f32.s32 v25;
	v12 =	vcvt.f32.s32 v22;
	v21 =	vld.idx.msk [tilespmem:v53+s17+$0x0], $0xffff;
	v15 =	vadd.f32 v15, v20  }
0x82: {  	s31 =	simm.s32 $0x1C1B0;
	v51 =	vadd.f32 v1, v0;
	v22 =	vcvt.s32.f32 v23;
	v16 =	vld.idx.msk [tilespmem:v52+s17+$0x0], $0xffff  }
0x83: {  	v28 =	vcvt.s32.f32 v25;
	v0 =	vmul.u32 $0x441, v12;
	v23 =	vmul.u32 $0x21, v23;
	v20 =	vld.idx.msk [tilespmem:v49+s17+$0x0], $0xffff;
	[tilespmem:s31+$0xFFFFFC00] =	vst v15  }
0x84: {  	v15 =	vsub.f32 v18, v22;
	v18 =	vld.idx.msk [tilespmem:v32+s17+$0x0], $0xffff  }
0x85: {  	v14 =	vsub.f32 v14, v28;
	v0 =	vadd.s32 v0, v23;
	v23 =	vld.idx.msk [tilespmem:v8+s17+$0x0], $0xffff  }
0x86: {  	v49 =	vadd.s32 v25, v0;
	v25 =	vld.idx.msk [tilespmem:v29+s17+$0x0], $0xffff;
	[tilespmem:$0x1FE40] =	vst v42  }
0x87: {  	v22 =	vmul.f32 v24, v57;
	v24 =	vsub.f32 $1.000000000e+00, v14;
	v0 =	vsub.f32 $1.000000000e+00, v15;
	v37 =	vld.idx.msk [tilespmem:v33+s17+$0x0], $0xffff  }
0x88: {  	v12 =	vcvt.s32.f32 v12;
	v28 =	vmul.f32 v14, v15;
	v39 =	vld.idx.msk [tilespmem:v31+s17+$0x0], $0xffff  }
0x89: {  	v15 =	vmul.f32 v24, v15;
	v38 =	vmul.f32 v24, v0;
	v24 =	vld.idx.msk [tilespmem:v7+s17+$0x0], $0xffff;
	[tilespmem:$0x1FE50] =	vst v47  }
0x8a: {  	v41 =	vsub.f32 v11, v12;
	v12 =	vmul.f32 v26, v44;
	v63 =	vadd.s32 $0x441, v49;
	[tilespmem:$0x1FE60] =	vst v43  }
0x8b: {  	v17 =	vmul.f32 v17, v42;
	v60 =	vadd.s32 $0x21, v49;
	v59 =	vadd.s32 $0x462, v49;
	v11 =	vld.idx.msk [tilespmem:v27+s17+$0x0], $0xffff;
	[tilespmem:$0x1FE70] =	vst v44  }
0x8c: {  	v21 =	vmul.f32 v21, v47;
	v57 =	vadd.s32 $0x1, v49;
	v16 =	vmul.f32 v16, v43;
	[tilespmem:$0x1FE80] =	vst v45  }
0x8d: {  	v61 =	vadd.s32 $0x442, v49;
	v20 =	vmul.f32 v20, v45;
	v0 =	vmul.f32 v14, v0;
	v14 =	vld.idx.msk [tilespmem:v6+s17+$0x0], $0xffff  }
0x8e: {  	v58 =	vadd.s32 $0x22, v49;
	v22 =	vadd.f32 v17, v22;
	v21 =	vadd.f32 v16, v21;
	v26 =	vld.idx.msk [tilespmem:v56+s17+$0x0], $0xffff  }
0x8f: {  	v20 =	vadd.f32 v20, v12;
	v12 =	vmul.f32 v18, v35;
	v16 =	vmul.f32 v23, v34;
	v23 =	vld.idx.msk [tilespmem:v63+s4+$0x0], $0xffff  }
0x90: {  	v17 =	vmul.f32 v25, v19;
	v56 =	vadd.s32 $0x463, v49;
	v25 =	vld.idx.msk [tilespmem:v60+s4+$0x0], $0xffff;
	v18 =	vmul.f32 v37, v13  }
0x91: {  	v43 =	vld.idx.msk [tilespmem:v57+s4+$0x0], $0xffff;
	v16 =	vadd.f32 v16, v12;
	v12 =	vmul.f32 v24, v9  }
0x92: {  	v44 =	vld.idx.msk [tilespmem:v61+s4+$0x0], $0xffff;
	v24 =	vmul.f32 v39, v10;
	v17 =	vadd.f32 v18, v17;
	v18 =	vmul.f32 v38, v41  }
0x93: {  	v42 =	vsub.f32 $1.000000000e+00, v41;
	v45 =	vld.idx.msk [tilespmem:v58+s4+$0x0], $0xffff;
	v62 =	vmul.f32 v11, v4;
	v14 =	vmul.f32 v14, v5  }
0x94: {  	v37 =	vld.idx.msk [tilespmem:v59+s4+$0x0], $0xffff;
	v11 =	vmul.f32 v15, v41;
	v24 =	vadd.f32 v24, v12;
	v12 =	vmul.f32 v28, v41  }
0x95: {  	s9 =	simm.s32 $0x1A9D0;
	v39 =	vadd.f32 v14, v62;
	v14 =	vmul.f32 v15, v42;
	v15 =	vmul.f32 v0, v41;
	v41 =	vld.idx.msk [tilespmem:v56+s4+$0x0], $0xffff  }
0x96: {  	v47 =	vadd.f32 v17, v16;
	v17 =	vmul.f32 v0, v42;
	v0 =	vld [tilespmem:s9+$0xFFFFFC00]  }
0x97: {  	v62 =	vld [tilespmem:s9+$0x0];
	[tilespmem:$0x1FE90] =	vst v48;
	v24 =	vadd.f32 v39, v24  }
0x98: {  	v36 =	vmul.f32 v36, v48;
	v16 =	vmul.f32 v28, v42;
	[tilespmem:$0x1FEA0] =	vst v46  }
0x99: {  	v26 =	vmul.f32 v26, v46;
	v28 =	vmul.f32 v38, v42;
	v1 =	vld [tilespmem:s9+$0x400];
	v24 =	vadd.f32 v24, v47  }
0x9a: {  	v21 =	vadd.f32 v21, v22;
	v22 =	vmul.f32 v14, v25;
	v25 =	vmul.f32 v11, v37;
	v47 =	vld.idx.msk [tilespmem:v49+s4+$0x0], $0xffff  }
0x9b: {  	v23 =	vmul.f32 v18, v23;
	v26 =	vadd.f32 v26, v36;
	v2 =	vadd.f32 v24, v2  }
0x9c: {  	v48 =	vmul.f32 v15, v44;
	v22 =	vadd.f32 v25, v22;
	v25 =	vmul.f32 v17, v43  }
0x9d: {  	v20 =	vadd.f32 v26, v20;
	v42 =	vmul.f32 v41, v12;
	v26 =	vmul.f32 $3.200000000e+01, v62;
	[tilespmem:s31+$0x0] =	vst v2  }
0x9e: {  	v24 =	vadd.f32 v48, v25;
	v25 =	vmul.f32 v16, v45;
	v2 =	vmul.f32 $3.200000000e+01, v0;
	[tilespmem:$0x1FEB0] =	vst v62  }
0x9f: {  	v44 =	vmul.f32 $3.200000000e+01, v1;
	v43 =	vmul.f32 v28, v47;
	v32 =	vld.idx.msk [tilespmem:v32+s18+$0x0], $0xffff  }
0xa0: {  	v26 =	vmin.f32 v26, $3.199999620e+01;
	v25 =	vadd.f32 v42, v25;
	v8 =	vld.idx.msk [tilespmem:v8+s18+$0x0], $0xffff;
	v2 =	vmin.f32 v2, $3.199999620e+01;
	[tilespmem:$0x1FEC0] =	vst v1  }
0xa1: {  	v46 =	vtrunc.f32 v26;
	v23 =	vadd.f32 v23, v43;
	v29 =	vld.idx.msk [tilespmem:v29+s18+$0x0], $0xffff;
	v45 =	vtrunc.f32 v2  }
0xa2: {  	v20 =	vadd.f32 v20, v21;
	v48 =	vcvt.f32.s32 v46;
	v21 =	vld.idx.msk [tilespmem:v33+s18+$0x0], $0xffff;
	v47 =	vcvt.f32.s32 v45  }
0xa3: {  	v24 =	vadd.f32 v25, v24;
	v7 =	vld.idx.msk [tilespmem:v7+s18+$0x0], $0xffff;
	v22 =	vadd.f32 v22, v23;
	v23 =	vmin.f32 v44, $3.199999620e+01  }
0xa4: {  	v25 =	vld.idx.msk [tilespmem:v31+s18+$0x0], $0xffff;
	v38 =	vmul.u32 $0x21, v48;
	v31 =	vtrunc.f32 v23;
	v62 =	vmul.u32 $0x441, v47  }
0xa5: {  	v20 =	vadd.f32 v20, v30;
	v6 =	vld.idx.msk [tilespmem:v6+s18+$0x0], $0xffff;
	v31 =	vcvt.f32.s32 v31  }
0xa6: {  	v39 =	vcvt.s32.f32 v48;
	v19 =	vmul.f32 v29, v19;
	v29 =	vadd.s32 v62, v38  }
0xa7: {  	v22 =	vadd.f32 v24, v22;
	v24 =	vmul.f32 v32, v35;
	v48 =	vadd.s32 v31, v29  }
0xa8: {  	v38 =	vcvt.s32.f32 v47;
	v13 =	vmul.f32 v21, v13;
	v43 =	vadd.s32 $0x441, v48  }
0xa9: {  	v27 =	vld.idx.msk [tilespmem:v27+s18+$0x0], $0xffff;
	v7 =	vmul.f32 v7, v9;
	v21 =	vcvt.s32.f32 v31;
	v45 =	vadd.s32 $0x21, v48  }
0xaa: {  	v1 =	vld [tilespmem:s9+$0x3F0];
	v5 =	vmul.f32 v6, v5;
	v6 =	vsub.f32 v26, v39;
	v44 =	vadd.s32 $0x462, v48  }
0xab: {  	v9 =	vmul.f32 v25, v10;
	v42 =	vadd.s32 $0x1, v48;
	v29 =	vmovc v12;
	v12 =	vld [tilespmem:s9+$0xFFFFFFF0];
	v10 =	vsub.f32 v23, v21  }
0xac: {  	v8 =	vmul.f32 v8, v34;
	v2 =	vsub.f32 v2, v38;
	v26 =	vsub.f32 $1.000000000e+00, v6;
	v21 =	vld.idx.msk [tilespmem:v48+s4+$0x0], $0xffff  }
0xad: {  	v41 =	vadd.s32 $0x442, v48;
	v46 =	vadd.s32 $0x22, v48;
	v23 =	vsub.f32 $1.000000000e+00, v10;
	v25 =	vld.idx.msk [tilespmem:v43+s4+$0x0], $0xffff  }
0xae: {  	v62 =	vsub.f32 $1.000000000e+00, v2;
	v31 =	vmul.f32 v10, v6;
	v10 =	vmul.f32 v10, v26;
	v47 =	vld.idx.msk [tilespmem:v45+s4+$0x0], $0xffff  }
0xaf: {  	v37 =	vadd.s32 $0x463, v48;
	v6 =	vmul.f32 v23, v6;
	v23 =	vmul.f32 v23, v26;
	v26 =	vld.idx.msk [tilespmem:v44+s4+$0x0], $0xffff  }
0xb0: {  	v3 =	vadd.f32 v22, v3;
	v30 =	vmul.f32 v31, v62;
	v35 =	vmul.f32 v31, v2;
	v22 =	vld.idx.msk [tilespmem:v42+s4+$0x0], $0xffff  }
0xb1: {  	v34 =	vmul.f32 v10, v62;
	v31 =	vmul.f32 v10, v2;
	v10 =	vld [tilespmem:s9+$0xFFFFFBF0]  }
0xb2: {  	v32 =	vmul.f32 v23, v62;
	v33 =	vmul.f32 v23, v2;
	v23 =	vld.idx.msk [tilespmem:v41+s4+$0x0], $0xffff  }
0xb3: {  	v38 =	vmul.f32 v6, v62;
	v39 =	vmul.f32 v6, v2;
	v6 =	vld.idx.msk [tilespmem:v46+s4+$0x0], $0xffff  }
0xb4: {  	[tilespmem:s30+$0xFFFFFFF0] =	vst v20;
	v2 =	vld.idx.msk [tilespmem:v37+s4+$0x0], $0xffff  }
0xb5: {  	v62 =	vld.idx.msk [tilespmem:v40+s18+$0x0], $0xffff;
	[tilespmem:$0x1FED0] =	vst v1  }
0xb6: {  	v20 =	vmul.f32 $3.200000000e+01, v1;
	v1 =	vld.idx.msk [tilespmem:v54+s18+$0x0], $0xffff;
	_ =	sdelay $0x3  }
0xb7: {  	[tilespmem:$0x1FEF0] =	vst v12  }
0xb8: {  	[tilespmem:$0x1FEE0] =	vst v1  }
0xb9: {  	v1 =	vld.idx.msk [tilespmem:v53+s18+$0x0], $0xffff;
	_ =	sdelay $0x4  }
0xba: {  	v4 =	vmul.f32 v27, v4;
	v8 =	vadd.f32 v8, v24;
	[tilespmem:$0x1FF00] =	vst v1  }
0xbb: {  	v13 =	vadd.f32 v13, v19;
	v7 =	vadd.f32 v9, v7;
	v1 =	vld.idx.msk [tilespmem:v52+s18+$0x0], $0xffff  }
0xbc: {  	v4 =	vadd.f32 v5, v4;
	v5 =	vmul.f32 v32, v21;
	v9 =	vmul.f32 v33, v25  }
0xbd: {  	v8 =	vadd.f32 v13, v8;
	v13 =	vmul.f32 v38, v47;
	v19 =	vmul.f32 v39, v26  }
0xbe: {  	v21 =	vmul.f32 $3.200000000e+01, v12;
	v5 =	vadd.f32 v9, v5  }
0xbf: {  	v9 =	vmul.f32 v34, v22;
	v13 =	vadd.f32 v19, v13;
	v19 =	vmul.f32 v31, v23  }
0xc0: {  	v6 =	vmul.f32 v30, v6;
	v2 =	vmul.f32 v2, v35;
	[tilespmem:$0x1FF10] =	vst v1  }
0xc1: {  	v20 =	vmin.f32 v20, $3.199999620e+01;
	v4 =	vadd.f32 v4, v7;
	v9 =	vadd.f32 v19, v9;
	[tilespmem:s31+$0xFFFFFBF0] =	vst v3  }
0xc2: {  	v19 =	vmin.f32 v21, $3.199999620e+01;
	v21 =	vtrunc.f32 v20;
	v2 =	vadd.f32 v2, v6;
	v36 =	vld.idx.msk [tilespmem:v50+s18+$0x0], $0xffff;
	[tilespmem:$0x1FF20] =	vst v49  }
0xc3: {  	v5 =	vadd.f32 v13, v5;
	v6 =	vtrunc.f32 v19;
	v3 =	vcvt.f32.s32 v21;
	v7 =	vld.idx.msk [tilespmem:v49+s17+$0x0], $0xffff;
	[tilespmem:$0x1FF30] =	vst v10  }
0xc4: {  	v6 =	vcvt.f32.s32 v6;
	v2 =	vadd.f32 v2, v9;
	v21 =	vmul.f32 $3.200000000e+01, v10;
	[tilespmem:$0x1FF40] =	vst v63  }
0xc5: {  	v4 =	vadd.f32 v4, v8;
	v13 =	vcvt.s32.f32 v3;
	v9 =	vld.idx.msk [tilespmem:v63+s17+$0x0], $0xffff;
	[tilespmem:$0x1FF50] =	vst v60  }
0xc6: {  	v22 =	vcvt.s32.f32 v6;
	v2 =	vadd.f32 v2, v5;
	v8 =	vmin.f32 v21, $3.199999620e+01;
	v21 =	vld.idx.msk [tilespmem:v60+s17+$0x0], $0xffff;
	[tilespmem:$0x1FF60] =	vst v59  }
0xc7: {  	v5 =	vsub.f32 v20, v13;
	v20 =	vtrunc.f32 v8;
	v13 =	vld.idx.msk [tilespmem:v59+s17+$0x0], $0xffff;
	[tilespmem:$0x1FF70] =	vst v57  }
0xc8: {  	v19 =	vsub.f32 v19, v22;
	v0 =	vadd.f32 v2, v0;
	v20 =	vcvt.f32.s32 v20;
	v22 =	vld.idx.msk [tilespmem:v57+s17+$0x0], $0xffff;
	[tilespmem:$0x1FF80] =	vst v61  }
0xc9: {  	s0 =	simm.s32 $0x1C1D0;
	v2 =	vmul.u32 $0x21, v6;
	v23 =	vsub.f32 $1.000000000e+00, v5;
	v50 =	vld.idx.msk [tilespmem:v61+s17+$0x0], $0xffff;
	[tilespmem:$0x1FF90] =	vst v58  }
0xca: {  	v26 =	vsub.f32 $1.000000000e+00, v19;
	v25 =	vmul.f32 v5, v19;
	v24 =	vmul.u32 $0x441, v20;
	[tilespmem:s0+$0xFFFFFC00] =	vst v0  }
0xcb: {  	v20 =	vcvt.s32.f32 v20;
	v12 =	vld.idx.msk [tilespmem:v58+s17+$0x0], $0xffff;
	v0 =	vmul.f32 v23, v19;
	[tilespmem:$0x1FFA0] =	vst v56  }
0xcc: {  	v23 =	vmul.f32 v23, v26;
	v2 =	vadd.s32 v24, v2;
	v24 =	vmul.f32 v5, v26;
	v19 =	vld.idx.msk [tilespmem:v56+s17+$0x0], $0xffff  }
0xcd: {  	v27 =	vmov v11;
	v8 =	vsub.f32 v8, v20;
	v5 =	vmul.f32 v7, v28;
	v26 =	vld.idx.msk [tilespmem:v48+s17+$0x0], $0xffff;
	[tilespmem:$0x1FFB0] =	vst v28  }
0xce: {  	v58 =	vadd.s32 v3, v2;
	v2 =	vmul.f32 v21, v14;
	v3 =	vmul.f32 v13, v27;
	v20 =	vld.idx.msk [tilespmem:v43+s17+$0x0], $0xffff  }
0xcf: {  	v11 =	vadd.f32 v4, v55;
	v7 =	vmul.f32 v9, v18;
	v9 =	vmul.f32 v22, v17;
	v22 =	vld.idx.msk [tilespmem:v46+s17+$0x0], $0xffff  }
0xd0: {  	v21 =	vsub.f32 $1.000000000e+00, v8;
	v47 =	vmul.f32 v0, v8;
	v4 =	vadd.f32 v3, v2;
	v3 =	vld.idx.msk [tilespmem:v37+s17+$0x0], $0xffff  }
0xd1: {  	v13 =	vld.idx.msk [tilespmem:v45+s17+$0x0], $0xffff;
	v63 =	vmul.f32 v24, v8;
	v2 =	vmul.f32 v23, v8  }
0xd2: {  	v7 =	vadd.f32 v7, v5;
	v6 =	vld.idx.msk [tilespmem:v42+s17+$0x0], $0xffff;
	v1 =	vmul.f32 v50, v15;
	v5 =	vmul.f32 v23, v21  }
0xd3: {  	v23 =	vld.idx.msk [tilespmem:v41+s17+$0x0], $0xffff;
	v49 =	vmul.f32 v0, v21;
	v0 =	vmul.f32 v25, v8  }
0xd4: {  	v9 =	vadd.f32 v1, v9;
	v1 =	vmul.f32 v26, v32;
	v20 =	vmul.f32 v20, v33  }
0xd5: {  	v54 =	vadd.s32 $0x21, v58;
	[tilespmem:s30+$0x400] =	vst v51;
	v22 =	vmul.f32 v22, v30;
	v3 =	vmul.f32 v3, v35  }
0xd6: {  	[tilespmem:s31+$0x400] =	vst v11;
	v51 =	vmul.f32 v24, v21;
	v8 =	vadd.f32 v4, v7;
	v4 =	vmul.f32 v13, v38  }
0xd7: {  	v13 =	vadd.f32 v20, v1;
	v1 =	vmul.f32 v25, v21;
	v21 =	vadd.f32 v3, v22;
	v3 =	vld [tilespmem:$0x1FFC0]  }
0xd8: {  	v56 =	vld.idx.msk [tilespmem:v44+s17+$0x0], $0xffff;
	v52 =	vadd.s32 $0x462, v58;
	v6 =	vmul.f32 v6, v34;
	v20 =	vmul.f32 v23, v31  }
0xd9: {  	v57 =	vadd.s32 $0x441, v58  }
0xda: {  	v6 =	vadd.f32 v20, v6  }
0xdb: {  	v24 =	vld.idx.msk [tilespmem:v54+s4+$0x0], $0xffff  }
0xdc: {  	v20 =	vadd.f32 v21, v6;
	v6 =	vld [tilespmem:$0x1FFE0]  }
0xdd: {  	v53 =	vadd.s32 $0x442, v58;
	v26 =	vld.idx.msk [tilespmem:v52+s4+$0x0], $0xffff;
	v7 =	vmul.f32 v56, v39  }
0xde: {  	v55 =	vadd.s32 $0x1, v58;
	v10 =	vld.idx.msk [tilespmem:v57+s4+$0x0], $0xffff  }
0xdf: {  	v50 =	vadd.s32 $0x22, v58;
	v7 =	vadd.f32 v7, v4;
	v4 =	vld.idx.msk [tilespmem:v3+s18+$0x0], $0xffff  }
0xe0: {  	v3 =	vld [tilespmem:$0x1FFD0]  }
0xe1: {  	v56 =	vadd.s32 $0x463, v58;
	v25 =	vadd.f32 v7, v13;
	v7 =	vmul.f32 v62, v6;
	v6 =	vld [tilespmem:$0x1FFF0]  }
0xe2: {  	v40 =	vmov v14;
	v14 =	vld.idx.msk [tilespmem:v53+s4+$0x0], $0xffff  }
0xe3: {  	v23 =	vld.idx.msk [tilespmem:v55+s4+$0x0], $0xffff  }
0xe4: {  	v11 =	vld.idx.msk [tilespmem:v50+s4+$0x0], $0xffff  }
0xe5: {  	v22 =	vmul.f32 v49, v24;
	v24 =	vmul.f32 v47, v26  }
0xe6: {  	v19 =	vmul.f32 v19, v29;
	v26 =	vmul.f32 v12, v16;
	v21 =	vld.idx.msk [tilespmem:v56+s4+$0x0], $0xffff  }
0xe7: {  	v60 =	vmovc v16;
	v59 =	vmovc v18;
	v61 =	vmov v17;
	v28 =	vmov v15;
	v13 =	vadd.f32 v24, v22;
	v22 =	vld.idx.msk [tilespmem:v58+s4+$0x0], $0xffff  }
0xe8: {  	v10 =	vmul.f32 v2, v10;
	v19 =	vadd.f32 v19, v26;
	v24 =	vmul.f32 v51, v23;
	v3 =	vld.idx.msk [tilespmem:v3+s18+$0x0], $0xffff  }
0xe9: {  	s1 =	simm.s32 $0x4;
	s9 =	simm.s32 $0x1A9F0;
	v26 =	vmul.f32 v63, v14;
	v23 =	vadd.f32 v20, v25;
	v25 =	vmul.f32 v1, v11;
	v6 =	vld.idx.msk [tilespmem:v6+s18+$0x0], $0xffff  }
.LBB2_3:
0xea: {  	_ =	sdelay $0x1  }
0xeb: {  	v11 =	vmov v5  }
0xec: {  	v9 =	vadd.f32 v19, v9;
	[tilespmem:$0x1FDD0] =	vst v11;
	v19 =	vmul.f32 v11, v22;
	v11 =	vld [tilespmem:$0x1FEB0];
	_ =	sdelay $0x3  }
0xed: {  	v12 =	vld [tilespmem:$0x1FEE0]  }
0xee: {  	v22 =	vadd.f32 v23, v11;
	v11 =	vld [tilespmem:$0x1FE40];
	_ =	sdelay $0x4  }
0xef: {  	v8 =	vadd.f32 v9, v8;
	v9 =	vld [tilespmem:$0x1FE50];
	v23 =	vmul.f32 v12, v11;
	v11 =	vmov v59  }
0xf0: {  	[tilespmem:$0x1FE40] =	vst v11;
	v11 =	vld [tilespmem:$0x1FF00];
	_ =	sdelay $0x3  }
0xf1: {  	v15 =	vld [tilespmem:$0x1FF10]  }
0xf2: {  	v9 =	vmul.f32 v11, v9;
	v11 =	vld [tilespmem:$0x1FE60];
	_ =	sdelay $0x4  }
0xf3: {  	v10 =	vadd.f32 v10, v19;
	v19 =	vmul.f32 v15, v11;
	v11 =	vld [tilespmem:$0x1FE70];
	_ =	sdelay $0x1  }
0xf4: {  	v20 =	vld [tilespmem:s9+$0x400]  }
0xf5: {  	v5 =	vld [tilespmem:s9+$0xFFFFFC00]  }
0xf6: {  	v12 =	vld [tilespmem:s9+$0x0]  }
0xf7: {  	[tilespmem:s0+$0x0] =	vst v22;
	v22 =	vmul.f32 v36, v11;
	v11 =	vld [tilespmem:$0x1FE20];
	_ =	sdelay $0x4  }
0xf8: {  	v8 =	vadd.f32 v8, v11;
	v11 =	vld [tilespmem:$0x1FE80];
	_ =	sdelay $0x4  }
0xf9: {  	v4 =	vmul.f32 v4, v11;
	v11 =	vld [tilespmem:$0x1FE90];
	_ =	sdelay $0x2  }
0xfa: {  	v14 =	vmov v2;
	v2 =	vld [tilespmem:s9+$0xFFFFFFF0];
	[tilespmem:$0x1FEB0] =	vst v12  }
0xfb: {  	[tilespmem:s31+$0xFFFFFFF0] =	vst v8;
	v8 =	vadd.f32 v19, v9;
	v19 =	vmul.f32 $3.200000000e+01, v12;
	v12 =	vld [tilespmem:$0x1FEF0]  }
0xfc: {  	v3 =	vmul.f32 v3, v11;
	v11 =	vld [tilespmem:$0x1FEA0];
	_ =	sdelay $0x4  }
0xfd: {  	v21 =	vmul.f32 v21, v0;
	v6 =	vmul.f32 v6, v11;
	v11 =	vmov v12;
	_ =	sdelay $0x1  }
0xfe: {  	v24 =	vadd.f32 v26, v24;
	v21 =	vadd.f32 v21, v25  }
0xff: {  	v25 =	vmul.f32 $3.200000000e+01, v20;
	v10 =	vadd.f32 v13, v10;
	v13 =	vld.idx.msk [tilespmem:v43+s18+$0x0], $0xffff;
	[tilespmem:$0x1FE20] =	vst v11;
	v11 =	vmov v29  }
0x100: {  	v16 =	vmovc v2;
	v21 =	vadd.f32 v21, v24;
	v7 =	vadd.f32 v23, v7;
	v23 =	vmul.f32 $3.200000000e+01, v2;
	v2 =	vmovc v0  }
0x101: {  	v24 =	vld.idx.msk [tilespmem:v48+s18+$0x0], $0xffff;
	[tilespmem:$0x1FDF0] =	vst v2  }
0x102: {  	v25 =	vmin.f32 v25, $3.199999620e+01;
	v10 =	vadd.f32 v21, v10;
	v21 =	vld.idx.msk [tilespmem:v44+s18+$0x0], $0xffff;
	[tilespmem:$0x1FEA0] =	vst v11;
	v11 =	vmov v40  }
0x103: {  	v0 =	vmov v47;
	v2 =	vtrunc.f32 v25;
	v9 =	vmul.f32 $3.200000000e+01, v5;
	[tilespmem:$0x1FE50] =	vst v11;
	v11 =	vld [tilespmem:$0x1FF30]  }
0x104: {  	v26 =	vld.idx.msk [tilespmem:v45+s18+$0x0], $0xffff;
	[tilespmem:$0x1FDE0] =	vst v0;
	v0 =	vmin.f32 v23, $3.199999620e+01;
	v13 =	vmul.f32 v13, v33;
	v59 =	vmin.f32 v19, $3.199999620e+01  }
0x105: {  	v23 =	vtrunc.f32 v59;
	v4 =	vadd.f32 v4, v22;
	v22 =	vmin.f32 v9, $3.199999620e+01;
	v9 =	vld.idx.msk [tilespmem:v41+s18+$0x0], $0xffff  }
0x106: {  	v42 =	vld.idx.msk [tilespmem:v42+s18+$0x0], $0xffff;
	v23 =	vcvt.f32.s32 v23;
	v19 =	vtrunc.f32 v22  }
0x107: {  	v37 =	vld.idx.msk [tilespmem:v37+s18+$0x0], $0xffff;
	v21 =	vmul.f32 v21, v39;
	v19 =	vcvt.f32.s32 v19  }
0x108: {  	v36 =	vld.idx.msk [tilespmem:v46+s18+$0x0], $0xffff;
	[tilespmem:$0x1FEF0] =	vst v16;
	v16 =	vmovc v63;
	v63 =	vcvt.s32.f32 v23;
	v10 =	vadd.f32 v10, v11;
	v11 =	vmov v61  }
0x109: {  	v62 =	vcvt.s32.f32 v19;
	v19 =	vmul.u32 $0x441, v19;
	v3 =	vadd.f32 v6, v3;
	v6 =	vld [tilespmem:s9+$0x3F0];
	[tilespmem:$0x1FE70] =	vst v11  }
0x10a: {  	v39 =	vmul.f32 v9, v31;
	v61 =	vcvt.f32.s32 v2;
	v11 =	vld [tilespmem:s9+$0xFFFFFBF0];
	[tilespmem:s0+$0xFFFFFBF0] =	vst v10;
	v10 =	vmul.u32 $0x21, v23  }
0x10b: {  	v23 =	vmul.f32 v24, v32;
	v24 =	vmul.f32 v26, v38  }
0x10c: {  	v26 =	vadd.f32 v8, v7;
	v7 =	vadd.s32 v19, v10;
	v19 =	vmul.f32 v42, v34  }
0x10d: {  	v48 =	vadd.s32 v61, v7;
	v7 =	vmul.f32 v36, v30;
	v30 =	vmul.f32 v37, v35  }
0x10e: {  	v23 =	vadd.f32 v13, v23;
	v21 =	vadd.f32 v21, v24  }
0x10f: {  	v24 =	vadd.f32 v39, v19;
	v30 =	vadd.f32 v30, v7  }
0x110: {  	[tilespmem:$0x1FF30] =	vst v11;
	v32 =	vmul.f32 $3.200000000e+01, v11;
	v11 =	vld [tilespmem:$0x1FEC0]  }
0x111: {  	v21 =	vadd.f32 v21, v23;
	v23 =	vadd.f32 v30, v24;
	_ =	sdelay $0x1  }
0x112: {  	v21 =	vadd.f32 v23, v21;
	_ =	sdelay $0x1  }
0x113: {  	v21 =	vadd.f32 v21, v11;
	v11 =	vmov v20  }
0x114: {  	[tilespmem:$0x1FEC0] =	vst v11;
	v11 =	vld [tilespmem:$0x1FF20];
	_ =	sdelay $0x7  }
0x115: {  	v11 =	vld.idx.msk [tilespmem:v11+s18+$0x0], $0xffff;
	_ =	sdelay $0x4  }
0x116: {  	[tilespmem:$0x1FE00] =	vst v11;
	v11 =	vmov v58  }
0x117: {  	[tilespmem:$0x1FF20] =	vst v11;
	v11 =	vld [tilespmem:$0x1FF40];
	_ =	sdelay $0x7  }
0x118: {  	v11 =	vld.idx.msk [tilespmem:v11+s18+$0x0], $0xffff;
	_ =	sdelay $0x1  }
0x119: {  	v12 =	vmov v27  }
0x11a: {  	v43 =	vadd.s32 $0x441, v48  }
0x11b: {  	[tilespmem:$0x1FE60] =	vst v12;
	v45 =	vadd.s32 $0x21, v48  }
0x11c: {  	v12 =	vmov v28;
	[tilespmem:$0x1FEE0] =	vst v11;
	v11 =	vld [tilespmem:$0x1FE10]  }
0x11d: {  	[tilespmem:$0x1FE80] =	vst v12;
	v3 =	vadd.f32 v3, v4;
	v12 =	vld [tilespmem:$0x1FE30];
	v44 =	vadd.s32 $0x462, v48  }
0x11e: {  	v15 =	vmov v49;
	v31 =	vcvt.s32.f32 v61;
	v42 =	vadd.s32 $0x1, v48;
	v49 =	vld.idx.msk [tilespmem:v48+s4+$0x0], $0xffff  }
0x11f: {  	v18 =	vmov v51;
	v3 =	vadd.f32 v3, v26;
	v41 =	vadd.s32 $0x442, v48;
	v51 =	vld.idx.msk [tilespmem:v43+s4+$0x0], $0xffff  }
0x120: {  	v25 =	vsub.f32 v25, v31;
	v61 =	vld.idx.msk [tilespmem:v45+s4+$0x0], $0xffff  }
0x121: {  	v22 =	vsub.f32 v22, v62;
	v28 =	vadd.f32 v3, v11;
	v11 =	vld [tilespmem:$0x1FF50]  }
0x122: {  	v40 =	vsub.f32 $1.000000000e+00, v25;
	v24 =	vsub.f32 v59, v63;
	v62 =	vld.idx.msk [tilespmem:v44+s4+$0x0], $0xffff;
	v20 =	vmul.f32 $3.200000000e+01, v6  }
0x123: {  	v59 =	vld.idx.msk [tilespmem:v42+s4+$0x0], $0xffff  }
0x124: {  	v29 =	vld.idx.msk [tilespmem:v41+s4+$0x0], $0xffff;
	[tilespmem:s0+$0x400] =	vst v21;
	v21 =	vmin.f32 v20, $3.199999620e+01;
	v20 =	vmul.f32 v40, v24;
	_ =	sdelay $0x1  }
0x125: {  	v34 =	vsub.f32 $1.000000000e+00, v22;
	_ =	sdelay $0x1  }
0x126: {  	v38 =	vmul.f32 v20, v34;
	v39 =	vmul.f32 v20, v22;
	v20 =	vmov v12;
	v12 =	vld [tilespmem:$0x1FED0]  }
0x127: {  	v11 =	vld.idx.msk [tilespmem:v11+s18+$0x0], $0xffff;
	_ =	sdelay $0x2  }
0x128: {  	v2 =	vmov v60  }
0x129: {  	[tilespmem:$0x1FE90] =	vst v2;
	v2 =	vld.idx.msk [tilespmem:v58+s17+$0x0], $0xffff  }
0x12a: {  	v17 =	vmov v1;
	v1 =	vld.idx.msk [tilespmem:v57+s17+$0x0], $0xffff;
	[tilespmem:$0x1FF00] =	vst v11;
	v11 =	vmov v12  }
0x12b: {  	[tilespmem:$0x1FE30] =	vst v11;
	v11 =	vld [tilespmem:$0x1FF60]  }
0x12c: {  	v8 =	vld.idx.msk [tilespmem:v54+s17+$0x0], $0xffff;
	v46 =	vadd.s32 $0x22, v48  }
0x12d: {  	v9 =	vld.idx.msk [tilespmem:v52+s17+$0x0], $0xffff;
	v37 =	vadd.s32 $0x463, v48;
	v3 =	vmov v6  }
0x12e: {  	v23 =	vsub.f32 $1.000000000e+00, v24;
	[tilespmem:$0x1FED0] =	vst v3;
	v3 =	vld [tilespmem:$0x1FF70]  }
0x12f: {  	v47 =	vtrunc.f32 v0;
	v10 =	vld.idx.msk [tilespmem:v55+s17+$0x0], $0xffff  }
0x130: {  	v47 =	vcvt.f32.s32 v47;
	v13 =	vld.idx.msk [tilespmem:v53+s17+$0x0], $0xffff;
	v4 =	vmul.f32 v40, v23  }
0x131: {  	v31 =	vmul.f32 v25, v24;
	v23 =	vmul.f32 v25, v23;
	v24 =	vld.idx.msk [tilespmem:v46+s4+$0x0], $0xffff  }
0x132: {  	v27 =	vmin.f32 v32, $3.199999620e+01;
	v32 =	vmul.f32 v4, v34;
	v33 =	vmul.f32 v4, v22;
	v4 =	vld.idx.msk [tilespmem:v37+s4+$0x0], $0xffff  }
0x133: {  	v36 =	vmul.f32 v31, v34;
	v35 =	vmul.f32 v31, v22;
	v11 =	vld.idx.msk [tilespmem:v11+s18+$0x0], $0xffff  }
0x134: {  	v19 =	vld.idx.msk [tilespmem:v50+s17+$0x0], $0xffff;
	v31 =	vmul.f32 v23, v22;
	v34 =	vmul.f32 v23, v34  }
0x135: {  	v7 =	vld.idx.msk [tilespmem:v56+s17+$0x0], $0xffff;
	v22 =	vmul.f32 v32, v49;
	v23 =	vmul.f32 v33, v51;
	[tilespmem:s30+$0x3F0] =	vst v28  }
0x136: {  	v29 =	vmul.f32 v31, v29;
	v25 =	vmul.f32 v38, v61;
	[tilespmem:$0x1FE10] =	vst v20;
	v20 =	vld.idx.msk [tilespmem:v3+s18+$0x0], $0xffff;
	v3 =	vmov v54  }
0x137: {  	v26 =	vmul.f32 v39, v62;
	v24 =	vmul.f32 v36, v24;
	[tilespmem:$0x1FF50] =	vst v3;
	v3 =	vld [tilespmem:$0x1FF80]  }
0x138: {  	v6 =	vmul.f32 v34, v59;
	[tilespmem:$0x1FF10] =	vst v11;
	v11 =	vmov v57;
	v57 =	vmul.f32 v4, v35  }
0x139: {  	v1 =	vmul.f32 v1, v14;
	v22 =	vadd.f32 v23, v22;
	v23 =	vadd.f32 v26, v25  }
0x13a: {  	v8 =	vmul.f32 v8, v15;
	v26 =	vadd.f32 v29, v6;
	v24 =	vadd.f32 v57, v24  }
0x13b: {  	v62 =	vld [tilespmem:$0x1FDD0];
	v25 =	vtrunc.f32 v21;
	v58 =	vtrunc.f32 v27  }
0x13c: {  	v22 =	vadd.f32 v23, v22;
	v29 =	vcvt.f32.s32 v58;
	v23 =	vadd.f32 v24, v26  }
0x13d: {  	v25 =	vcvt.f32.s32 v25;
	v24 =	vcvt.s32.f32 v47  }
0x13e: {  	v30 =	vld [tilespmem:$0x1FDE0];
	[tilespmem:$0x1FF40] =	vst v11;
	v11 =	vmovc v52;
	v26 =	vmul.u32 $0x441, v29;
	v47 =	vmul.u32 $0x21, v47;
	v22 =	vadd.f32 v23, v22  }
0x13f: {  	v59 =	vcvt.s32.f32 v25;
	[tilespmem:$0x1FF60] =	vst v11;
	v29 =	vcvt.s32.f32 v29;
	v4 =	vld.idx.msk [tilespmem:v3+s18+$0x0], $0xffff;
	v0 =	vsub.f32 v0, v24  }
0x140: {  	v3 =	vmovc v55;
	v23 =	vadd.s32 v26, v47;
	v24 =	vmul.f32 v2, v62;
	v5 =	vadd.f32 v22, v5  }
0x141: {  	v6 =	vld [tilespmem:$0x1FFA0];
	s30 =	smov.u32 s31;
	s31 =	smov.u32 s0;
	s0 =	sadd.s32 $0x20, s0;
	[tilespmem:$0x1FF70] =	vst v3;
	v2 =	vsub.f32 v21, v59;
	v58 =	vadd.s32 v25, v23;
	v23 =	vsub.f32 v27, v29  }
0x142: {  	v10 =	vmul.f32 v10, v18;
	v13 =	vmul.f32 v13, v16;
	v3 =	vld [tilespmem:$0x1FF90];
	v11 =	vmov v56;
	[tilespmem:s0+$0xFFFFFC00] =	vst v5  }
0x143: {  	v19 =	vmul.f32 v19, v17;
	[tilespmem:$0x1FFA0] =	vst v11;
	v25 =	vmul.f32 v2, v0;
	v11 =	vsub.f32 $1.000000000e+00, v23;
	v22 =	vld.idx.msk [tilespmem:v48+s17+$0x0], $0xffff  }
0x144: {  	v9 =	vmul.f32 v9, v30;
	v21 =	vsub.f32 $1.000000000e+00, v2;
	v5 =	vsub.f32 $1.000000000e+00, v0;
	v26 =	vld.idx.msk [tilespmem:v43+s17+$0x0], $0xffff  }
0x145: {  	v12 =	vmov v50;
	v24 =	vadd.f32 v1, v24;
	v29 =	vld.idx.msk [tilespmem:v45+s17+$0x0], $0xffff;
	v1 =	vmul.f32 v25, v11  }
0x146: {  	[tilespmem:$0x1FF90] =	vst v12;
	v57 =	vadd.s32 $0x441, v58;
	v12 =	vld.idx.msk [tilespmem:v44+s17+$0x0], $0xffff;
	v27 =	vmul.f32 v21, v5;
	v21 =	vmul.f32 v21, v0  }
0x147: {  	v59 =	vmov v14;
	v14 =	vld.idx.msk [tilespmem:v42+s17+$0x0], $0xffff;
	v40 =	vmul.f32 v2, v5;
	v0 =	vmul.f32 v25, v23  }
0x148: {  	v47 =	vmul.f32 v21, v23;
	v49 =	vmul.f32 v21, v11;
	v21 =	vld.idx.msk [tilespmem:v41+s17+$0x0], $0xffff  }
0x149: {  	v2 =	vmul.f32 v27, v23;
	v63 =	vmul.f32 v40, v23;
	v23 =	vld.idx.msk [tilespmem:v46+s17+$0x0], $0xffff  }
0x14a: {  	v55 =	vadd.s32 $0x1, v58;
	v5 =	vmul.f32 v27, v11;
	v51 =	vmul.f32 v40, v11;
	v11 =	vld.idx.msk [tilespmem:v37+s17+$0x0], $0xffff  }
0x14b: {  	v28 =	vmovc v53;
	v53 =	vadd.s32 $0x442, v58;
	v25 =	vld.idx.msk [tilespmem:v57+s4+$0x0], $0xffff;
	v29 =	vmul.f32 v29, v38;
	v12 =	vmul.f32 v12, v39  }
0x14c: {  	v8 =	vadd.f32 v9, v8;
	v54 =	vadd.s32 $0x21, v58;
	v50 =	vadd.s32 $0x22, v58  }
0x14d: {  	v22 =	vmul.f32 v22, v32;
	v26 =	vmul.f32 v26, v33;
	v12 =	vadd.f32 v12, v29;
	v29 =	vld [tilespmem:$0x1FDF0]  }
0x14e: {  	v60 =	vmovc v17;
	v52 =	vadd.s32 $0x462, v58;
	v14 =	vmul.f32 v14, v34;
	v17 =	vmul.f32 v21, v31  }
0x14f: {  	[tilespmem:$0x1FF80] =	vst v28;
	v28 =	vmov v16;
	v16 =	vld.idx.msk [tilespmem:v55+s4+$0x0], $0xffff;
	v23 =	vmul.f32 v23, v36;
	v11 =	vmul.f32 v11, v35  }
0x150: {  	v9 =	vadd.f32 v13, v10;
	v13 =	vld.idx.msk [tilespmem:v53+s4+$0x0], $0xffff;
	v10 =	vmul.f32 v2, v25;
	v25 =	vadd.f32 v26, v22  }
0x151: {  	v61 =	vmov v18;
	v18 =	vld.idx.msk [tilespmem:v50+s4+$0x0], $0xffff;
	v14 =	vadd.f32 v17, v14;
	v11 =	vadd.f32 v11, v23  }
0x152: {  	v27 =	vld.idx.msk [tilespmem:v54+s4+$0x0], $0xffff;
	v7 =	vmul.f32 v7, v29  }
0x153: {  	v40 =	vmov v15;
	v15 =	vld.idx.msk [tilespmem:v52+s4+$0x0], $0xffff;
	v12 =	vadd.f32 v12, v25;
	v11 =	vadd.f32 v11, v14  }
0x154: {  	v19 =	vadd.f32 v7, v19;
	v7 =	vld [tilespmem:$0x1FFB0]  }
0x155: {  	s1 =	sadd.s32 $0x2, s1;
	v23 =	vadd.f32 v11, v12;
	v11 =	vld [tilespmem:$0x1FE00]  }
0x156: {  	p1 =	slt.u32 s1, $0x3E;
	v56 =	vadd.s32 $0x463, v58  }
.Ltmp0:
0x157: {  	v27 =	vmul.f32 v49, v27;
	(pc) =	sbr.rel @p1 .LBB2_3-.Ltmp0, $4  }
0x158: {  	v6 =	vld.idx.msk [tilespmem:v6+s18+$0x0], $0xffff;
	v8 =	vadd.f32 v8, v24;
	v24 =	vmul.f32 v51, v16  }
0x159: {  	v3 =	vld.idx.msk [tilespmem:v3+s18+$0x0], $0xffff;
	v26 =	vmul.f32 v63, v13;
	v15 =	vmul.f32 v47, v15  }
0x15a: {  	v22 =	vld.idx.msk [tilespmem:v58+s4+$0x0], $0xffff;
	v25 =	vmul.f32 v1, v18;
	v7 =	vmul.f32 v11, v7;
	v11 =	vmov v62  }
0x15b: {  	s9 =	sadd.s32 $0x20, s9;
	v21 =	vld.idx.msk [tilespmem:v56+s4+$0x0], $0xffff;
	v13 =	vadd.f32 v15, v27;
	v27 =	vmovc v30;
	v30 =	vmov v36;
	v36 =	vmov v20;
	[tilespmem:$0x1FFB0] =	vst v11  }
0x15c: {  	_ =	sdelay $0x3  }
0x15d: {  	v12 =	vmul.f32 v5, v22;
	v11 =	vmul.f32 v21, v0  }
0x15e: {  	v14 =	vadd.f32 v26, v24;
	v22 =	vld [tilespmem:$0x1FEB0]  }
0x15f: {  	v10 =	vadd.f32 v10, v12;
	v11 =	vadd.f32 v11, v25;
	_ =	sdelay $0x1  }
0x160: {  	v10 =	vadd.f32 v13, v10;
	v11 =	vadd.f32 v11, v14;
	_ =	sdelay $0x1  }
0x161: {  	v10 =	vadd.f32 v11, v10;
	v11 =	vadd.f32 v23, v22;
	v23 =	vld [tilespmem:$0x1FF30];
	_ =	sdelay $0x1  }
0x162: {  	[tilespmem:s0+$0x0] =	vst v11  }
0x163: {  	v9 =	vadd.f32 v19, v9;
	v19 =	vld.idx.msk [tilespmem:v43+s18+$0x0], $0xffff  }
0x164: {  	v20 =	vld.idx.msk [tilespmem:v45+s18+$0x0], $0xffff  }
0x165: {  	v8 =	vadd.f32 v9, v8;
	v9 =	vld.idx.msk [tilespmem:v44+s18+$0x0], $0xffff;
	v10 =	vadd.f32 v10, v23  }
0x166: {  	v21 =	vld.idx.msk [tilespmem:v42+s18+$0x0], $0xffff  }
0x167: {  	[tilespmem:s0+$0xFFFFFBF0] =	vst v10;
	v10 =	vld.idx.msk [tilespmem:v48+s18+$0x0], $0xffff  }
0x168: {  	v26 =	vld.idx.msk [tilespmem:v54+s17+$0x0], $0xffff  }
0x169: {  	v48 =	vld.idx.msk [tilespmem:v52+s17+$0x0], $0xffff  }
0x16a: {  	v15 =	vld.idx.msk [tilespmem:v55+s17+$0x0], $0xffff  }
0x16b: {  	v16 =	vld.idx.msk [tilespmem:v53+s17+$0x0], $0xffff  }
0x16c: {  	v62 =	vld [tilespmem:$0x1FE20]  }
0x16d: {  	v24 =	vld.idx.msk [tilespmem:v58+s17+$0x0], $0xffff  }
0x16e: {  	v25 =	vld.idx.msk [tilespmem:v57+s17+$0x0], $0xffff  }
0x16f: {  	v22 =	vld.idx.msk [tilespmem:v41+s18+$0x0], $0xffff  }
0x170: {  	v17 =	vld.idx.msk [tilespmem:v50+s17+$0x0], $0xffff;
	v13 =	vmul.f32 v26, v49;
	v14 =	vmul.f32 v48, v47  }
0x171: {  	v18 =	vld.idx.msk [tilespmem:v56+s17+$0x0], $0xffff;
	v15 =	vmul.f32 v15, v51;
	v16 =	vmul.f32 v16, v63;
	v8 =	vadd.f32 v8, v62  }
0x172: {  	v11 =	vmul.f32 v24, v5;
	v24 =	vadd.f32 v14, v13;
	v13 =	vld.idx.msk [tilespmem:v46+s18+$0x0], $0xffff  }
0x173: {  	v12 =	vmul.f32 v25, v2;
	[tilespmem:s31+$0xFFFFFFF0] =	vst v8;
	v25 =	vadd.f32 v16, v15;
	v15 =	vld.idx.msk [tilespmem:v37+s18+$0x0], $0xffff  }
0x174: {  	v41 =	vld [tilespmem:$0x1FF20]  }
0x175: {  	v42 =	vld [tilespmem:$0x1FF40]  }
0x176: {  	v43 =	vld [tilespmem:$0x1FE40]  }
0x177: {  	v44 =	vld [tilespmem:$0x1FEE0]  }
0x178: {  	v45 =	vld [tilespmem:$0x1FE50]  }
0x179: {  	v17 =	vmul.f32 v17, v1;
	v18 =	vmul.f32 v18, v0;
	v46 =	vld [tilespmem:$0x1FF00]  }
0x17a: {  	v48 =	vld [tilespmem:$0x1FF50]  }
0x17b: {  	v26 =	vadd.f32 v18, v17;
	v62 =	vld [tilespmem:$0x1FE60]  }
0x17c: {  	v37 =	vld [tilespmem:$0x1FF10]  }
0x17d: {  	v8 =	vadd.f32 v26, v25;
	v26 =	vld [tilespmem:$0x1FF90]  }
0x17e: {  	v14 =	vmul.f32 v44, v43;
	v43 =	vld [tilespmem:$0x1FE80]  }
0x17f: {  	v44 =	vld [tilespmem:$0x1FE90]  }
0x180: {  	v17 =	vmul.f32 v46, v45;
	v45 =	vld [tilespmem:$0x1FF70]  }
0x181: {  	v23 =	vmul.f32 v37, v62;
	v62 =	vld [tilespmem:$0x1FF80]  }
0x182: {  	v11 =	vadd.f32 v12, v11;
	v12 =	vld.idx.msk [tilespmem:v42+s18+$0x0], $0xffff  }
0x183: {  	v18 =	vld.idx.msk [tilespmem:v48+s18+$0x0], $0xffff  }
0x184: {  	v42 =	vld [tilespmem:$0x1FF60]  }
0x185: {  	v48 =	vld [tilespmem:$0x1FEF0]  }
0x186: {  	v11 =	vadd.f32 v24, v11;
	v46 =	vld [tilespmem:$0x1FEA0]  }
0x187: {  	v16 =	vld.idx.msk [tilespmem:v41+s18+$0x0], $0xffff  }
0x188: {  	v8 =	vadd.f32 v8, v11;
	v41 =	vld [tilespmem:$0x1FE70]  }
0x189: {  	v17 =	vadd.f32 v23, v17;
	v23 =	vld.idx.msk [tilespmem:v26+s18+$0x0], $0xffff  }
0x18a: {  	v25 =	vld.idx.msk [tilespmem:v45+s18+$0x0], $0xffff;
	v8 =	vadd.f32 v8, v48  }
0x18b: {  	v7 =	vadd.f32 v14, v7;
	v14 =	vld.idx.msk [tilespmem:v62+s18+$0x0], $0xffff  }
0x18c: {  	[tilespmem:s0+$0xFFFFFFF0] =	vst v8;
	v11 =	vld.idx.msk [tilespmem:v42+s18+$0x0], $0xffff  }
0x18d: {  	v19 =	vmul.f32 v19, v33;
	v20 =	vmul.f32 v20, v38;
	v8 =	vld [tilespmem:$0x1FFA0]  }
0x18e: {  	v9 =	vmul.f32 v9, v39;
	v22 =	vmul.f32 v22, v31;
	v31 =	vld.idx.msk [tilespmem:v58+s18+$0x0], $0xffff  }
0x18f: {  	v21 =	vmul.f32 v21, v34;
	v10 =	vmul.f32 v10, v32;
	v34 =	vld.idx.msk [tilespmem:v57+s18+$0x0], $0xffff  }
0x190: {  	v33 =	vmul.f32 v15, v35;
	v35 =	vld.idx.msk [tilespmem:v54+s18+$0x0], $0xffff  }
0x191: {  	v9 =	vadd.f32 v9, v20;
	v10 =	vadd.f32 v19, v10;
	v37 =	vld.idx.msk [tilespmem:v52+s18+$0x0], $0xffff  }
0x192: {  	v3 =	vmul.f32 v3, v44;
	v6 =	vmul.f32 v6, v46;
	v38 =	vld.idx.msk [tilespmem:v55+s18+$0x0], $0xffff  }
0x193: {  	v9 =	vadd.f32 v9, v10;
	v32 =	vmul.f32 v13, v30;
	v7 =	vadd.f32 v17, v7;
	v39 =	vld [tilespmem:$0x1FFB0]  }
0x194: {  	v4 =	vmul.f32 v4, v43;
	v3 =	vadd.f32 v6, v3;
	v24 =	vmul.f32 v36, v41;
	v41 =	vld.idx.msk [tilespmem:v53+s18+$0x0], $0xffff  }
0x195: {  	v6 =	vadd.f32 v33, v32;
	v36 =	vadd.f32 v22, v21;
	v43 =	vld.idx.msk [tilespmem:v50+s18+$0x0], $0xffff  }
0x196: {  	v12 =	vmul.f32 v12, v59;
	v46 =	vmul.f32 v23, v60;
	v4 =	vadd.f32 v4, v24;
	v45 =	vld.idx.msk [tilespmem:v56+s18+$0x0], $0xffff  }
0x197: {  	v6 =	vadd.f32 v6, v36;
	v42 =	vmul.f32 v18, v40;
	v60 =	vld [tilespmem:$0x1FEC0];
	v44 =	vmul.f32 v25, v61  }
0x198: {  	v3 =	vadd.f32 v3, v4;
	v14 =	vmul.f32 v14, v28;
	v61 =	vld [tilespmem:$0x1FE10];
	v16 =	vmul.f32 v16, v39  }
0x199: {  	v6 =	vadd.f32 v6, v9;
	v11 =	vmul.f32 v11, v27;
	v48 =	vmul.f32 v31, v5;
	v8 =	vld.idx.msk [tilespmem:v8+s18+$0x0], $0xffff  }
0x19a: {  	v3 =	vadd.f32 v3, v7;
	v50 =	vmul.f32 v34, v2;
	v52 =	vmul.f32 v35, v49  }
0x19b: {  	v9 =	vadd.f32 v14, v44;
	v13 =	vmul.f32 v37, v47;
	v10 =	vmul.f32 v38, v51  }
0x19c: {  	v53 =	vmul.f32 v41, v63;
	v54 =	vmul.f32 v43, v1;
	v5 =	vadd.f32 v6, v60  }
0x19d: {  	v55 =	vmul.f32 v45, v0;
	v12 =	vadd.f32 v12, v16;
	v3 =	vadd.f32 v3, v61  }
0x19e: {  	v2 =	vadd.f32 v50, v48;
	v56 =	vadd.f32 v13, v52;
	[tilespmem:s0+$0x400] =	vst v5;
	v8 =	vmul.f32 v8, v29  }
0x19f: {  	v57 =	vadd.f32 v53, v10;
	v0 =	vadd.f32 v55, v54;
	v62 =	vld [tilespmem:$0x1FE30];
	[tilespmem:s30+$0x3F0] =	vst v3  }
0x1a0: {  	v4 =	vadd.f32 v11, v42;
	v63 =	vld [tilespmem:$0x1FED0];
	v7 =	vadd.f32 v8, v46  }
0x1a1: {  	v2 =	vadd.f32 v56, v2;
	v0 =	vadd.f32 v0, v57  }
0x1a2: {  	v58 =	vadd.f32 v4, v12;
	v59 =	vadd.f32 v7, v9  }
0x1a3: {  	v0 =	vadd.f32 v0, v2  }
0x1a4: {  	p1 =	sne.s32 s25, $0xF;
	v1 =	vadd.f32 v59, v58  }
.Ltmp1:
0x1a5: {  	v0 =	vadd.f32 v0, v63;
	(pc) =	sbr.rel @p1 .LBB2_6-.Ltmp1, $4  }
0x1a6: {  	v1 =	vadd.f32 v1, v62  }
0x1a7: {  	[tilespmem:s0+$0x3F0] =	vst v0  }
0x1a8: {  	[tilespmem:s31+$0x3F0] =	vst v1;
	s31 =	sadd.s32 s3, s29  }
0x1a9: {  	[hbm4b:s31+s11] =	stream.strided.scatter [tilespmem:s19], [sflag:$0x4], $0xC00, s12, s11, $0x38;
	[tilespmem:$0x1D580] =	vst v63  }
.Ltmp2:
0x1aa: {  	(pc) =	sbr.rel .LBB2_7-.Ltmp2, $4  }
0x1ab: {  	_ = 	snop  }
0x1ac: {  	_ =	swait.ge [sflag:s20], $0xC00  }
0x1ad: {  	[sflag:s20] =	ssyncset.done $0x0  }
0x1ae: {  	[sflag:s20] =	ssyncadd.s32 $0xFFFFF400  }
.LBB2_6:
0x1af: {  	s0 =	sadd.s32 $0x800, s28  }
0x1b0: {  	s1 =	sand.u32 $0xF000, s0  }
0x1b1: {  	s0 =	sand.u32 $0x800, s0;
	s1 =	sadd.s32 s1, s5  }
0x1b2: {  	s0 =	sor.u32 s0, s1  }
0x1b3: {  	s0 =	sshrl.u32 s0, $0x3  }
.Ltmp3:
0x1b4: {  	s0 =	sadd.s32 s2, s0;
	(pc) =	sbr.rel @p0 .LBB2_8-.Ltmp3, $4  }
0x1b5: {  	[tilespmem:s13], [sflag:$0x2] =	stream.strided.gather [hbm4b:s0+s11], $0xC00, s12, s11, $0x38;
	[tilespmem:$0x1D580] =	vst v63  }
0x1b6: {  	_ =	swait.ge [sflag:s20], $0xC00  }
0x1b7: {  	[sflag:s20] =	ssyncset.done $0x0  }
0x1b8: {  	[sflag:s20] =	ssyncadd.s32 $0xFFFFF400  }
.LBB2_7:
0x1b9: {  	_ =	swait.ge [sflag:s21], $0xC00  }
0x1ba: {  	[sflag:s21] =	ssyncset.done $0x0  }
0x1bb: {  	[sflag:s21] =	ssyncadd.s32 $0xFFFFF400  }
.LBB2_8:
0x1bc: {  	s0 =	simm.s32 $0x1B590  }
0x1bd: {  	v2 =	vld [tilespmem:s0+$0xFFFFFC00]  }
0x1be: {  	v9 =	vld [tilespmem:s0+$0x0];
	_ =	sdelay $0x1  }
0x1bf: {  	v0 =	vld [tilespmem:s0+$0x400];
	_ =	sdelay $0x2  }
0x1c0: {  	v1 =	vmul.f32 $3.200000000e+01, v2;
	v3 =	vmul.f32 $3.200000000e+01, v9;
	_ =	sdelay $0x1  }
0x1c1: {  	v4 =	vmul.f32 $3.200000000e+01, v0;
	v1 =	vmin.f32 v1, $3.199999620e+01;
	v3 =	vmin.f32 v3, $3.199999620e+01  }
0x1c2: {  	v5 =	vtrunc.f32 v1;
	v6 =	vtrunc.f32 v3  }
0x1c3: {  	v5 =	vcvt.f32.s32 v5;
	v6 =	vcvt.f32.s32 v6  }
0x1c4: {  	v4 =	vmin.f32 v4, $3.199999620e+01  }
0x1c5: {  	v7 =	vtrunc.f32 v4;
	v8 =	vmul.u32 $0x441, v5;
	v10 =	vmul.u32 $0x21, v6  }
0x1c6: {  	v7 =	vcvt.f32.s32 v7  }
0x1c7: {  	v8 =	vadd.s32 v8, v10  }
0x1c8: {  	v14 =	vadd.s32 v7, v8  }
0x1c9: {  	v13 =	vadd.s32 $0x441, v14  }
0x1ca: {  	v5 =	vcvt.s32.f32 v5;
	v6 =	vcvt.s32.f32 v6;
	v10 =	vadd.s32 $0x21, v14  }
0x1cb: {  	v8 =	vcvt.s32.f32 v7;
	v11 =	vadd.s32 $0x462, v14  }
0x1cc: {  	v1 =	vsub.f32 v1, v5;
	v12 =	vsub.f32 v3, v6;
	v7 =	vadd.s32 $0x1, v14  }
0x1cd: {  	v6 =	vadd.s32 $0x22, v14;
	v15 =	vsub.f32 v4, v8;
	v20 =	vld.idx.msk [tilespmem:v14+s4+$0x0], $0xffff  }
0x1ce: {  	v21 =	vsub.f32 $1.000000000e+00, v1;
	v5 =	vadd.s32 $0x463, v14;
	v16 =	vsub.f32 $1.000000000e+00, v12;
	v22 =	vld.idx.msk [tilespmem:v13+s4+$0x0], $0xffff  }
0x1cf: {  	v8 =	vadd.s32 $0x442, v14;
	v3 =	vmul.f32 v15, v12;
	v17 =	vsub.f32 $1.000000000e+00, v15;
	v23 =	vld.idx.msk [tilespmem:v10+s4+$0x0], $0xffff  }
0x1d0: {  	v27 =	vmul.f32 v15, v16;
	v24 =	vld.idx.msk [tilespmem:v11+s4+$0x0], $0xffff  }
0x1d1: {  	v4 =	vmul.f32 v3, v21;
	v25 =	vld.idx.msk [tilespmem:v7+s4+$0x0], $0xffff;
	v19 =	vmul.f32 v17, v16  }
0x1d2: {  	v3 =	vmul.f32 v3, v1;
	v12 =	vmul.f32 v17, v12;
	v28 =	vld.idx.msk [tilespmem:v6+s4+$0x0], $0xffff  }
0x1d3: {  	v29 =	vld.idx.msk [tilespmem:v5+s4+$0x0], $0xffff;
	v15 =	vmul.f32 v27, v21;
	v18 =	vmul.f32 v19, v21  }
0x1d4: {  	v26 =	vld.idx.msk [tilespmem:v8+s4+$0x0], $0xffff;
	v16 =	vmul.f32 v19, v1;
	v19 =	vmul.f32 v12, v21  }
0x1d5: {  	v30 =	vld [tilespmem:s0+$0xFFFFFFF0];
	v17 =	vmul.f32 v12, v1;
	v12 =	vmul.f32 v27, v1  }
0x1d6: {  	v20 =	vmul.f32 v18, v20;
	v21 =	vmul.f32 v16, v22  }
0x1d7: {  	v1 =	vld [tilespmem:s0+$0xFFFFFBF0];
	v22 =	vmul.f32 v19, v23;
	v23 =	vmul.f32 v17, v24  }
0x1d8: {  	v31 =	vld [tilespmem:s0+$0x3F0];
	v24 =	vmul.f32 v15, v25;
	v27 =	vmul.f32 v29, v3  }
0x1d9: {  	v25 =	vmul.f32 v12, v26;
	v26 =	vmul.f32 v4, v28  }
0x1da: {  	v28 =	vmul.f32 $3.200000000e+01, v30;
	v20 =	vadd.f32 v21, v20;
	v21 =	vadd.f32 v23, v22  }
0x1db: {  	v22 =	vadd.f32 v25, v24;
	v23 =	vadd.f32 v27, v26  }
0x1dc: {  	v24 =	vmin.f32 v28, $3.199999620e+01;
	v25 =	vmul.f32 $3.200000000e+01, v1  }
0x1dd: {  	v26 =	vmul.f32 $3.200000000e+01, v31;
	v20 =	vadd.f32 v21, v20;
	v21 =	vadd.f32 v23, v22  }
0x1de: {  	v22 =	vtrunc.f32 v24  }
0x1df: {  	v23 =	vmin.f32 v25, $3.199999620e+01;
	v25 =	vmin.f32 v26, $3.199999620e+01;
	v20 =	vadd.f32 v21, v20  }
0x1e0: {  	v26 =	vtrunc.f32 v25;
	v21 =	vtrunc.f32 v23  }
0x1e1: {  	v22 =	vcvt.f32.s32 v22;
	v21 =	vcvt.f32.s32 v21;
	v2 =	vadd.f32 v20, v2  }
0x1e2: {  	s28 =	simm.s32 $0x1CD90;
	[tilespmem:$0x1FBE0] =	vst v31;
	v20 =	vcvt.f32.s32 v26  }
0x1e3: {  	v27 =	vmul.u32 $0x21, v22;
	v26 =	vmul.u32 $0x441, v21;
	[tilespmem:s28+$0xFFFFFC00] =	vst v2  }
0x1e4: {  	v2 =	vcvt.s32.f32 v22;
	v22 =	vcvt.s32.f32 v20;
	v28 =	vld.idx.msk [tilespmem:v14+s17+$0x0], $0xffff  }
0x1e5: {  	v26 =	vadd.s32 v26, v27;
	v27 =	vld.idx.msk [tilespmem:v13+s17+$0x0], $0xffff  }
0x1e6: {  	v29 =	vld.idx.msk [tilespmem:v7+s17+$0x0], $0xffff;
	v2 =	vsub.f32 v24, v2;
	v22 =	vsub.f32 v25, v22;
	v40 =	vadd.s32 v20, v26  }
0x1e7: {  	v21 =	vcvt.s32.f32 v21;
	v31 =	vld.idx.msk [tilespmem:v8+s17+$0x0], $0xffff;
	v54 =	vadd.s32 $0x441, v40  }
0x1e8: {  	v33 =	vld.idx.msk [tilespmem:v6+s17+$0x0], $0xffff;
	v53 =	vadd.s32 $0x21, v40;
	v25 =	vsub.f32 $1.000000000e+00, v2;
	v26 =	vsub.f32 $1.000000000e+00, v22  }
0x1e9: {  	v21 =	vsub.f32 v23, v21;
	v20 =	vld.idx.msk [tilespmem:v10+s17+$0x0], $0xffff;
	v52 =	vadd.s32 $0x462, v40  }
0x1ea: {  	v24 =	vld.idx.msk [tilespmem:v11+s17+$0x0], $0xffff;
	v50 =	vadd.s32 $0x1, v40;
	v23 =	vmul.f32 v22, v2;
	v32 =	vmul.f32 v26, v25  }
0x1eb: {  	v49 =	vadd.s32 $0x442, v40;
	v2 =	vmul.f32 v26, v2;
	v22 =	vmul.f32 v22, v25;
	v25 =	vld.idx.msk [tilespmem:v5+s17+$0x0], $0xffff  }
0x1ec: {  	v51 =	vadd.s32 $0x22, v40;
	v46 =	vmul.f32 v23, v21;
	v28 =	vmul.f32 v28, v18;
	v26 =	vld.idx.msk [tilespmem:v54+s4+$0x0], $0xffff  }
0x1ed: {  	v27 =	vmul.f32 v27, v16;
	v29 =	vmul.f32 v29, v15;
	v34 =	vld.idx.msk [tilespmem:v53+s4+$0x0], $0xffff  }
0x1ee: {  	v31 =	vmul.f32 v31, v12;
	v33 =	vmul.f32 v33, v4;
	v35 =	vld.idx.msk [tilespmem:v52+s4+$0x0], $0xffff  }
0x1ef: {  	v56 =	vadd.s32 $0x463, v40;
	v20 =	vmul.f32 v20, v19;
	v24 =	vmul.f32 v24, v17;
	v36 =	vld.idx.msk [tilespmem:v50+s4+$0x0], $0xffff  }
0x1f0: {  	v37 =	vsub.f32 $1.000000000e+00, v21;
	v38 =	vld.idx.msk [tilespmem:v49+s4+$0x0], $0xffff;
	[tilespmem:$0x1FD90] =	vst v49;
	v43 =	vmul.f32 v2, v21;
	v25 =	vmul.f32 v25, v3  }
0x1f1: {  	s30 =	simm.s32 $0x1B5B0;
	v27 =	vadd.f32 v27, v28;
	v28 =	vadd.f32 v31, v29;
	v39 =	vld.idx.msk [tilespmem:v51+s4+$0x0], $0xffff;
	[tilespmem:$0x1FDA0] =	vst v51  }
0x1f2: {  	v47 =	vmul.f32 v2, v37;
	v24 =	vadd.f32 v24, v20;
	v2 =	vld [tilespmem:s30+$0x0];
	v25 =	vadd.f32 v25, v33  }
0x1f3: {  	v42 =	vmul.f32 v32, v21;
	v44 =	vmul.f32 v22, v37;
	v20 =	vld [tilespmem:s30+$0xFFFFFC00]  }
0x1f4: {  	v45 =	vmul.f32 v22, v21;
	v21 =	vld.idx.msk [tilespmem:v56+s4+$0x0], $0xffff;
	v22 =	vadd.f32 v24, v27;
	v24 =	vadd.f32 v25, v28  }
0x1f5: {  	v48 =	vmul.f32 v23, v37;
	v57 =	vmul.f32 v32, v37;
	[tilespmem:$0x1FDC0] =	vst v56  }
0x1f6: {  	v55 =	vld [tilespmem:s30+$0x400];
	v23 =	vmul.f32 v42, v26;
	v26 =	vmul.f32 v43, v35;
	v22 =	vadd.f32 v24, v22  }
0x1f7: {  	v27 =	vmul.f32 v45, v38;
	v29 =	vmul.f32 $3.200000000e+01, v2  }
0x1f8: {  	v31 =	vmul.f32 v48, v39;
	v28 =	vld.idx.msk [tilespmem:v40+s4+$0x0], $0xffff;
	v9 =	vadd.f32 v22, v9;
	v22 =	vmul.f32 $3.200000000e+01, v20  }
0x1f9: {  	v25 =	vmul.f32 v47, v34;
	v21 =	vmul.f32 v21, v46;
	v41 =	vmin.f32 v29, $3.199999620e+01  }
0x1fa: {  	v39 =	vld [tilespmem:s30+$0xFFFFFFF0];
	v24 =	vmul.f32 v44, v36;
	v58 =	vtrunc.f32 v41;
	[tilespmem:s28+$0x0] =	vst v9;
	v22 =	vmin.f32 v22, $3.199999620e+01  }
0x1fb: {  	v9 =	vmul.f32 $3.200000000e+01, v55;
	v14 =	vld.idx.msk [tilespmem:v14+s18+$0x0], $0xffff;
	v29 =	vtrunc.f32 v22  }
0x1fc: {  	v25 =	vadd.f32 v26, v25;
	v13 =	vld.idx.msk [tilespmem:v13+s18+$0x0], $0xffff;
	[tilespmem:$0x1FDB0] =	vst v57;
	v26 =	vcvt.f32.s32 v29;
	v29 =	vcvt.f32.s32 v58  }
0x1fd: {  	v24 =	vadd.f32 v27, v24;
	v27 =	vmul.f32 v57, v28;
	v10 =	vld.idx.msk [tilespmem:v10+s18+$0x0], $0xffff;
	v9 =	vmin.f32 v9, $3.199999620e+01  }
0x1fe: {  	v11 =	vld.idx.msk [tilespmem:v11+s18+$0x0], $0xffff;
	v28 =	vtrunc.f32 v9;
	v59 =	vmul.u32 $0x441, v26;
	v60 =	vmul.u32 $0x21, v29  }
0x1ff: {  	v23 =	vadd.f32 v23, v27;
	v7 =	vld.idx.msk [tilespmem:v7+s18+$0x0], $0xffff;
	[tilespmem:$0x1FBF0] =	vst v39;
	v27 =	vcvt.f32.s32 v28  }
0x200: {  	v21 =	vadd.f32 v21, v31;
	v31 =	vld.idx.msk [tilespmem:v8+s18+$0x0], $0xffff;
	v61 =	vcvt.s32.f32 v29;
	v8 =	vadd.s32 v59, v60  }
0x201: {  	v6 =	vld.idx.msk [tilespmem:v6+s18+$0x0], $0xffff;
	v26 =	vcvt.s32.f32 v26;
	v14 =	vmul.f32 v14, v18;
	v32 =	vadd.s32 v27, v8  }
0x202: {  	v16 =	vmul.f32 v13, v16;
	v13 =	vsub.f32 v41, v61;
	v8 =	vadd.s32 $0x441, v32  }
0x203: {  	v18 =	vmul.f32 v10, v19;
	v11 =	vmul.f32 v11, v17;
	v29 =	vadd.s32 $0x21, v32  }
0x204: {  	v5 =	vld.idx.msk [tilespmem:v5+s18+$0x0], $0xffff;
	v10 =	vcvt.s32.f32 v27;
	v15 =	vmul.f32 v7, v15;
	v33 =	vadd.s32 $0x462, v32  }
0x205: {  	v17 =	vsub.f32 v22, v26;
	v7 =	vadd.s32 $0x1, v32;
	v12 =	vmul.f32 v31, v12  }
0x206: {  	v22 =	vmul.f32 v6, v4;
	v31 =	vadd.s32 $0x442, v32;
	v9 =	vsub.f32 v9, v10;
	v26 =	vld.idx.msk [tilespmem:v32+s4+$0x0], $0xffff  }
0x207: {  	v27 =	vadd.s32 $0x22, v32;
	v6 =	vadd.s32 $0x463, v32;
	v34 =	vsub.f32 $1.000000000e+00, v13;
	v62 =	vld.idx.msk [tilespmem:v8+s4+$0x0], $0xffff  }
0x208: {  	v10 =	vsub.f32 $1.000000000e+00, v17;
	v19 =	vmul.f32 v9, v13;
	v58 =	vsub.f32 $1.000000000e+00, v9;
	v63 =	vld.idx.msk [tilespmem:v29+s4+$0x0], $0xffff  }
0x209: {  	v21 =	vadd.f32 v21, v24;
	v24 =	vmul.f32 v5, v3;
	v41 =	vmul.f32 v9, v34;
	v59 =	vld.idx.msk [tilespmem:v33+s4+$0x0], $0xffff  }
0x20a: {  	v3 =	vadd.f32 v25, v23;
	v4 =	vmul.f32 v19, v10;
	v23 =	vld.idx.msk [tilespmem:v7+s4+$0x0], $0xffff;
	v25 =	vmul.f32 v58, v34  }
0x20b: {  	v14 =	vadd.f32 v16, v14;
	v5 =	vmul.f32 v19, v17;
	v60 =	vld.idx.msk [tilespmem:v31+s4+$0x0], $0xffff;
	v13 =	vmul.f32 v58, v13  }
0x20c: {  	v3 =	vadd.f32 v21, v3;
	v21 =	vld.idx.msk [tilespmem:v27+s4+$0x0], $0xffff;
	v9 =	vmul.f32 v41, v10;
	v35 =	vmul.f32 v25, v10  }
0x20d: {  	v11 =	vadd.f32 v11, v18;
	v34 =	vmul.f32 v25, v17;
	v25 =	vld.idx.msk [tilespmem:v6+s4+$0x0], $0xffff;
	v19 =	vmul.f32 v13, v10  }
0x20e: {  	v12 =	vadd.f32 v12, v15;
	v13 =	vmul.f32 v13, v17;
	v10 =	vmul.f32 v41, v17  }
0x20f: {  	v61 =	vld [tilespmem:s30+$0x3F0];
	v22 =	vadd.f32 v24, v22;
	v16 =	vmul.f32 v35, v26;
	v17 =	vmul.f32 v34, v62  }
0x210: {  	v1 =	vadd.f32 v3, v1;
	v3 =	vld [tilespmem:s30+$0xFFFFFBF0];
	v18 =	vmul.f32 v19, v63;
	v26 =	vmul.f32 v13, v59  }
0x211: {  	v15 =	vmul.f32 v9, v23;
	v23 =	vmul.f32 v10, v60  }
0x212: {  	v12 =	vadd.f32 v22, v12;
	v21 =	vmul.f32 v4, v21;
	v24 =	vmul.f32 v25, v5  }
0x213: {  	v16 =	vadd.f32 v17, v16;
	v17 =	vadd.f32 v26, v18  }
0x214: {  	v28 =	vmul.f32 $3.200000000e+01, v39;
	[tilespmem:s28+$0xFFFFFBF0] =	vst v1;
	v15 =	vadd.f32 v23, v15;
	v21 =	vadd.f32 v24, v21  }
0x215: {  	v1 =	vadd.f32 v11, v14;
	v14 =	vmul.f32 $3.200000000e+01, v61;
	[tilespmem:$0x1FC00] =	vst v61;
	v11 =	vmul.f32 $3.200000000e+01, v3  }
0x216: {  	v36 =	vld.idx.msk [tilespmem:v51+s17+$0x0], $0xffff;
	v16 =	vadd.f32 v17, v16;
	v15 =	vadd.f32 v21, v15  }
0x217: {  	v14 =	vmin.f32 v14, $3.199999620e+01;
	v11 =	vmin.f32 v11, $3.199999620e+01;
	v18 =	vmin.f32 v28, $3.199999620e+01;
	v26 =	vld.idx.msk [tilespmem:v50+s17+$0x0], $0xffff  }
0x218: {  	v22 =	vtrunc.f32 v11;
	v23 =	vtrunc.f32 v18;
	v24 =	vld.idx.msk [tilespmem:v40+s17+$0x0], $0xffff;
	v15 =	vadd.f32 v15, v16  }
0x219: {  	v1 =	vadd.f32 v12, v1;
	v25 =	vtrunc.f32 v14;
	v17 =	vld.idx.msk [tilespmem:v54+s17+$0x0], $0xffff;
	v23 =	vcvt.f32.s32 v23  }
0x21a: {  	v25 =	vcvt.f32.s32 v25;
	v12 =	vcvt.f32.s32 v22;
	v21 =	vld.idx.msk [tilespmem:v53+s17+$0x0], $0xffff;
	v15 =	vadd.f32 v15, v20  }
0x21b: {  	s29 =	simm.s32 $0x1CDB0;
	v51 =	vadd.f32 v1, v0;
	v22 =	vcvt.s32.f32 v23;
	v16 =	vld.idx.msk [tilespmem:v52+s17+$0x0], $0xffff  }
0x21c: {  	v28 =	vcvt.s32.f32 v25;
	v0 =	vmul.u32 $0x441, v12;
	v23 =	vmul.u32 $0x21, v23;
	v20 =	vld.idx.msk [tilespmem:v49+s17+$0x0], $0xffff;
	[tilespmem:s29+$0xFFFFFC00] =	vst v15  }
0x21d: {  	v15 =	vsub.f32 v18, v22;
	v18 =	vld.idx.msk [tilespmem:v32+s17+$0x0], $0xffff  }
0x21e: {  	v14 =	vsub.f32 v14, v28;
	v0 =	vadd.s32 v0, v23;
	v23 =	vld.idx.msk [tilespmem:v8+s17+$0x0], $0xffff  }
0x21f: {  	v49 =	vadd.s32 v25, v0;
	v25 =	vld.idx.msk [tilespmem:v29+s17+$0x0], $0xffff;
	[tilespmem:$0x1FC10] =	vst v42  }
0x220: {  	v22 =	vmul.f32 v24, v57;
	v24 =	vsub.f32 $1.000000000e+00, v14;
	v0 =	vsub.f32 $1.000000000e+00, v15;
	v37 =	vld.idx.msk [tilespmem:v33+s17+$0x0], $0xffff  }
0x221: {  	v12 =	vcvt.s32.f32 v12;
	v28 =	vmul.f32 v14, v15;
	v39 =	vld.idx.msk [tilespmem:v31+s17+$0x0], $0xffff  }
0x222: {  	v15 =	vmul.f32 v24, v15;
	v38 =	vmul.f32 v24, v0;
	v24 =	vld.idx.msk [tilespmem:v7+s17+$0x0], $0xffff;
	[tilespmem:$0x1FC20] =	vst v47  }
0x223: {  	v41 =	vsub.f32 v11, v12;
	v12 =	vmul.f32 v26, v44;
	v63 =	vadd.s32 $0x441, v49;
	[tilespmem:$0x1FC30] =	vst v43  }
0x224: {  	v17 =	vmul.f32 v17, v42;
	v60 =	vadd.s32 $0x21, v49;
	v59 =	vadd.s32 $0x462, v49;
	v11 =	vld.idx.msk [tilespmem:v27+s17+$0x0], $0xffff;
	[tilespmem:$0x1FC40] =	vst v44  }
0x225: {  	v21 =	vmul.f32 v21, v47;
	v57 =	vadd.s32 $0x1, v49;
	v16 =	vmul.f32 v16, v43;
	[tilespmem:$0x1FC50] =	vst v45  }
0x226: {  	v61 =	vadd.s32 $0x442, v49;
	v20 =	vmul.f32 v20, v45;
	v0 =	vmul.f32 v14, v0;
	v14 =	vld.idx.msk [tilespmem:v6+s17+$0x0], $0xffff  }
0x227: {  	v58 =	vadd.s32 $0x22, v49;
	v22 =	vadd.f32 v17, v22;
	v21 =	vadd.f32 v16, v21;
	v26 =	vld.idx.msk [tilespmem:v56+s17+$0x0], $0xffff  }
0x228: {  	v20 =	vadd.f32 v20, v12;
	v12 =	vmul.f32 v18, v35;
	v16 =	vmul.f32 v23, v34;
	v23 =	vld.idx.msk [tilespmem:v63+s4+$0x0], $0xffff  }
0x229: {  	v17 =	vmul.f32 v25, v19;
	v56 =	vadd.s32 $0x463, v49;
	v25 =	vld.idx.msk [tilespmem:v60+s4+$0x0], $0xffff;
	v18 =	vmul.f32 v37, v13  }
0x22a: {  	v43 =	vld.idx.msk [tilespmem:v57+s4+$0x0], $0xffff;
	v16 =	vadd.f32 v16, v12;
	v12 =	vmul.f32 v24, v9  }
0x22b: {  	v44 =	vld.idx.msk [tilespmem:v61+s4+$0x0], $0xffff;
	v24 =	vmul.f32 v39, v10;
	v17 =	vadd.f32 v18, v17;
	v18 =	vmul.f32 v38, v41  }
0x22c: {  	v42 =	vsub.f32 $1.000000000e+00, v41;
	v45 =	vld.idx.msk [tilespmem:v58+s4+$0x0], $0xffff;
	v62 =	vmul.f32 v11, v4;
	v14 =	vmul.f32 v14, v5  }
0x22d: {  	v37 =	vld.idx.msk [tilespmem:v59+s4+$0x0], $0xffff;
	v11 =	vmul.f32 v15, v41;
	v24 =	vadd.f32 v24, v12;
	v12 =	vmul.f32 v28, v41  }
0x22e: {  	s31 =	simm.s32 $0x1B5D0;
	v39 =	vadd.f32 v14, v62;
	v14 =	vmul.f32 v15, v42;
	v15 =	vmul.f32 v0, v41;
	v41 =	vld.idx.msk [tilespmem:v56+s4+$0x0], $0xffff  }
0x22f: {  	v47 =	vadd.f32 v17, v16;
	v17 =	vmul.f32 v0, v42;
	v0 =	vld [tilespmem:s31+$0xFFFFFC00]  }
0x230: {  	v62 =	vld [tilespmem:s31+$0x0];
	[tilespmem:$0x1FC60] =	vst v48;
	v24 =	vadd.f32 v39, v24  }
0x231: {  	v36 =	vmul.f32 v36, v48;
	v16 =	vmul.f32 v28, v42;
	[tilespmem:$0x1FC70] =	vst v46  }
0x232: {  	v26 =	vmul.f32 v26, v46;
	v28 =	vmul.f32 v38, v42;
	v1 =	vld [tilespmem:s31+$0x400];
	v24 =	vadd.f32 v24, v47  }
0x233: {  	v21 =	vadd.f32 v21, v22;
	v22 =	vmul.f32 v14, v25;
	v25 =	vmul.f32 v11, v37;
	v47 =	vld.idx.msk [tilespmem:v49+s4+$0x0], $0xffff  }
0x234: {  	v23 =	vmul.f32 v18, v23;
	v26 =	vadd.f32 v26, v36;
	v2 =	vadd.f32 v24, v2  }
0x235: {  	v48 =	vmul.f32 v15, v44;
	v22 =	vadd.f32 v25, v22;
	v25 =	vmul.f32 v17, v43  }
0x236: {  	v20 =	vadd.f32 v26, v20;
	v42 =	vmul.f32 v41, v12;
	v26 =	vmul.f32 $3.200000000e+01, v62;
	[tilespmem:s29+$0x0] =	vst v2  }
0x237: {  	v24 =	vadd.f32 v48, v25;
	v25 =	vmul.f32 v16, v45;
	v2 =	vmul.f32 $3.200000000e+01, v0;
	[tilespmem:$0x1FC80] =	vst v62  }
0x238: {  	v44 =	vmul.f32 $3.200000000e+01, v1;
	v43 =	vmul.f32 v28, v47;
	v32 =	vld.idx.msk [tilespmem:v32+s18+$0x0], $0xffff  }
0x239: {  	v26 =	vmin.f32 v26, $3.199999620e+01;
	v25 =	vadd.f32 v42, v25;
	v8 =	vld.idx.msk [tilespmem:v8+s18+$0x0], $0xffff;
	v2 =	vmin.f32 v2, $3.199999620e+01;
	[tilespmem:$0x1FC90] =	vst v1  }
0x23a: {  	v46 =	vtrunc.f32 v26;
	v23 =	vadd.f32 v23, v43;
	v29 =	vld.idx.msk [tilespmem:v29+s18+$0x0], $0xffff;
	v45 =	vtrunc.f32 v2  }
0x23b: {  	v20 =	vadd.f32 v20, v21;
	v48 =	vcvt.f32.s32 v46;
	v21 =	vld.idx.msk [tilespmem:v33+s18+$0x0], $0xffff;
	v47 =	vcvt.f32.s32 v45  }
0x23c: {  	v24 =	vadd.f32 v25, v24;
	v7 =	vld.idx.msk [tilespmem:v7+s18+$0x0], $0xffff;
	v22 =	vadd.f32 v22, v23;
	v23 =	vmin.f32 v44, $3.199999620e+01  }
0x23d: {  	v25 =	vld.idx.msk [tilespmem:v31+s18+$0x0], $0xffff;
	v38 =	vmul.u32 $0x21, v48;
	v31 =	vtrunc.f32 v23;
	v62 =	vmul.u32 $0x441, v47  }
0x23e: {  	v20 =	vadd.f32 v20, v30;
	v6 =	vld.idx.msk [tilespmem:v6+s18+$0x0], $0xffff;
	v31 =	vcvt.f32.s32 v31  }
0x23f: {  	v39 =	vcvt.s32.f32 v48;
	v19 =	vmul.f32 v29, v19;
	v29 =	vadd.s32 v62, v38  }
0x240: {  	v22 =	vadd.f32 v24, v22;
	v24 =	vmul.f32 v32, v35;
	v48 =	vadd.s32 v31, v29  }
0x241: {  	v38 =	vcvt.s32.f32 v47;
	v13 =	vmul.f32 v21, v13;
	v43 =	vadd.s32 $0x441, v48  }
0x242: {  	v27 =	vld.idx.msk [tilespmem:v27+s18+$0x0], $0xffff;
	v7 =	vmul.f32 v7, v9;
	v21 =	vcvt.s32.f32 v31;
	v45 =	vadd.s32 $0x21, v48  }
0x243: {  	v1 =	vld [tilespmem:s31+$0x3F0];
	v5 =	vmul.f32 v6, v5;
	v6 =	vsub.f32 v26, v39;
	v44 =	vadd.s32 $0x462, v48  }
0x244: {  	v9 =	vmul.f32 v25, v10;
	v42 =	vadd.s32 $0x1, v48;
	v29 =	vmovc v12;
	v12 =	vld [tilespmem:s31+$0xFFFFFFF0];
	v10 =	vsub.f32 v23, v21  }
0x245: {  	v8 =	vmul.f32 v8, v34;
	v2 =	vsub.f32 v2, v38;
	v26 =	vsub.f32 $1.000000000e+00, v6;
	v21 =	vld.idx.msk [tilespmem:v48+s4+$0x0], $0xffff  }
0x246: {  	v41 =	vadd.s32 $0x442, v48;
	v46 =	vadd.s32 $0x22, v48;
	v23 =	vsub.f32 $1.000000000e+00, v10;
	v25 =	vld.idx.msk [tilespmem:v43+s4+$0x0], $0xffff  }
0x247: {  	v62 =	vsub.f32 $1.000000000e+00, v2;
	v31 =	vmul.f32 v10, v6;
	v10 =	vmul.f32 v10, v26;
	v47 =	vld.idx.msk [tilespmem:v45+s4+$0x0], $0xffff  }
0x248: {  	v37 =	vadd.s32 $0x463, v48;
	v6 =	vmul.f32 v23, v6;
	v23 =	vmul.f32 v23, v26;
	v26 =	vld.idx.msk [tilespmem:v44+s4+$0x0], $0xffff  }
0x249: {  	v3 =	vadd.f32 v22, v3;
	v30 =	vmul.f32 v31, v62;
	v35 =	vmul.f32 v31, v2;
	v22 =	vld.idx.msk [tilespmem:v42+s4+$0x0], $0xffff  }
0x24a: {  	v34 =	vmul.f32 v10, v62;
	v31 =	vmul.f32 v10, v2;
	v10 =	vld [tilespmem:s31+$0xFFFFFBF0]  }
0x24b: {  	v32 =	vmul.f32 v23, v62;
	v33 =	vmul.f32 v23, v2;
	v23 =	vld.idx.msk [tilespmem:v41+s4+$0x0], $0xffff  }
0x24c: {  	v38 =	vmul.f32 v6, v62;
	v39 =	vmul.f32 v6, v2;
	v6 =	vld.idx.msk [tilespmem:v46+s4+$0x0], $0xffff  }
0x24d: {  	[tilespmem:s28+$0xFFFFFFF0] =	vst v20;
	v2 =	vld.idx.msk [tilespmem:v37+s4+$0x0], $0xffff  }
0x24e: {  	v62 =	vld.idx.msk [tilespmem:v40+s18+$0x0], $0xffff;
	[tilespmem:$0x1FCA0] =	vst v1  }
0x24f: {  	v20 =	vmul.f32 $3.200000000e+01, v1;
	v1 =	vld.idx.msk [tilespmem:v54+s18+$0x0], $0xffff;
	_ =	sdelay $0x3  }
0x250: {  	[tilespmem:$0x1FCC0] =	vst v12  }
0x251: {  	[tilespmem:$0x1FCB0] =	vst v1  }
0x252: {  	v1 =	vld.idx.msk [tilespmem:v53+s18+$0x0], $0xffff;
	_ =	sdelay $0x4  }
0x253: {  	v4 =	vmul.f32 v27, v4;
	v8 =	vadd.f32 v8, v24;
	[tilespmem:$0x1FCD0] =	vst v1  }
0x254: {  	v13 =	vadd.f32 v13, v19;
	v7 =	vadd.f32 v9, v7;
	v1 =	vld.idx.msk [tilespmem:v52+s18+$0x0], $0xffff  }
0x255: {  	v4 =	vadd.f32 v5, v4;
	v5 =	vmul.f32 v32, v21;
	v9 =	vmul.f32 v33, v25  }
0x256: {  	v8 =	vadd.f32 v13, v8;
	v13 =	vmul.f32 v38, v47;
	v19 =	vmul.f32 v39, v26  }
0x257: {  	v21 =	vmul.f32 $3.200000000e+01, v12;
	v5 =	vadd.f32 v9, v5  }
0x258: {  	v9 =	vmul.f32 v34, v22;
	v13 =	vadd.f32 v19, v13;
	v19 =	vmul.f32 v31, v23  }
0x259: {  	v6 =	vmul.f32 v30, v6;
	v2 =	vmul.f32 v2, v35;
	[tilespmem:$0x1FCE0] =	vst v1  }
0x25a: {  	v20 =	vmin.f32 v20, $3.199999620e+01;
	v4 =	vadd.f32 v4, v7;
	v9 =	vadd.f32 v19, v9;
	[tilespmem:s29+$0xFFFFFBF0] =	vst v3  }
0x25b: {  	v19 =	vmin.f32 v21, $3.199999620e+01;
	v21 =	vtrunc.f32 v20;
	v2 =	vadd.f32 v2, v6;
	v36 =	vld.idx.msk [tilespmem:v50+s18+$0x0], $0xffff;
	[tilespmem:$0x1FCF0] =	vst v49  }
0x25c: {  	v5 =	vadd.f32 v13, v5;
	v6 =	vtrunc.f32 v19;
	v3 =	vcvt.f32.s32 v21;
	v7 =	vld.idx.msk [tilespmem:v49+s17+$0x0], $0xffff;
	[tilespmem:$0x1FD00] =	vst v10  }
0x25d: {  	v6 =	vcvt.f32.s32 v6;
	v2 =	vadd.f32 v2, v9;
	v21 =	vmul.f32 $3.200000000e+01, v10;
	[tilespmem:$0x1FD10] =	vst v63  }
0x25e: {  	v4 =	vadd.f32 v4, v8;
	v13 =	vcvt.s32.f32 v3;
	v9 =	vld.idx.msk [tilespmem:v63+s17+$0x0], $0xffff;
	[tilespmem:$0x1FD20] =	vst v60  }
0x25f: {  	v22 =	vcvt.s32.f32 v6;
	v2 =	vadd.f32 v2, v5;
	v8 =	vmin.f32 v21, $3.199999620e+01;
	v21 =	vld.idx.msk [tilespmem:v60+s17+$0x0], $0xffff;
	[tilespmem:$0x1FD30] =	vst v59  }
0x260: {  	v5 =	vsub.f32 v20, v13;
	v20 =	vtrunc.f32 v8;
	v13 =	vld.idx.msk [tilespmem:v59+s17+$0x0], $0xffff;
	[tilespmem:$0x1FD40] =	vst v57  }
0x261: {  	v19 =	vsub.f32 v19, v22;
	v0 =	vadd.f32 v2, v0;
	v20 =	vcvt.f32.s32 v20;
	v22 =	vld.idx.msk [tilespmem:v57+s17+$0x0], $0xffff;
	[tilespmem:$0x1FD50] =	vst v61  }
0x262: {  	s0 =	simm.s32 $0x1CDD0;
	v2 =	vmul.u32 $0x21, v6;
	v23 =	vsub.f32 $1.000000000e+00, v5;
	v50 =	vld.idx.msk [tilespmem:v61+s17+$0x0], $0xffff;
	[tilespmem:$0x1FD60] =	vst v58  }
0x263: {  	v26 =	vsub.f32 $1.000000000e+00, v19;
	v25 =	vmul.f32 v5, v19;
	v24 =	vmul.u32 $0x441, v20;
	[tilespmem:s0+$0xFFFFFC00] =	vst v0  }
0x264: {  	v20 =	vcvt.s32.f32 v20;
	v12 =	vld.idx.msk [tilespmem:v58+s17+$0x0], $0xffff;
	v0 =	vmul.f32 v23, v19;
	[tilespmem:$0x1FD70] =	vst v56  }
0x265: {  	v23 =	vmul.f32 v23, v26;
	v2 =	vadd.s32 v24, v2;
	v24 =	vmul.f32 v5, v26;
	v19 =	vld.idx.msk [tilespmem:v56+s17+$0x0], $0xffff  }
0x266: {  	v27 =	vmov v11;
	v8 =	vsub.f32 v8, v20;
	v5 =	vmul.f32 v7, v28;
	v26 =	vld.idx.msk [tilespmem:v48+s17+$0x0], $0xffff;
	[tilespmem:$0x1FD80] =	vst v28  }
0x267: {  	v58 =	vadd.s32 v3, v2;
	v2 =	vmul.f32 v21, v14;
	v3 =	vmul.f32 v13, v27;
	v20 =	vld.idx.msk [tilespmem:v43+s17+$0x0], $0xffff  }
0x268: {  	v11 =	vadd.f32 v4, v55;
	v7 =	vmul.f32 v9, v18;
	v9 =	vmul.f32 v22, v17;
	v22 =	vld.idx.msk [tilespmem:v46+s17+$0x0], $0xffff  }
0x269: {  	v21 =	vsub.f32 $1.000000000e+00, v8;
	v47 =	vmul.f32 v0, v8;
	v4 =	vadd.f32 v3, v2;
	v3 =	vld.idx.msk [tilespmem:v37+s17+$0x0], $0xffff  }
0x26a: {  	v13 =	vld.idx.msk [tilespmem:v45+s17+$0x0], $0xffff;
	v63 =	vmul.f32 v24, v8;
	v2 =	vmul.f32 v23, v8  }
0x26b: {  	v7 =	vadd.f32 v7, v5;
	v6 =	vld.idx.msk [tilespmem:v42+s17+$0x0], $0xffff;
	v1 =	vmul.f32 v50, v15;
	v5 =	vmul.f32 v23, v21  }
0x26c: {  	v23 =	vld.idx.msk [tilespmem:v41+s17+$0x0], $0xffff;
	v49 =	vmul.f32 v0, v21;
	v0 =	vmul.f32 v25, v8  }
0x26d: {  	v9 =	vadd.f32 v1, v9;
	v1 =	vmul.f32 v26, v32;
	v20 =	vmul.f32 v20, v33  }
0x26e: {  	v54 =	vadd.s32 $0x21, v58;
	[tilespmem:s28+$0x400] =	vst v51;
	v22 =	vmul.f32 v22, v30;
	v3 =	vmul.f32 v3, v35  }
0x26f: {  	[tilespmem:s29+$0x400] =	vst v11;
	v51 =	vmul.f32 v24, v21;
	v8 =	vadd.f32 v4, v7;
	v4 =	vmul.f32 v13, v38  }
0x270: {  	v13 =	vadd.f32 v20, v1;
	v1 =	vmul.f32 v25, v21;
	v21 =	vadd.f32 v3, v22;
	v3 =	vld [tilespmem:$0x1FD90]  }
0x271: {  	v56 =	vld.idx.msk [tilespmem:v44+s17+$0x0], $0xffff;
	v52 =	vadd.s32 $0x462, v58;
	v6 =	vmul.f32 v6, v34;
	v20 =	vmul.f32 v23, v31  }
0x272: {  	v57 =	vadd.s32 $0x441, v58  }
0x273: {  	v6 =	vadd.f32 v20, v6  }
0x274: {  	v24 =	vld.idx.msk [tilespmem:v54+s4+$0x0], $0xffff  }
0x275: {  	v20 =	vadd.f32 v21, v6;
	v6 =	vld [tilespmem:$0x1FDB0]  }
0x276: {  	v53 =	vadd.s32 $0x442, v58;
	v26 =	vld.idx.msk [tilespmem:v52+s4+$0x0], $0xffff;
	v7 =	vmul.f32 v56, v39  }
0x277: {  	v55 =	vadd.s32 $0x1, v58;
	v10 =	vld.idx.msk [tilespmem:v57+s4+$0x0], $0xffff  }
0x278: {  	v50 =	vadd.s32 $0x22, v58;
	v7 =	vadd.f32 v7, v4;
	v4 =	vld.idx.msk [tilespmem:v3+s18+$0x0], $0xffff  }
0x279: {  	v3 =	vld [tilespmem:$0x1FDA0]  }
0x27a: {  	v56 =	vadd.s32 $0x463, v58;
	v25 =	vadd.f32 v7, v13;
	v7 =	vmul.f32 v62, v6;
	v6 =	vld [tilespmem:$0x1FDC0]  }
0x27b: {  	v40 =	vmov v14;
	v14 =	vld.idx.msk [tilespmem:v53+s4+$0x0], $0xffff  }
0x27c: {  	v23 =	vld.idx.msk [tilespmem:v55+s4+$0x0], $0xffff  }
0x27d: {  	v11 =	vld.idx.msk [tilespmem:v50+s4+$0x0], $0xffff  }
0x27e: {  	v22 =	vmul.f32 v49, v24;
	v24 =	vmul.f32 v47, v26  }
0x27f: {  	v19 =	vmul.f32 v19, v29;
	v26 =	vmul.f32 v12, v16;
	v21 =	vld.idx.msk [tilespmem:v56+s4+$0x0], $0xffff  }
0x280: {  	v60 =	vmovc v16;
	v59 =	vmovc v18;
	v61 =	vmov v17;
	v28 =	vmov v15;
	v13 =	vadd.f32 v24, v22;
	v22 =	vld.idx.msk [tilespmem:v58+s4+$0x0], $0xffff  }
0x281: {  	v10 =	vmul.f32 v2, v10;
	v19 =	vadd.f32 v19, v26;
	v24 =	vmul.f32 v51, v23;
	v3 =	vld.idx.msk [tilespmem:v3+s18+$0x0], $0xffff  }
0x282: {  	s1 =	simm.s32 $0x4;
	s9 =	simm.s32 $0x1B5F0;
	v26 =	vmul.f32 v63, v14;
	v23 =	vadd.f32 v20, v25;
	v25 =	vmul.f32 v1, v11;
	v6 =	vld.idx.msk [tilespmem:v6+s18+$0x0], $0xffff  }
.LBB2_9:
0x283: {  	_ =	sdelay $0x1  }
0x284: {  	v11 =	vmov v5  }
0x285: {  	v9 =	vadd.f32 v19, v9;
	[tilespmem:$0x1FBA0] =	vst v11;
	v19 =	vmul.f32 v11, v22;
	v11 =	vld [tilespmem:$0x1FC80];
	_ =	sdelay $0x3  }
0x286: {  	v12 =	vld [tilespmem:$0x1FCB0]  }
0x287: {  	v22 =	vadd.f32 v23, v11;
	v11 =	vld [tilespmem:$0x1FC10];
	_ =	sdelay $0x4  }
0x288: {  	v8 =	vadd.f32 v9, v8;
	v9 =	vld [tilespmem:$0x1FC20];
	v23 =	vmul.f32 v12, v11;
	v11 =	vmov v59  }
0x289: {  	[tilespmem:$0x1FC10] =	vst v11;
	v11 =	vld [tilespmem:$0x1FCD0];
	_ =	sdelay $0x3  }
0x28a: {  	v15 =	vld [tilespmem:$0x1FCE0]  }
0x28b: {  	v9 =	vmul.f32 v11, v9;
	v11 =	vld [tilespmem:$0x1FC30];
	_ =	sdelay $0x4  }
0x28c: {  	v10 =	vadd.f32 v10, v19;
	v19 =	vmul.f32 v15, v11;
	v11 =	vld [tilespmem:$0x1FC40];
	_ =	sdelay $0x1  }
0x28d: {  	v20 =	vld [tilespmem:s9+$0x400]  }
0x28e: {  	v5 =	vld [tilespmem:s9+$0xFFFFFC00]  }
0x28f: {  	v12 =	vld [tilespmem:s9+$0x0]  }
0x290: {  	[tilespmem:s0+$0x0] =	vst v22;
	v22 =	vmul.f32 v36, v11;
	v11 =	vld [tilespmem:$0x1FBF0];
	_ =	sdelay $0x4  }
0x291: {  	v8 =	vadd.f32 v8, v11;
	v11 =	vld [tilespmem:$0x1FC50];
	_ =	sdelay $0x4  }
0x292: {  	v4 =	vmul.f32 v4, v11;
	v11 =	vld [tilespmem:$0x1FC60];
	_ =	sdelay $0x2  }
0x293: {  	v14 =	vmov v2;
	v2 =	vld [tilespmem:s9+$0xFFFFFFF0];
	[tilespmem:$0x1FC80] =	vst v12  }
0x294: {  	[tilespmem:s29+$0xFFFFFFF0] =	vst v8;
	v8 =	vadd.f32 v19, v9;
	v19 =	vmul.f32 $3.200000000e+01, v12;
	v12 =	vld [tilespmem:$0x1FCC0]  }
0x295: {  	v3 =	vmul.f32 v3, v11;
	v11 =	vld [tilespmem:$0x1FC70];
	_ =	sdelay $0x4  }
0x296: {  	v21 =	vmul.f32 v21, v0;
	v6 =	vmul.f32 v6, v11;
	v11 =	vmov v12;
	_ =	sdelay $0x1  }
0x297: {  	v24 =	vadd.f32 v26, v24;
	v21 =	vadd.f32 v21, v25  }
0x298: {  	v25 =	vmul.f32 $3.200000000e+01, v20;
	v10 =	vadd.f32 v13, v10;
	v13 =	vld.idx.msk [tilespmem:v43+s18+$0x0], $0xffff;
	[tilespmem:$0x1FBF0] =	vst v11;
	v11 =	vmov v29  }
0x299: {  	v16 =	vmovc v2;
	v21 =	vadd.f32 v21, v24;
	v7 =	vadd.f32 v23, v7;
	v23 =	vmul.f32 $3.200000000e+01, v2;
	v2 =	vmovc v0  }
0x29a: {  	v24 =	vld.idx.msk [tilespmem:v48+s18+$0x0], $0xffff;
	[tilespmem:$0x1FBC0] =	vst v2  }
0x29b: {  	v25 =	vmin.f32 v25, $3.199999620e+01;
	v10 =	vadd.f32 v21, v10;
	v21 =	vld.idx.msk [tilespmem:v44+s18+$0x0], $0xffff;
	[tilespmem:$0x1FC70] =	vst v11;
	v11 =	vmov v40  }
0x29c: {  	v0 =	vmov v47;
	v2 =	vtrunc.f32 v25;
	v9 =	vmul.f32 $3.200000000e+01, v5;
	[tilespmem:$0x1FC20] =	vst v11;
	v11 =	vld [tilespmem:$0x1FD00]  }
0x29d: {  	v26 =	vld.idx.msk [tilespmem:v45+s18+$0x0], $0xffff;
	[tilespmem:$0x1FBB0] =	vst v0;
	v0 =	vmin.f32 v23, $3.199999620e+01;
	v13 =	vmul.f32 v13, v33;
	v59 =	vmin.f32 v19, $3.199999620e+01  }
0x29e: {  	v23 =	vtrunc.f32 v59;
	v4 =	vadd.f32 v4, v22;
	v22 =	vmin.f32 v9, $3.199999620e+01;
	v9 =	vld.idx.msk [tilespmem:v41+s18+$0x0], $0xffff  }
0x29f: {  	v42 =	vld.idx.msk [tilespmem:v42+s18+$0x0], $0xffff;
	v23 =	vcvt.f32.s32 v23;
	v19 =	vtrunc.f32 v22  }
0x2a0: {  	v37 =	vld.idx.msk [tilespmem:v37+s18+$0x0], $0xffff;
	v21 =	vmul.f32 v21, v39;
	v19 =	vcvt.f32.s32 v19  }
0x2a1: {  	v36 =	vld.idx.msk [tilespmem:v46+s18+$0x0], $0xffff;
	[tilespmem:$0x1FCC0] =	vst v16;
	v16 =	vmovc v63;
	v63 =	vcvt.s32.f32 v23;
	v10 =	vadd.f32 v10, v11;
	v11 =	vmov v61  }
0x2a2: {  	v62 =	vcvt.s32.f32 v19;
	v19 =	vmul.u32 $0x441, v19;
	v3 =	vadd.f32 v6, v3;
	v6 =	vld [tilespmem:s9+$0x3F0];
	[tilespmem:$0x1FC40] =	vst v11  }
0x2a3: {  	v39 =	vmul.f32 v9, v31;
	v61 =	vcvt.f32.s32 v2;
	v11 =	vld [tilespmem:s9+$0xFFFFFBF0];
	[tilespmem:s0+$0xFFFFFBF0] =	vst v10;
	v10 =	vmul.u32 $0x21, v23  }
0x2a4: {  	v23 =	vmul.f32 v24, v32;
	v24 =	vmul.f32 v26, v38  }
0x2a5: {  	v26 =	vadd.f32 v8, v7;
	v7 =	vadd.s32 v19, v10;
	v19 =	vmul.f32 v42, v34  }
0x2a6: {  	v48 =	vadd.s32 v61, v7;
	v7 =	vmul.f32 v36, v30;
	v30 =	vmul.f32 v37, v35  }
0x2a7: {  	v23 =	vadd.f32 v13, v23;
	v21 =	vadd.f32 v21, v24  }
0x2a8: {  	v24 =	vadd.f32 v39, v19;
	v30 =	vadd.f32 v30, v7  }
0x2a9: {  	[tilespmem:$0x1FD00] =	vst v11;
	v32 =	vmul.f32 $3.200000000e+01, v11;
	v11 =	vld [tilespmem:$0x1FC90]  }
0x2aa: {  	v21 =	vadd.f32 v21, v23;
	v23 =	vadd.f32 v30, v24;
	_ =	sdelay $0x1  }
0x2ab: {  	v21 =	vadd.f32 v23, v21;
	_ =	sdelay $0x1  }
0x2ac: {  	v21 =	vadd.f32 v21, v11;
	v11 =	vmov v20  }
0x2ad: {  	[tilespmem:$0x1FC90] =	vst v11;
	v11 =	vld [tilespmem:$0x1FCF0];
	_ =	sdelay $0x7  }
0x2ae: {  	v11 =	vld.idx.msk [tilespmem:v11+s18+$0x0], $0xffff;
	_ =	sdelay $0x4  }
0x2af: {  	[tilespmem:$0x1FBD0] =	vst v11;
	v11 =	vmov v58  }
0x2b0: {  	[tilespmem:$0x1FCF0] =	vst v11;
	v11 =	vld [tilespmem:$0x1FD10];
	_ =	sdelay $0x7  }
0x2b1: {  	v11 =	vld.idx.msk [tilespmem:v11+s18+$0x0], $0xffff;
	_ =	sdelay $0x1  }
0x2b2: {  	v12 =	vmov v27  }
0x2b3: {  	v43 =	vadd.s32 $0x441, v48  }
0x2b4: {  	[tilespmem:$0x1FC30] =	vst v12;
	v45 =	vadd.s32 $0x21, v48  }
0x2b5: {  	v12 =	vmov v28;
	[tilespmem:$0x1FCB0] =	vst v11;
	v11 =	vld [tilespmem:$0x1FBE0]  }
0x2b6: {  	[tilespmem:$0x1FC50] =	vst v12;
	v3 =	vadd.f32 v3, v4;
	v12 =	vld [tilespmem:$0x1FC00];
	v44 =	vadd.s32 $0x462, v48  }
0x2b7: {  	v15 =	vmov v49;
	v31 =	vcvt.s32.f32 v61;
	v42 =	vadd.s32 $0x1, v48;
	v49 =	vld.idx.msk [tilespmem:v48+s4+$0x0], $0xffff  }
0x2b8: {  	v18 =	vmov v51;
	v3 =	vadd.f32 v3, v26;
	v41 =	vadd.s32 $0x442, v48;
	v51 =	vld.idx.msk [tilespmem:v43+s4+$0x0], $0xffff  }
0x2b9: {  	v25 =	vsub.f32 v25, v31;
	v61 =	vld.idx.msk [tilespmem:v45+s4+$0x0], $0xffff  }
0x2ba: {  	v22 =	vsub.f32 v22, v62;
	v28 =	vadd.f32 v3, v11;
	v11 =	vld [tilespmem:$0x1FD20]  }
0x2bb: {  	v40 =	vsub.f32 $1.000000000e+00, v25;
	v24 =	vsub.f32 v59, v63;
	v62 =	vld.idx.msk [tilespmem:v44+s4+$0x0], $0xffff;
	v20 =	vmul.f32 $3.200000000e+01, v6  }
0x2bc: {  	v59 =	vld.idx.msk [tilespmem:v42+s4+$0x0], $0xffff  }
0x2bd: {  	v29 =	vld.idx.msk [tilespmem:v41+s4+$0x0], $0xffff;
	[tilespmem:s0+$0x400] =	vst v21;
	v21 =	vmin.f32 v20, $3.199999620e+01;
	v20 =	vmul.f32 v40, v24;
	_ =	sdelay $0x1  }
0x2be: {  	v34 =	vsub.f32 $1.000000000e+00, v22;
	_ =	sdelay $0x1  }
0x2bf: {  	v38 =	vmul.f32 v20, v34;
	v39 =	vmul.f32 v20, v22;
	v20 =	vmov v12;
	v12 =	vld [tilespmem:$0x1FCA0]  }
0x2c0: {  	v11 =	vld.idx.msk [tilespmem:v11+s18+$0x0], $0xffff;
	_ =	sdelay $0x2  }
0x2c1: {  	v2 =	vmov v60  }
0x2c2: {  	[tilespmem:$0x1FC60] =	vst v2;
	v2 =	vld.idx.msk [tilespmem:v58+s17+$0x0], $0xffff  }
0x2c3: {  	v17 =	vmov v1;
	v1 =	vld.idx.msk [tilespmem:v57+s17+$0x0], $0xffff;
	[tilespmem:$0x1FCD0] =	vst v11;
	v11 =	vmov v12  }
0x2c4: {  	[tilespmem:$0x1FC00] =	vst v11;
	v11 =	vld [tilespmem:$0x1FD30]  }
0x2c5: {  	v8 =	vld.idx.msk [tilespmem:v54+s17+$0x0], $0xffff;
	v46 =	vadd.s32 $0x22, v48  }
0x2c6: {  	v9 =	vld.idx.msk [tilespmem:v52+s17+$0x0], $0xffff;
	v37 =	vadd.s32 $0x463, v48;
	v3 =	vmov v6  }
0x2c7: {  	v23 =	vsub.f32 $1.000000000e+00, v24;
	[tilespmem:$0x1FCA0] =	vst v3;
	v3 =	vld [tilespmem:$0x1FD40]  }
0x2c8: {  	v47 =	vtrunc.f32 v0;
	v10 =	vld.idx.msk [tilespmem:v55+s17+$0x0], $0xffff  }
0x2c9: {  	v47 =	vcvt.f32.s32 v47;
	v13 =	vld.idx.msk [tilespmem:v53+s17+$0x0], $0xffff;
	v4 =	vmul.f32 v40, v23  }
0x2ca: {  	v31 =	vmul.f32 v25, v24;
	v23 =	vmul.f32 v25, v23;
	v24 =	vld.idx.msk [tilespmem:v46+s4+$0x0], $0xffff  }
0x2cb: {  	v27 =	vmin.f32 v32, $3.199999620e+01;
	v32 =	vmul.f32 v4, v34;
	v33 =	vmul.f32 v4, v22;
	v4 =	vld.idx.msk [tilespmem:v37+s4+$0x0], $0xffff  }
0x2cc: {  	v36 =	vmul.f32 v31, v34;
	v35 =	vmul.f32 v31, v22;
	v11 =	vld.idx.msk [tilespmem:v11+s18+$0x0], $0xffff  }
0x2cd: {  	v19 =	vld.idx.msk [tilespmem:v50+s17+$0x0], $0xffff;
	v31 =	vmul.f32 v23, v22;
	v34 =	vmul.f32 v23, v34  }
0x2ce: {  	v7 =	vld.idx.msk [tilespmem:v56+s17+$0x0], $0xffff;
	v22 =	vmul.f32 v32, v49;
	v23 =	vmul.f32 v33, v51;
	[tilespmem:s28+$0x3F0] =	vst v28  }
0x2cf: {  	v29 =	vmul.f32 v31, v29;
	v25 =	vmul.f32 v38, v61;
	[tilespmem:$0x1FBE0] =	vst v20;
	v20 =	vld.idx.msk [tilespmem:v3+s18+$0x0], $0xffff;
	v3 =	vmov v54  }
0x2d0: {  	v26 =	vmul.f32 v39, v62;
	v24 =	vmul.f32 v36, v24;
	[tilespmem:$0x1FD20] =	vst v3;
	v3 =	vld [tilespmem:$0x1FD50]  }
0x2d1: {  	v6 =	vmul.f32 v34, v59;
	[tilespmem:$0x1FCE0] =	vst v11;
	v11 =	vmov v57;
	v57 =	vmul.f32 v4, v35  }
0x2d2: {  	v1 =	vmul.f32 v1, v14;
	v22 =	vadd.f32 v23, v22;
	v23 =	vadd.f32 v26, v25  }
0x2d3: {  	v8 =	vmul.f32 v8, v15;
	v26 =	vadd.f32 v29, v6;
	v24 =	vadd.f32 v57, v24  }
0x2d4: {  	v62 =	vld [tilespmem:$0x1FBA0];
	v25 =	vtrunc.f32 v21;
	v58 =	vtrunc.f32 v27  }
0x2d5: {  	v22 =	vadd.f32 v23, v22;
	v29 =	vcvt.f32.s32 v58;
	v23 =	vadd.f32 v24, v26  }
0x2d6: {  	v25 =	vcvt.f32.s32 v25;
	v24 =	vcvt.s32.f32 v47  }
0x2d7: {  	v30 =	vld [tilespmem:$0x1FBB0];
	[tilespmem:$0x1FD10] =	vst v11;
	v11 =	vmovc v52;
	v26 =	vmul.u32 $0x441, v29;
	v47 =	vmul.u32 $0x21, v47;
	v22 =	vadd.f32 v23, v22  }
0x2d8: {  	v59 =	vcvt.s32.f32 v25;
	[tilespmem:$0x1FD30] =	vst v11;
	v29 =	vcvt.s32.f32 v29;
	v4 =	vld.idx.msk [tilespmem:v3+s18+$0x0], $0xffff;
	v0 =	vsub.f32 v0, v24  }
0x2d9: {  	v3 =	vmovc v55;
	v23 =	vadd.s32 v26, v47;
	v24 =	vmul.f32 v2, v62;
	v5 =	vadd.f32 v22, v5  }
0x2da: {  	v6 =	vld [tilespmem:$0x1FD70];
	s28 =	smov.u32 s29;
	s29 =	smov.u32 s0;
	s0 =	sadd.s32 $0x20, s0;
	[tilespmem:$0x1FD40] =	vst v3;
	v2 =	vsub.f32 v21, v59;
	v58 =	vadd.s32 v25, v23;
	v23 =	vsub.f32 v27, v29  }
0x2db: {  	v10 =	vmul.f32 v10, v18;
	v13 =	vmul.f32 v13, v16;
	v3 =	vld [tilespmem:$0x1FD60];
	v11 =	vmov v56;
	[tilespmem:s0+$0xFFFFFC00] =	vst v5  }
0x2dc: {  	v19 =	vmul.f32 v19, v17;
	[tilespmem:$0x1FD70] =	vst v11;
	v25 =	vmul.f32 v2, v0;
	v11 =	vsub.f32 $1.000000000e+00, v23;
	v22 =	vld.idx.msk [tilespmem:v48+s17+$0x0], $0xffff  }
0x2dd: {  	v9 =	vmul.f32 v9, v30;
	v21 =	vsub.f32 $1.000000000e+00, v2;
	v5 =	vsub.f32 $1.000000000e+00, v0;
	v26 =	vld.idx.msk [tilespmem:v43+s17+$0x0], $0xffff  }
0x2de: {  	v12 =	vmov v50;
	v24 =	vadd.f32 v1, v24;
	v29 =	vld.idx.msk [tilespmem:v45+s17+$0x0], $0xffff;
	v1 =	vmul.f32 v25, v11  }
0x2df: {  	[tilespmem:$0x1FD60] =	vst v12;
	v57 =	vadd.s32 $0x441, v58;
	v12 =	vld.idx.msk [tilespmem:v44+s17+$0x0], $0xffff;
	v27 =	vmul.f32 v21, v5;
	v21 =	vmul.f32 v21, v0  }
0x2e0: {  	v59 =	vmov v14;
	v14 =	vld.idx.msk [tilespmem:v42+s17+$0x0], $0xffff;
	v40 =	vmul.f32 v2, v5;
	v0 =	vmul.f32 v25, v23  }
0x2e1: {  	v47 =	vmul.f32 v21, v23;
	v49 =	vmul.f32 v21, v11;
	v21 =	vld.idx.msk [tilespmem:v41+s17+$0x0], $0xffff  }
0x2e2: {  	v2 =	vmul.f32 v27, v23;
	v63 =	vmul.f32 v40, v23;
	v23 =	vld.idx.msk [tilespmem:v46+s17+$0x0], $0xffff  }
0x2e3: {  	v55 =	vadd.s32 $0x1, v58;
	v5 =	vmul.f32 v27, v11;
	v51 =	vmul.f32 v40, v11;
	v11 =	vld.idx.msk [tilespmem:v37+s17+$0x0], $0xffff  }
0x2e4: {  	v28 =	vmovc v53;
	v53 =	vadd.s32 $0x442, v58;
	v25 =	vld.idx.msk [tilespmem:v57+s4+$0x0], $0xffff;
	v29 =	vmul.f32 v29, v38;
	v12 =	vmul.f32 v12, v39  }
0x2e5: {  	v8 =	vadd.f32 v9, v8;
	v54 =	vadd.s32 $0x21, v58;
	v50 =	vadd.s32 $0x22, v58  }
0x2e6: {  	v22 =	vmul.f32 v22, v32;
	v26 =	vmul.f32 v26, v33;
	v12 =	vadd.f32 v12, v29;
	v29 =	vld [tilespmem:$0x1FBC0]  }
0x2e7: {  	v60 =	vmovc v17;
	v52 =	vadd.s32 $0x462, v58;
	v14 =	vmul.f32 v14, v34;
	v17 =	vmul.f32 v21, v31  }
0x2e8: {  	[tilespmem:$0x1FD50] =	vst v28;
	v28 =	vmov v16;
	v16 =	vld.idx.msk [tilespmem:v55+s4+$0x0], $0xffff;
	v23 =	vmul.f32 v23, v36;
	v11 =	vmul.f32 v11, v35  }
0x2e9: {  	v9 =	vadd.f32 v13, v10;
	v13 =	vld.idx.msk [tilespmem:v53+s4+$0x0], $0xffff;
	v10 =	vmul.f32 v2, v25;
	v25 =	vadd.f32 v26, v22  }
0x2ea: {  	v61 =	vmov v18;
	v18 =	vld.idx.msk [tilespmem:v50+s4+$0x0], $0xffff;
	v14 =	vadd.f32 v17, v14;
	v11 =	vadd.f32 v11, v23  }
0x2eb: {  	v27 =	vld.idx.msk [tilespmem:v54+s4+$0x0], $0xffff;
	v7 =	vmul.f32 v7, v29  }
0x2ec: {  	v40 =	vmov v15;
	v15 =	vld.idx.msk [tilespmem:v52+s4+$0x0], $0xffff;
	v12 =	vadd.f32 v12, v25;
	v11 =	vadd.f32 v11, v14  }
0x2ed: {  	v19 =	vadd.f32 v7, v19;
	v7 =	vld [tilespmem:$0x1FD80]  }
0x2ee: {  	s1 =	sadd.s32 $0x2, s1;
	v23 =	vadd.f32 v11, v12;
	v11 =	vld [tilespmem:$0x1FBD0]  }
0x2ef: {  	p0 =	slt.u32 s1, $0x3E;
	v56 =	vadd.s32 $0x463, v58  }
.Ltmp4:
0x2f0: {  	v27 =	vmul.f32 v49, v27;
	(pc) =	sbr.rel @p0 .LBB2_9-.Ltmp4, $4  }
0x2f1: {  	v6 =	vld.idx.msk [tilespmem:v6+s18+$0x0], $0xffff;
	v8 =	vadd.f32 v8, v24;
	v24 =	vmul.f32 v51, v16  }
0x2f2: {  	v3 =	vld.idx.msk [tilespmem:v3+s18+$0x0], $0xffff;
	v26 =	vmul.f32 v63, v13;
	v15 =	vmul.f32 v47, v15  }
0x2f3: {  	v22 =	vld.idx.msk [tilespmem:v58+s4+$0x0], $0xffff;
	v25 =	vmul.f32 v1, v18;
	v7 =	vmul.f32 v11, v7;
	v11 =	vmov v62  }
0x2f4: {  	s9 =	sadd.s32 $0x20, s9;
	v21 =	vld.idx.msk [tilespmem:v56+s4+$0x0], $0xffff;
	v13 =	vadd.f32 v15, v27;
	v27 =	vmovc v30;
	v30 =	vmov v36;
	v36 =	vmov v20;
	[tilespmem:$0x1FD80] =	vst v11  }
0x2f5: {  	_ =	sdelay $0x3  }
0x2f6: {  	v12 =	vmul.f32 v5, v22;
	v11 =	vmul.f32 v21, v0  }
0x2f7: {  	v14 =	vadd.f32 v26, v24;
	v22 =	vld [tilespmem:$0x1FC80]  }
0x2f8: {  	v10 =	vadd.f32 v10, v12;
	v11 =	vadd.f32 v11, v25;
	_ =	sdelay $0x1  }
0x2f9: {  	v10 =	vadd.f32 v13, v10;
	v11 =	vadd.f32 v11, v14;
	_ =	sdelay $0x1  }
0x2fa: {  	v10 =	vadd.f32 v11, v10;
	v11 =	vadd.f32 v23, v22;
	v23 =	vld [tilespmem:$0x1FD00];
	_ =	sdelay $0x1  }
0x2fb: {  	[tilespmem:s0+$0x0] =	vst v11  }
0x2fc: {  	v9 =	vadd.f32 v19, v9;
	v19 =	vld.idx.msk [tilespmem:v43+s18+$0x0], $0xffff  }
0x2fd: {  	v20 =	vld.idx.msk [tilespmem:v45+s18+$0x0], $0xffff  }
0x2fe: {  	v8 =	vadd.f32 v9, v8;
	v9 =	vld.idx.msk [tilespmem:v44+s18+$0x0], $0xffff;
	v10 =	vadd.f32 v10, v23  }
0x2ff: {  	v21 =	vld.idx.msk [tilespmem:v42+s18+$0x0], $0xffff  }
0x300: {  	[tilespmem:s0+$0xFFFFFBF0] =	vst v10;
	v10 =	vld.idx.msk [tilespmem:v48+s18+$0x0], $0xffff  }
0x301: {  	v26 =	vld.idx.msk [tilespmem:v54+s17+$0x0], $0xffff  }
0x302: {  	v48 =	vld.idx.msk [tilespmem:v52+s17+$0x0], $0xffff  }
0x303: {  	v15 =	vld.idx.msk [tilespmem:v55+s17+$0x0], $0xffff  }
0x304: {  	v16 =	vld.idx.msk [tilespmem:v53+s17+$0x0], $0xffff  }
0x305: {  	v62 =	vld [tilespmem:$0x1FBF0]  }
0x306: {  	v24 =	vld.idx.msk [tilespmem:v58+s17+$0x0], $0xffff  }
0x307: {  	v25 =	vld.idx.msk [tilespmem:v57+s17+$0x0], $0xffff  }
0x308: {  	v22 =	vld.idx.msk [tilespmem:v41+s18+$0x0], $0xffff  }
0x309: {  	v17 =	vld.idx.msk [tilespmem:v50+s17+$0x0], $0xffff;
	v13 =	vmul.f32 v26, v49;
	v14 =	vmul.f32 v48, v47  }
0x30a: {  	v18 =	vld.idx.msk [tilespmem:v56+s17+$0x0], $0xffff;
	v15 =	vmul.f32 v15, v51;
	v16 =	vmul.f32 v16, v63;
	v8 =	vadd.f32 v8, v62  }
0x30b: {  	v11 =	vmul.f32 v24, v5;
	v24 =	vadd.f32 v14, v13;
	v13 =	vld.idx.msk [tilespmem:v46+s18+$0x0], $0xffff  }
0x30c: {  	v12 =	vmul.f32 v25, v2;
	[tilespmem:s29+$0xFFFFFFF0] =	vst v8;
	v25 =	vadd.f32 v16, v15;
	v15 =	vld.idx.msk [tilespmem:v37+s18+$0x0], $0xffff  }
0x30d: {  	v41 =	vld [tilespmem:$0x1FCF0]  }
0x30e: {  	v42 =	vld [tilespmem:$0x1FD10]  }
0x30f: {  	v43 =	vld [tilespmem:$0x1FC10]  }
0x310: {  	v44 =	vld [tilespmem:$0x1FCB0]  }
0x311: {  	v45 =	vld [tilespmem:$0x1FC20]  }
0x312: {  	v17 =	vmul.f32 v17, v1;
	v18 =	vmul.f32 v18, v0;
	v46 =	vld [tilespmem:$0x1FCD0]  }
0x313: {  	v48 =	vld [tilespmem:$0x1FD20]  }
0x314: {  	v26 =	vadd.f32 v18, v17;
	v62 =	vld [tilespmem:$0x1FC30]  }
0x315: {  	v37 =	vld [tilespmem:$0x1FCE0]  }
0x316: {  	v8 =	vadd.f32 v26, v25;
	v26 =	vld [tilespmem:$0x1FD60]  }
0x317: {  	v14 =	vmul.f32 v44, v43;
	v43 =	vld [tilespmem:$0x1FC50]  }
0x318: {  	v44 =	vld [tilespmem:$0x1FC60]  }
0x319: {  	v17 =	vmul.f32 v46, v45;
	v45 =	vld [tilespmem:$0x1FD40]  }
0x31a: {  	v23 =	vmul.f32 v37, v62;
	v62 =	vld [tilespmem:$0x1FD50]  }
0x31b: {  	v11 =	vadd.f32 v12, v11;
	v12 =	vld.idx.msk [tilespmem:v42+s18+$0x0], $0xffff  }
0x31c: {  	v18 =	vld.idx.msk [tilespmem:v48+s18+$0x0], $0xffff  }
0x31d: {  	v42 =	vld [tilespmem:$0x1FD30]  }
0x31e: {  	v48 =	vld [tilespmem:$0x1FCC0]  }
0x31f: {  	v11 =	vadd.f32 v24, v11;
	v46 =	vld [tilespmem:$0x1FC70]  }
0x320: {  	v16 =	vld.idx.msk [tilespmem:v41+s18+$0x0], $0xffff  }
0x321: {  	v8 =	vadd.f32 v8, v11;
	v41 =	vld [tilespmem:$0x1FC40]  }
0x322: {  	v17 =	vadd.f32 v23, v17;
	v23 =	vld.idx.msk [tilespmem:v26+s18+$0x0], $0xffff  }
0x323: {  	v25 =	vld.idx.msk [tilespmem:v45+s18+$0x0], $0xffff;
	v8 =	vadd.f32 v8, v48  }
0x324: {  	v7 =	vadd.f32 v14, v7;
	v14 =	vld.idx.msk [tilespmem:v62+s18+$0x0], $0xffff  }
0x325: {  	[tilespmem:s0+$0xFFFFFFF0] =	vst v8;
	v11 =	vld.idx.msk [tilespmem:v42+s18+$0x0], $0xffff  }
0x326: {  	v19 =	vmul.f32 v19, v33;
	v20 =	vmul.f32 v20, v38;
	v8 =	vld [tilespmem:$0x1FD70]  }
0x327: {  	v9 =	vmul.f32 v9, v39;
	v22 =	vmul.f32 v22, v31;
	v31 =	vld.idx.msk [tilespmem:v58+s18+$0x0], $0xffff  }
0x328: {  	v21 =	vmul.f32 v21, v34;
	v10 =	vmul.f32 v10, v32;
	v34 =	vld.idx.msk [tilespmem:v57+s18+$0x0], $0xffff  }
0x329: {  	v33 =	vmul.f32 v15, v35;
	v35 =	vld.idx.msk [tilespmem:v54+s18+$0x0], $0xffff  }
0x32a: {  	v9 =	vadd.f32 v9, v20;
	v10 =	vadd.f32 v19, v10;
	v37 =	vld.idx.msk [tilespmem:v52+s18+$0x0], $0xffff  }
0x32b: {  	v3 =	vmul.f32 v3, v44;
	v6 =	vmul.f32 v6, v46;
	v38 =	vld.idx.msk [tilespmem:v55+s18+$0x0], $0xffff  }
0x32c: {  	v9 =	vadd.f32 v9, v10;
	v32 =	vmul.f32 v13, v30;
	v7 =	vadd.f32 v17, v7;
	v39 =	vld [tilespmem:$0x1FD80]  }
0x32d: {  	v4 =	vmul.f32 v4, v43;
	v3 =	vadd.f32 v6, v3;
	v24 =	vmul.f32 v36, v41;
	v41 =	vld.idx.msk [tilespmem:v53+s18+$0x0], $0xffff  }
0x32e: {  	v6 =	vadd.f32 v33, v32;
	v36 =	vadd.f32 v22, v21;
	v43 =	vld.idx.msk [tilespmem:v50+s18+$0x0], $0xffff  }
0x32f: {  	v12 =	vmul.f32 v12, v59;
	v46 =	vmul.f32 v23, v60;
	v4 =	vadd.f32 v4, v24;
	v45 =	vld.idx.msk [tilespmem:v56+s18+$0x0], $0xffff  }
0x330: {  	v6 =	vadd.f32 v6, v36;
	v42 =	vmul.f32 v18, v40;
	v60 =	vld [tilespmem:$0x1FC90];
	v44 =	vmul.f32 v25, v61  }
0x331: {  	v3 =	vadd.f32 v3, v4;
	v14 =	vmul.f32 v14, v28;
	v61 =	vld [tilespmem:$0x1FBE0];
	v16 =	vmul.f32 v16, v39  }
0x332: {  	v6 =	vadd.f32 v6, v9;
	v11 =	vmul.f32 v11, v27;
	v48 =	vmul.f32 v31, v5;
	v8 =	vld.idx.msk [tilespmem:v8+s18+$0x0], $0xffff  }
0x333: {  	v3 =	vadd.f32 v3, v7;
	v50 =	vmul.f32 v34, v2;
	v52 =	vmul.f32 v35, v49  }
0x334: {  	v9 =	vadd.f32 v14, v44;
	v13 =	vmul.f32 v37, v47;
	v10 =	vmul.f32 v38, v51  }
0x335: {  	v53 =	vmul.f32 v41, v63;
	v54 =	vmul.f32 v43, v1;
	v5 =	vadd.f32 v6, v60  }
0x336: {  	v55 =	vmul.f32 v45, v0;
	v12 =	vadd.f32 v12, v16;
	v3 =	vadd.f32 v3, v61  }
0x337: {  	v2 =	vadd.f32 v50, v48;
	v56 =	vadd.f32 v13, v52;
	[tilespmem:s0+$0x400] =	vst v5;
	v8 =	vmul.f32 v8, v29  }
0x338: {  	v57 =	vadd.f32 v53, v10;
	v0 =	vadd.f32 v55, v54;
	v62 =	vld [tilespmem:$0x1FC00];
	[tilespmem:s28+$0x3F0] =	vst v3  }
0x339: {  	v4 =	vadd.f32 v11, v42;
	v63 =	vld [tilespmem:$0x1FCA0];
	v7 =	vadd.f32 v8, v46  }
0x33a: {  	v2 =	vadd.f32 v56, v2;
	v0 =	vadd.f32 v0, v57  }
0x33b: {  	v58 =	vadd.f32 v4, v12;
	v59 =	vadd.f32 v7, v9  }
0x33c: {  	s25 =	sadd.s32 $0x1, s25;
	v0 =	vadd.f32 v0, v2  }
0x33d: {  	p0 =	sne.s32 s25, $0x10;
	v1 =	vadd.f32 v59, v58  }
.Ltmp5:
0x33e: {  	v0 =	vadd.f32 v0, v63;
	(pc) =	sbr.rel @p0 .LBB2_2-.Ltmp5, $4  }
0x33f: {  	v1 =	vadd.f32 v1, v62  }
0x340: {  	[tilespmem:s0+$0x3F0] =	vst v0  }
0x341: {  	s31 =	sadd.s32 s3, s26;
	[tilespmem:s29+$0x3F0] =	vst v1  }
0x342: {  	[hbm4b:s31+s11] =	stream.strided.scatter [tilespmem:s22], [sflag:$0x5], $0xC00, s12, s11, $0x38;
	[tilespmem:$0x1D580] =	vst v63  }
0x343: {  	s24 =	sadd.s32 $0x1, s24  }
0x344: {  	_ =	swait.ge [sflag:s23], $0xC00;
	p0 =	sne.s32 s24, s8  }
.Ltmp6:
0x345: {  	[sflag:s23] =	ssyncset.done $0x0;
	(pc) =	sbr.rel @p0 .LBB2_1-.Ltmp6, $4  }
0x346: {  	[sflag:s23] =	ssyncadd.s32 $0xFFFFF400  }
0x347: {  	_ =	swait.ge [sflag:s21], $0xC00  }
0x348: {  	[sflag:s21] =	ssyncset.done $0x0  }
0x349: {  	[sflag:s21] =	ssyncadd.s32 $0xFFFFF400  }
0x34a: {  	_ =	sfence.sel $0x180000  }
0x34b: {  	[bflag:$0x0] =	sbarrier.arrive $0xFFFF  }
0x34c: {  	_ =	strace $0x90000047  }
0x34d: {  	s0 =	stileid.u32;
	[bflag:$0x2] =	sbarrier.arrive $0xFFFF  }
0x34e: {  	p0 =	sne.s32 s0, $0x0;
	s0 =	rddreg [dreg:$0x3]  }
0x34f: {  	s0 =	sadd.s32 @!p0 $0x100000, s0  }
0x350: {  	[sflag:s0] =	ssyncadd.tile.s32 @!p0 $0x1;
	_ =	shalt  }
.Lfunc_end2:
_tile_overlayer_lowered:
.L_overlay_start_2:
0x351: {  	(tag) =	ssettag $0x2  }
0x352: {  	s0 =	rddreg [dreg:$0x0];
	s2 =	stileid.u32  }
0x353: {  	s1 =	rddreg [dreg:$0x1];
	p0 =	sne.s32 s2, $0x0  }
0x354: {  	s3 =	rddreg [dreg:$0x2];
	[bflag:$0x3] =	sbarrier.arrive $0xFFFF;
	s2 =	simm.s32 @!p0 $0x1C06  }
0x355: {  	[timem:s3], [sflag:s2] =	dma.local @!p0 [hbm:s0], s1  }
0x356: {  	s0 =	simm.s32 @!p0 $0x6  }
0x357: {  	_ =	swait.ge @!p0 [sflag:s0], s1  }
0x358: {  	s1 =	ssub.s32 @!p0 $0x0, s1;
	[sflag:s0] =	ssyncset.done @!p0 $0x0  }
0x359: {  	[sflag:s0] =	ssyncadd.s32 @!p0 s1  }
0x35a: {  	[bflag:$0x3] =	sbarrier.arrive $0xFFFF  }
0x35b: {  	_ =	shalt  }

</sc_bundles>
